<compile_context>
chip_gen: v7x
topology: tpu7x:2x2x1
jax: 0.10.2.dev20260603
libtpu: 0.0.44.dev20260713+nightly
codegen_flags: <defaults>
</compile_context>

<pallas_src>
import functools

import jax
import jax.numpy as jnp
from jax import lax
from jax.experimental import pallas as pl
from jax.experimental.pallas import tpu as pltpu
from jax.experimental.pallas import tpu_sc as plsc

N = 10000
NP = 10240
E = 320000
D = 128

NC = 2
NS = 16
NW = NC * NS
K = 128
CH = 80
EPAD = NW * CH * K
RPT = NP // NS
RING = 2
IR = 4
DRAIN = 16
BN = 2048

_MESH = dict(core_axis_name="c", subcore_axis_name="s")



def _sc_degree(dst_r, onesD, zerosD):

    @functools.partial(
        pl.kernel,
        mesh=plsc.VectorSubcoreMesh(**_MESH),
        out_type=jax.ShapeDtypeStruct((NC, NP, D), jnp.float32),
        scratch_types=[
            pltpu.VMEM((CH, K), jnp.int32),
            pltpu.VMEM((K, D), jnp.float32),
            pltpu.VMEM_SHARED((NP, D), jnp.float32),
            pltpu.SemaphoreType.DMA,
        ],
    )
    def k(dst_hbm, ones_hbm, zeros_hbm, out_hbm, dstbuf, onesbuf, acc, sem):
        cid = lax.axis_index("c")
        sid = lax.axis_index("s")
        wid = sid * NC + cid
        pltpu.sync_copy(dst_hbm.at[wid], dstbuf)
        pltpu.sync_copy(ones_hbm, onesbuf)
        r0 = sid * RPT
        pltpu.sync_copy(zeros_hbm, acc.at[pl.ds(r0, RPT)])
        plsc.subcore_barrier()

        def body(it, carry):
            j0 = it * DRAIN
            handles = [
                pltpu.async_copy(onesbuf, acc.at[dstbuf.at[j0 + b]], sem,
                                 add=True)
                for b in range(DRAIN)
            ]
            for h in handles:
                h.wait()
            return carry

        lax.fori_loop(0, CH // DRAIN, body, 0)
        for j in range(CH - CH % DRAIN, CH):
            pltpu.sync_copy(onesbuf, acc.at[dstbuf.at[j]], add=True)
        plsc.subcore_barrier()
        pltpu.sync_copy(acc.at[pl.ds(r0, RPT)], out_hbm.at[cid].at[pl.ds(r0, RPT)])

    return k(dst_r, onesD, zerosD)


def _sc_scatter(g, src_r, dst_r, zerosD):

    @functools.partial(
        pl.kernel,
        mesh=plsc.VectorSubcoreMesh(**_MESH),
        out_type=jax.ShapeDtypeStruct((NC, NP, D), jnp.float32),
        scratch_types=(
            [pltpu.VMEM((CH, K), jnp.int32)]
            + [pltpu.VMEM((K,), jnp.int32) for _ in range(IR)]
            + [pltpu.VMEM((K, D), jnp.float32) for _ in range(RING)]
            + [pltpu.VMEM_SHARED((NP, D), jnp.float32)]
            + [pltpu.SemaphoreType.DMA for _ in range(RING + IR)]
        ),
    )
    def k(g_hbm, src_hbm, dst_hbm, zeros_hbm, out_hbm, dstbuf, *rest):
        sidx = rest[:IR]
        rows = rest[IR:IR + RING]
        acc = rest[IR + RING]
        gsem = rest[IR + RING + 1:IR + RING + 1 + RING]
        isem = rest[IR + RING + 1 + RING:]
        cid = lax.axis_index("c")
        sid = lax.axis_index("s")
        wid = sid * NC + cid
        pltpu.sync_copy(dst_hbm.at[wid], dstbuf)
        r0 = sid * RPT
        pltpu.sync_copy(zeros_hbm, acc.at[pl.ds(r0, RPT)])
        plsc.subcore_barrier()

        src_my = src_hbm.at[wid]
        for b in range(IR):
            pltpu.async_copy(src_my.at[b], sidx[b], isem[b])
        for b in range(RING):
            pltpu.make_async_copy(src_my.at[b], sidx[b], isem[b]).wait()
            pltpu.async_copy(g_hbm.at[sidx[b]], rows[b], gsem[b])

        def body(it, carry):
            j0 = it * IR
            for b in range(IR):
                j = j0 + b
                pltpu.make_async_copy(g_hbm.at[pl.ds(0, K)], rows[b % RING],
                                      gsem[b % RING]).wait()
                pltpu.sync_copy(rows[b % RING], acc.at[dstbuf.at[j]],
                                add=True)
                pltpu.async_copy(src_my.at[j + IR], sidx[b], isem[b])
                b2 = (b + RING) % IR
                pltpu.make_async_copy(src_my.at[0], sidx[b2], isem[b2]).wait()
                pltpu.async_copy(g_hbm.at[sidx[b2]], rows[b % RING],
                                 gsem[b % RING])
            return carry

        lax.fori_loop(0, (CH - IR) // IR, body, 0)
        for b in range(IR):
            j = CH - IR + b
            pltpu.make_async_copy(g_hbm.at[pl.ds(0, K)], rows[b % RING],
                                  gsem[b % RING]).wait()
            pltpu.sync_copy(rows[b % RING], acc.at[dstbuf.at[j]], add=True)
            if b < IR - RING:
                b2 = (b + RING) % IR
                pltpu.make_async_copy(src_my.at[0], sidx[b2], isem[b2]).wait()
                pltpu.async_copy(g_hbm.at[sidx[b2]], rows[b % RING],
                                 gsem[b % RING])
        plsc.subcore_barrier()
        pltpu.sync_copy(acc.at[pl.ds(r0, RPT)], out_hbm.at[cid].at[pl.ds(r0, RPT)])

    return k(g, src_r, dst_r, zerosD)



def _tc_mm_scale(x, W1, degp):

    def f(x_ref, w_ref, degp_ref, g_ref, dinv_ref):
        h = jnp.dot(x_ref[...], w_ref[...], preferred_element_type=jnp.float32)
        deg = 1.0 + degp_ref[0, :, 0:1] + degp_ref[1, :, 0:1]
        dinv = lax.rsqrt(deg)
        dinv_ref[...] = dinv
        g_ref[...] = h * dinv

    return pl.pallas_call(
        f,
        grid=(NP // BN,),
        in_specs=[
            pl.BlockSpec((BN, D), lambda i: (i, 0)),
            pl.BlockSpec((D, D), lambda i: (0, 0)),
            pl.BlockSpec((NC, BN, D), lambda i: (0, i, 0)),
        ],
        out_specs=[
            pl.BlockSpec((BN, D), lambda i: (i, 0)),
            pl.BlockSpec((BN, 1), lambda i: (i, 0)),
        ],
        out_shape=[
            jax.ShapeDtypeStruct((NP, D), jnp.float32),
            jax.ShapeDtypeStruct((NP, 1), jnp.float32),
        ],
    )(x, W1, degp)


def _tc_layer1_epilogue_matmul(dinv, p, g1, b1, W2):

    def f(dinv_ref, p_ref, g1_ref, b1_ref, w2_ref, o_ref):
        dinv = dinv_ref[...]
        s = p_ref[0] + p_ref[1] + g1_ref[...]
        m = jnp.maximum(dinv * s + b1_ref[...], 0.0)
        o_ref[...] = dinv * jnp.dot(m, w2_ref[...],
                                    preferred_element_type=jnp.float32)

    return pl.pallas_call(
        f,
        grid=(NP // BN,),
        in_specs=[
            pl.BlockSpec((BN, 1), lambda i: (i, 0)),
            pl.BlockSpec((NC, BN, D), lambda i: (0, i, 0)),
            pl.BlockSpec((BN, D), lambda i: (i, 0)),
            pl.BlockSpec((1, D), lambda i: (0, 0)),
            pl.BlockSpec((D, D), lambda i: (0, 0)),
        ],
        out_specs=pl.BlockSpec((BN, D), lambda i: (i, 0)),
        out_shape=jax.ShapeDtypeStruct((NP, D), jnp.float32),
    )(dinv, p, g1, b1, W2)


def _tc_final(dinv, q, g2, b2):

    def f(dinv_ref, q_ref, g2_ref, b2_ref, o_ref):
        dinv = dinv_ref[...]
        o_ref[...] = dinv * (q_ref[0] + q_ref[1] + g2_ref[...]) + b2_ref[...]

    BF = N // 5
    return pl.pallas_call(
        f,
        grid=(5,),
        in_specs=[
            pl.BlockSpec((BF, 1), lambda i: (i, 0)),
            pl.BlockSpec((NC, BF, D), lambda i: (0, i, 0)),
            pl.BlockSpec((BF, D), lambda i: (i, 0)),
            pl.BlockSpec((1, D), lambda i: (0, 0)),
        ],
        out_specs=pl.BlockSpec((BF, D), lambda i: (i, 0)),
        out_shape=jax.ShapeDtypeStruct((N, D), jnp.float32),
    )(dinv, q, g2, b2)



def kernel(x, edge_index, W1, b1, W2, b2):
    xp = jnp.pad(x, ((0, NP - N), (0, 0)))
    pad = N + (jnp.arange(EPAD - E, dtype=jnp.int32) % (NP - N))
    src_r = jnp.concatenate([edge_index[0], pad]).reshape(NW, CH, K)
    dst_r = jnp.concatenate([edge_index[1], pad]).reshape(NW, CH, K)
    onesD = jnp.ones((K, D), jnp.float32)
    zerosD = jnp.zeros((RPT, D), jnp.float32)
    b1r = b1.reshape(1, D)
    b2r = b2.reshape(1, D)

    degp = _sc_degree(dst_r, onesD, zerosD)
    g1, dinv = _tc_mm_scale(xp, W1, degp)
    p = _sc_scatter(g1, src_r, dst_r, zerosD)
    g2 = _tc_layer1_epilogue_matmul(dinv, p, g1, b1r, W2)
    q = _sc_scatter(g2, src_r, dst_r, zerosD)
    return _tc_final(dinv, q, g2, b2r)

# --- scband reference (transcript-rebuilt; emitter-appended) ---
"""Pipeline reference for scband-gnn-20779051778699 (READ-ONLY COPY).

The authoritative reference and input builder live on the scoring server;
editing this copy changes nothing except your own understanding.
"""

import jax, jax.numpy as jnp
import numpy as np

N_NODES = 10000
N_EDGES = 320000
D_IN = 128
D_HID = 128
D_OUT = 128


def setup_inputs(seed: int = 0) -> dict:
    key = jax.random.key(seed)
    k1, k2, k3, k4, k5, k6 = jax.random.split(key, 6)
    x = jax.random.normal(k1, (N_NODES, D_IN), dtype=jnp.float32)
    edge_index = jax.random.randint(k2, (2, N_EDGES), 0, N_NODES, dtype=jnp.int32)
    # GCNConv weights (glorot-ish init) and biases
    W1 = jax.random.normal(k3, (D_IN, D_HID), dtype=jnp.float32) * (1.0 / np.sqrt(D_IN))
    b1 = jnp.zeros((D_HID,), dtype=jnp.float32)
    W2 = jax.random.normal(k4, (D_HID, D_OUT), dtype=jnp.float32) * (1.0 / np.sqrt(D_HID))
    b2 = jnp.zeros((D_OUT,), dtype=jnp.float32)
    return {"x": x, "edge_index": edge_index, "W1": W1, "b1": b1, "W2": W2, "b2": b2}


def reference(x, edge_index, W1, b1, W2, b2):
    n = x.shape[0]
    loop = jnp.arange(n, dtype=edge_index.dtype)
    src = jnp.concatenate([edge_index[0], loop])
    dst = jnp.concatenate([edge_index[1], loop])
    # symmetric GCN normalization with self-loops (PyG GCNConv default)
    deg = jax.ops.segment_sum(jnp.ones_like(src, dtype=x.dtype), dst, num_segments=n)
    dinv = jnp.where(deg > 0, deg ** -0.5, 0.0)
    norm = dinv[src] * dinv[dst]

    def conv(h, W, b):
        h = h @ W
        msg = h[src] * norm[:, None]
        out = jax.ops.segment_sum(msg, dst, num_segments=n)
        return out + b

    h = conv(x, W1, b1)
    h = jax.nn.relu(h)
    # dropout with p=0.0 / eval mode -> identity
    out = conv(h, W2, b2)
    return out

if __name__ == "__main__":
    import jax
    _d = setup_inputs()
    print(jax.jit(kernel)(*tuple(_d.values())))

</pallas_src>

<mosaic_0001>
#map = affine_map<(d0, d1) -> (0, 0)>
#map1 = affine_map<(d0, d1) -> (0, 0, 0)>
module attributes {stable_mosaic.version = 14 : i64} {
  func.func @k(%arg0: i32, %arg1: i32, %arg2: memref<10240x128xf32, #tpu.memory_space<hbm>>, %arg3: memref<32x80x128xi32, #tpu.memory_space<hbm>>, %arg4: memref<32x80x128xi32, #tpu.memory_space<hbm>>, %arg5: memref<640x128xf32, #tpu.memory_space<hbm>>, %arg6: memref<2x10240x128xf32, #tpu.memory_space<hbm>>, %arg7: memref<80x128xi32, #tpu.memory_space<vmem>>, %arg8: memref<128xi32, #tpu.memory_space<vmem>>, %arg9: memref<128xi32, #tpu.memory_space<vmem>>, %arg10: memref<128xi32, #tpu.memory_space<vmem>>, %arg11: memref<128xi32, #tpu.memory_space<vmem>>, %arg12: memref<128x128xf32, #tpu.memory_space<vmem>>, %arg13: memref<128x128xf32, #tpu.memory_space<vmem>>, %arg14: memref<10240x128xf32, #tpu.memory_space<vmem_shared>>, %arg15: memref<!tpu.dma_semaphore, #tpu.memory_space<semaphore_mem>>, %arg16: memref<!tpu.dma_semaphore, #tpu.memory_space<semaphore_mem>>, %arg17: memref<!tpu.dma_semaphore, #tpu.memory_space<semaphore_mem>>, %arg18: memref<!tpu.dma_semaphore, #tpu.memory_space<semaphore_mem>>, %arg19: memref<!tpu.dma_semaphore, #tpu.memory_space<semaphore_mem>>, %arg20: memref<!tpu.dma_semaphore, #tpu.memory_space<semaphore_mem>>) attributes {dimension_semantics = [#tpu.dimension_semantics<core_parallel>, #tpu.dimension_semantics<subcore_parallel>], iteration_bounds = array<i64: 2, 16>, scalar_prefetch = 0 : i64, scratch_operands = 14 : i64, tpu.core_type = #tpu.core_type<sc_vector_subcore>, window_params = [{transform_indices = #map}, {transform_indices = #map1}, {transform_indices = #map1}, {transform_indices = #map}, {transform_indices = #map1}]} {
    %mul3A = arith.constant 2 : i32
    %mul3A_0 = arith.muli %arg1, %mul3A : i32
    %add3A = arith.addi %mul3A_0, %arg0 : i32
    "tpu.region"() ({
      %run_scoped3A_166 = tpu.sem_alloc : memref<!tpu.dma_semaphore, #tpu.memory_space<semaphore_mem>>
      %dma_start3A_167 = arith.constant 0 : i32
      %dma_start3A_168 = arith.constant 0 : i32
      %dma_start3A_169 = tpu.memref_slice %arg4[%add3A, %dma_start3A_167, %dma_start3A_168] : memref<32x80x128xi32, #tpu.memory_space<hbm>> -> memref<1x80x128xi32, #tpu.memory_space<hbm>>
      %dma_start3A_170 = tpu.memref_squeeze %dma_start3A_169 : memref<1x80x128xi32, #tpu.memory_space<hbm>> -> memref<80x128xi32, #tpu.memory_space<hbm>>
      %dma_start3A_171 = arith.constant 0 : i32
      %dma_start3A_172 = arith.constant 0 : i32
      %dma_start3A_173 = tpu.memref_slice %arg4[%add3A, %dma_start3A_171, %dma_start3A_172] : memref<32x80x128xi32, #tpu.memory_space<hbm>> -> memref<1x80x128xi32, #tpu.memory_space<hbm>>
      %dma_start3A_174 = tpu.memref_squeeze %dma_start3A_173 : memref<1x80x128xi32, #tpu.memory_space<hbm>> -> memref<80x128xi32, #tpu.memory_space<hbm>>
      tpu.enqueue_dma source(%dma_start3A_174 : memref<80x128xi32, #tpu.memory_space<hbm>>) target(%arg7 : memref<80x128xi32, #tpu.memory_space<vmem>>) target_semaphore(%run_scoped3A_166 : memref<!tpu.dma_semaphore, #tpu.memory_space<semaphore_mem>>)
      %dma_wait3A_175 = arith.constant 0 : i32
      %dma_wait3A_176 = arith.constant 0 : i32
      %dma_wait3A_177 = tpu.memref_slice %arg4[%add3A, %dma_wait3A_175, %dma_wait3A_176] : memref<32x80x128xi32, #tpu.memory_space<hbm>> -> memref<1x80x128xi32, #tpu.memory_space<hbm>>
      %dma_wait3A_178 = tpu.memref_squeeze %dma_wait3A_177 : memref<1x80x128xi32, #tpu.memory_space<hbm>> -> memref<80x128xi32, #tpu.memory_space<hbm>>
      %dma_wait3A_179 = arith.constant 0 : i32
      %dma_wait3A_180 = arith.constant 0 : i32
      %dma_wait3A_181 = tpu.memref_slice %arg4[%add3A, %dma_wait3A_179, %dma_wait3A_180] : memref<32x80x128xi32, #tpu.memory_space<hbm>> -> memref<1x80x128xi32, #tpu.memory_space<hbm>>
      %dma_wait3A_182 = tpu.memref_squeeze %dma_wait3A_181 : memref<1x80x128xi32, #tpu.memory_space<hbm>> -> memref<80x128xi32, #tpu.memory_space<hbm>>
      tpu.wait_dma2 semaphore(%run_scoped3A_166 : memref<!tpu.dma_semaphore, #tpu.memory_space<semaphore_mem>>) src(%dma_wait3A_182 : memref<80x128xi32, #tpu.memory_space<hbm>>) dst(%arg7 : memref<80x128xi32, #tpu.memory_space<vmem>>)
      tpu.yield
    }) : () -> ()
    %mul3A_1 = arith.constant 640 : i32
    %mul3A_2 = arith.muli %arg1, %mul3A_1 : i32
    "tpu.region"() ({
      %run_scoped3A_166 = tpu.sem_alloc : memref<!tpu.dma_semaphore, #tpu.memory_space<semaphore_mem>>
      %dma_start3A_167 = arith.constant 0 : i32
      %dma_start3A_168 = tpu.memref_slice %arg14[%mul3A_2, %dma_start3A_167] : memref<10240x128xf32, #tpu.memory_space<vmem_shared>> -> memref<640x128xf32, #tpu.memory_space<vmem_shared>>
      tpu.enqueue_dma source(%arg5 : memref<640x128xf32, #tpu.memory_space<hbm>>) target(%dma_start3A_168 : memref<640x128xf32, #tpu.memory_space<vmem_shared>>) target_semaphore(%run_scoped3A_166 : memref<!tpu.dma_semaphore, #tpu.memory_space<semaphore_mem>>)
      %dma_wait3A_169 = arith.constant 0 : i32
      %dma_wait3A_170 = tpu.memref_slice %arg14[%mul3A_2, %dma_wait3A_169] : memref<10240x128xf32, #tpu.memory_space<vmem_shared>> -> memref<640x128xf32, #tpu.memory_space<vmem_shared>>
      tpu.wait_dma2 semaphore(%run_scoped3A_166 : memref<!tpu.dma_semaphore, #tpu.memory_space<semaphore_mem>>) src(%arg5 : memref<640x128xf32, #tpu.memory_space<hbm>>) dst(%dma_wait3A_170 : memref<640x128xf32, #tpu.memory_space<vmem_shared>>)
      tpu.yield
    }) : () -> ()
    %barrier3A = arith.constant 0 : index
    tpu.barrier barrier_id(%barrier3A)
    %dma_start3A = arith.constant 0 : i32
    %dma_start3A_3 = arith.constant 0 : i32
    %dma_start3A_4 = arith.constant 0 : i32
    %dma_start3A_5 = tpu.memref_slice %arg3[%add3A, %dma_start3A_3, %dma_start3A_4] : memref<32x80x128xi32, #tpu.memory_space<hbm>> -> memref<1x80x128xi32, #tpu.memory_space<hbm>>
    %dma_start3A_6 = tpu.memref_squeeze %dma_start3A_5 : memref<1x80x128xi32, #tpu.memory_space<hbm>> -> memref<80x128xi32, #tpu.memory_space<hbm>>
    %dma_start3A_7 = arith.constant 0 : i32
    %dma_start3A_8 = tpu.memref_slice %dma_start3A_6[%dma_start3A, %dma_start3A_7] : memref<80x128xi32, #tpu.memory_space<hbm>> -> memref<1x128xi32, #tpu.memory_space<hbm>>
    %dma_start3A_9 = tpu.memref_squeeze %dma_start3A_8 : memref<1x128xi32, #tpu.memory_space<hbm>> -> memref<128xi32, #tpu.memory_space<hbm>>
    %dma_start3A_10 = arith.constant 0 : i32
    %dma_start3A_11 = arith.constant 0 : i32
    %dma_start3A_12 = tpu.memref_slice %arg3[%add3A, %dma_start3A_10, %dma_start3A_11] : memref<32x80x128xi32, #tpu.memory_space<hbm>> -> memref<1x80x128xi32, #tpu.memory_space<hbm>>
    %dma_start3A_13 = tpu.memref_squeeze %dma_start3A_12 : memref<1x80x128xi32, #tpu.memory_space<hbm>> -> memref<80x128xi32, #tpu.memory_space<hbm>>
    %dma_start3A_14 = arith.constant 0 : i32
    %dma_start3A_15 = tpu.memref_slice %dma_start3A_13[%dma_start3A, %dma_start3A_14] : memref<80x128xi32, #tpu.memory_space<hbm>> -> memref<1x128xi32, #tpu.memory_space<hbm>>
    %dma_start3A_16 = tpu.memref_squeeze %dma_start3A_15 : memref<1x128xi32, #tpu.memory_space<hbm>> -> memref<128xi32, #tpu.memory_space<hbm>>
    tpu.enqueue_dma source(%dma_start3A_16 : memref<128xi32, #tpu.memory_space<hbm>>) target(%arg8 : memref<128xi32, #tpu.memory_space<vmem>>) target_semaphore(%arg17 : memref<!tpu.dma_semaphore, #tpu.memory_space<semaphore_mem>>)
    %dma_start3A_17 = arith.constant 1 : i32
    %dma_start3A_18 = arith.constant 0 : i32
    %dma_start3A_19 = arith.constant 0 : i32
    %dma_start3A_20 = tpu.memref_slice %arg3[%add3A, %dma_start3A_18, %dma_start3A_19] : memref<32x80x128xi32, #tpu.memory_space<hbm>> -> memref<1x80x128xi32, #tpu.memory_space<hbm>>
    %dma_start3A_21 = tpu.memref_squeeze %dma_start3A_20 : memref<1x80x128xi32, #tpu.memory_space<hbm>> -> memref<80x128xi32, #tpu.memory_space<hbm>>
    %dma_start3A_22 = arith.constant 0 : i32
    %dma_start3A_23 = tpu.memref_slice %dma_start3A_21[%dma_start3A_17, %dma_start3A_22] : memref<80x128xi32, #tpu.memory_space<hbm>> -> memref<1x128xi32, #tpu.memory_space<hbm>>
    %dma_start3A_24 = tpu.memref_squeeze %dma_start3A_23 : memref<1x128xi32, #tpu.memory_space<hbm>> -> memref<128xi32, #tpu.memory_space<hbm>>
    %dma_start3A_25 = arith.constant 0 : i32
    %dma_start3A_26 = arith.constant 0 : i32
    %dma_start3A_27 = tpu.memref_slice %arg3[%add3A, %dma_start3A_25, %dma_start3A_26] : memref<32x80x128xi32, #tpu.memory_space<hbm>> -> memref<1x80x128xi32, #tpu.memory_space<hbm>>
    %dma_start3A_28 = tpu.memref_squeeze %dma_start3A_27 : memref<1x80x128xi32, #tpu.memory_space<hbm>> -> memref<80x128xi32, #tpu.memory_space<hbm>>
    %dma_start3A_29 = arith.constant 0 : i32
    %dma_start3A_30 = tpu.memref_slice %dma_start3A_28[%dma_start3A_17, %dma_start3A_29] : memref<80x128xi32, #tpu.memory_space<hbm>> -> memref<1x128xi32, #tpu.memory_space<hbm>>
    %dma_start3A_31 = tpu.memref_squeeze %dma_start3A_30 : memref<1x128xi32, #tpu.memory_space<hbm>> -> memref<128xi32, #tpu.memory_space<hbm>>
    tpu.enqueue_dma source(%dma_start3A_31 : memref<128xi32, #tpu.memory_space<hbm>>) target(%arg9 : memref<128xi32, #tpu.memory_space<vmem>>) target_semaphore(%arg18 : memref<!tpu.dma_semaphore, #tpu.memory_space<semaphore_mem>>)
    %dma_start3A_32 = arith.constant 2 : i32
    %dma_start3A_33 = arith.constant 0 : i32
    %dma_start3A_34 = arith.constant 0 : i32
    %dma_start3A_35 = tpu.memref_slice %arg3[%add3A, %dma_start3A_33, %dma_start3A_34] : memref<32x80x128xi32, #tpu.memory_space<hbm>> -> memref<1x80x128xi32, #tpu.memory_space<hbm>>
    %dma_start3A_36 = tpu.memref_squeeze %dma_start3A_35 : memref<1x80x128xi32, #tpu.memory_space<hbm>> -> memref<80x128xi32, #tpu.memory_space<hbm>>
    %dma_start3A_37 = arith.constant 0 : i32
    %dma_start3A_38 = tpu.memref_slice %dma_start3A_36[%dma_start3A_32, %dma_start3A_37] : memref<80x128xi32, #tpu.memory_space<hbm>> -> memref<1x128xi32, #tpu.memory_space<hbm>>
    %dma_start3A_39 = tpu.memref_squeeze %dma_start3A_38 : memref<1x128xi32, #tpu.memory_space<hbm>> -> memref<128xi32, #tpu.memory_space<hbm>>
    %dma_start3A_40 = arith.constant 0 : i32
    %dma_start3A_41 = arith.constant 0 : i32
    %dma_start3A_42 = tpu.memref_slice %arg3[%add3A, %dma_start3A_40, %dma_start3A_41] : memref<32x80x128xi32, #tpu.memory_space<hbm>> -> memref<1x80x128xi32, #tpu.memory_space<hbm>>
    %dma_start3A_43 = tpu.memref_squeeze %dma_start3A_42 : memref<1x80x128xi32, #tpu.memory_space<hbm>> -> memref<80x128xi32, #tpu.memory_space<hbm>>
    %dma_start3A_44 = arith.constant 0 : i32
    %dma_start3A_45 = tpu.memref_slice %dma_start3A_43[%dma_start3A_32, %dma_start3A_44] : memref<80x128xi32, #tpu.memory_space<hbm>> -> memref<1x128xi32, #tpu.memory_space<hbm>>
    %dma_start3A_46 = tpu.memref_squeeze %dma_start3A_45 : memref<1x128xi32, #tpu.memory_space<hbm>> -> memref<128xi32, #tpu.memory_space<hbm>>
    tpu.enqueue_dma source(%dma_start3A_46 : memref<128xi32, #tpu.memory_space<hbm>>) target(%arg10 : memref<128xi32, #tpu.memory_space<vmem>>) target_semaphore(%arg19 : memref<!tpu.dma_semaphore, #tpu.memory_space<semaphore_mem>>)
    %dma_start3A_47 = arith.constant 3 : i32
    %dma_start3A_48 = arith.constant 0 : i32
    %dma_start3A_49 = arith.constant 0 : i32
    %dma_start3A_50 = tpu.memref_slice %arg3[%add3A, %dma_start3A_48, %dma_start3A_49] : memref<32x80x128xi32, #tpu.memory_space<hbm>> -> memref<1x80x128xi32, #tpu.memory_space<hbm>>
    %dma_start3A_51 = tpu.memref_squeeze %dma_start3A_50 : memref<1x80x128xi32, #tpu.memory_space<hbm>> -> memref<80x128xi32, #tpu.memory_space<hbm>>
    %dma_start3A_52 = arith.constant 0 : i32
    %dma_start3A_53 = tpu.memref_slice %dma_start3A_51[%dma_start3A_47, %dma_start3A_52] : memref<80x128xi32, #tpu.memory_space<hbm>> -> memref<1x128xi32, #tpu.memory_space<hbm>>
    %dma_start3A_54 = tpu.memref_squeeze %dma_start3A_53 : memref<1x128xi32, #tpu.memory_space<hbm>> -> memref<128xi32, #tpu.memory_space<hbm>>
    %dma_start3A_55 = arith.constant 0 : i32
    %dma_start3A_56 = arith.constant 0 : i32
    %dma_start3A_57 = tpu.memref_slice %arg3[%add3A, %dma_start3A_55, %dma_start3A_56] : memref<32x80x128xi32, #tpu.memory_space<hbm>> -> memref<1x80x128xi32, #tpu.memory_space<hbm>>
    %dma_start3A_58 = tpu.memref_squeeze %dma_start3A_57 : memref<1x80x128xi32, #tpu.memory_space<hbm>> -> memref<80x128xi32, #tpu.memory_space<hbm>>
    %dma_start3A_59 = arith.constant 0 : i32
    %dma_start3A_60 = tpu.memref_slice %dma_start3A_58[%dma_start3A_47, %dma_start3A_59] : memref<80x128xi32, #tpu.memory_space<hbm>> -> memref<1x128xi32, #tpu.memory_space<hbm>>
    %dma_start3A_61 = tpu.memref_squeeze %dma_start3A_60 : memref<1x128xi32, #tpu.memory_space<hbm>> -> memref<128xi32, #tpu.memory_space<hbm>>
    tpu.enqueue_dma source(%dma_start3A_61 : memref<128xi32, #tpu.memory_space<hbm>>) target(%arg11 : memref<128xi32, #tpu.memory_space<vmem>>) target_semaphore(%arg20 : memref<!tpu.dma_semaphore, #tpu.memory_space<semaphore_mem>>)
    %dma_wait3A = arith.constant 0 : i32
    %dma_wait3A_62 = arith.constant 0 : i32
    %dma_wait3A_63 = arith.constant 0 : i32
    %dma_wait3A_64 = tpu.memref_slice %arg3[%add3A, %dma_wait3A_62, %dma_wait3A_63] : memref<32x80x128xi32, #tpu.memory_space<hbm>> -> memref<1x80x128xi32, #tpu.memory_space<hbm>>
    %dma_wait3A_65 = tpu.memref_squeeze %dma_wait3A_64 : memref<1x80x128xi32, #tpu.memory_space<hbm>> -> memref<80x128xi32, #tpu.memory_space<hbm>>
    %dma_wait3A_66 = arith.constant 0 : i32
    %dma_wait3A_67 = tpu.memref_slice %dma_wait3A_65[%dma_wait3A, %dma_wait3A_66] : memref<80x128xi32, #tpu.memory_space<hbm>> -> memref<1x128xi32, #tpu.memory_space<hbm>>
    %dma_wait3A_68 = tpu.memref_squeeze %dma_wait3A_67 : memref<1x128xi32, #tpu.memory_space<hbm>> -> memref<128xi32, #tpu.memory_space<hbm>>
    %dma_wait3A_69 = arith.constant 0 : i32
    %dma_wait3A_70 = arith.constant 0 : i32
    %dma_wait3A_71 = tpu.memref_slice %arg3[%add3A, %dma_wait3A_69, %dma_wait3A_70] : memref<32x80x128xi32, #tpu.memory_space<hbm>> -> memref<1x80x128xi32, #tpu.memory_space<hbm>>
    %dma_wait3A_72 = tpu.memref_squeeze %dma_wait3A_71 : memref<1x80x128xi32, #tpu.memory_space<hbm>> -> memref<80x128xi32, #tpu.memory_space<hbm>>
    %dma_wait3A_73 = arith.constant 0 : i32
    %dma_wait3A_74 = tpu.memref_slice %dma_wait3A_72[%dma_wait3A, %dma_wait3A_73] : memref<80x128xi32, #tpu.memory_space<hbm>> -> memref<1x128xi32, #tpu.memory_space<hbm>>
    %dma_wait3A_75 = tpu.memref_squeeze %dma_wait3A_74 : memref<1x128xi32, #tpu.memory_space<hbm>> -> memref<128xi32, #tpu.memory_space<hbm>>
    tpu.wait_dma2 semaphore(%arg17 : memref<!tpu.dma_semaphore, #tpu.memory_space<semaphore_mem>>) src(%dma_wait3A_75 : memref<128xi32, #tpu.memory_space<hbm>>) dst(%arg8 : memref<128xi32, #tpu.memory_space<vmem>>)
    %dma_start3A_76 = arith.constant 0 : i32
    %dma_start3A_77 = arith.constant 0 : i32
    %dma_start3A_78 = tpu.memref_slice %arg2[%dma_start3A_76, %dma_start3A_77] : memref<10240x128xf32, #tpu.memory_space<hbm>> -> memref<10240x128xf32, #tpu.memory_space<hbm>>
    tpu.enqueue_indirect_dma source(%dma_start3A_78 : memref<10240x128xf32, #tpu.memory_space<hbm>>) target(%arg12 : memref<128x128xf32, #tpu.memory_space<vmem>>) offsets(%arg8 : memref<128xi32, #tpu.memory_space<vmem>>) semaphore(%arg15 : memref<!tpu.dma_semaphore, #tpu.memory_space<semaphore_mem>>)
    %dma_wait3A_79 = arith.constant 1 : i32
    %dma_wait3A_80 = arith.constant 0 : i32
    %dma_wait3A_81 = arith.constant 0 : i32
    %dma_wait3A_82 = tpu.memref_slice %arg3[%add3A, %dma_wait3A_80, %dma_wait3A_81] : memref<32x80x128xi32, #tpu.memory_space<hbm>> -> memref<1x80x128xi32, #tpu.memory_space<hbm>>
    %dma_wait3A_83 = tpu.memref_squeeze %dma_wait3A_82 : memref<1x80x128xi32, #tpu.memory_space<hbm>> -> memref<80x128xi32, #tpu.memory_space<hbm>>
    %dma_wait3A_84 = arith.constant 0 : i32
    %dma_wait3A_85 = tpu.memref_slice %dma_wait3A_83[%dma_wait3A_79, %dma_wait3A_84] : memref<80x128xi32, #tpu.memory_space<hbm>> -> memref<1x128xi32, #tpu.memory_space<hbm>>
    %dma_wait3A_86 = tpu.memref_squeeze %dma_wait3A_85 : memref<1x128xi32, #tpu.memory_space<hbm>> -> memref<128xi32, #tpu.memory_space<hbm>>
    %dma_wait3A_87 = arith.constant 0 : i32
    %dma_wait3A_88 = arith.constant 0 : i32
    %dma_wait3A_89 = tpu.memref_slice %arg3[%add3A, %dma_wait3A_87, %dma_wait3A_88] : memref<32x80x128xi32, #tpu.memory_space<hbm>> -> memref<1x80x128xi32, #tpu.memory_space<hbm>>
    %dma_wait3A_90 = tpu.memref_squeeze %dma_wait3A_89 : memref<1x80x128xi32, #tpu.memory_space<hbm>> -> memref<80x128xi32, #tpu.memory_space<hbm>>
    %dma_wait3A_91 = arith.constant 0 : i32
    %dma_wait3A_92 = tpu.memref_slice %dma_wait3A_90[%dma_wait3A_79, %dma_wait3A_91] : memref<80x128xi32, #tpu.memory_space<hbm>> -> memref<1x128xi32, #tpu.memory_space<hbm>>
    %dma_wait3A_93 = tpu.memref_squeeze %dma_wait3A_92 : memref<1x128xi32, #tpu.memory_space<hbm>> -> memref<128xi32, #tpu.memory_space<hbm>>
    tpu.wait_dma2 semaphore(%arg18 : memref<!tpu.dma_semaphore, #tpu.memory_space<semaphore_mem>>) src(%dma_wait3A_93 : memref<128xi32, #tpu.memory_space<hbm>>) dst(%arg9 : memref<128xi32, #tpu.memory_space<vmem>>)
    %dma_start3A_94 = arith.constant 0 : i32
    %dma_start3A_95 = arith.constant 0 : i32
    %dma_start3A_96 = tpu.memref_slice %arg2[%dma_start3A_94, %dma_start3A_95] : memref<10240x128xf32, #tpu.memory_space<hbm>> -> memref<10240x128xf32, #tpu.memory_space<hbm>>
    tpu.enqueue_indirect_dma source(%dma_start3A_96 : memref<10240x128xf32, #tpu.memory_space<hbm>>) target(%arg13 : memref<128x128xf32, #tpu.memory_space<vmem>>) offsets(%arg9 : memref<128xi32, #tpu.memory_space<vmem>>) semaphore(%arg16 : memref<!tpu.dma_semaphore, #tpu.memory_space<semaphore_mem>>)
    %scan3A = arith.constant 0 : i32
    %scan3A_97 = arith.constant 0 : i32
    %scan3A_98 = arith.constant 19 : i32
    %scan3A_99 = arith.addi %scan3A_97, %scan3A_98 : i32
    %scan3A_100 = arith.constant 1 : i32
    scf.for %scan3A_166 = %scan3A_97 to %scan3A_99 step %scan3A_100  : i32 {
      %mul3A_167 = arith.constant 4 : i32
      %mul3A_168 = arith.muli %scan3A_166, %mul3A_167 : i32
      %add3A_169 = arith.constant 0 : i32
      %add3A_170 = arith.addi %mul3A_168, %add3A_169 : i32
      %dma_wait3A_171 = arith.constant 0 : i32
      %dma_wait3A_172 = arith.constant 0 : i32
      %dma_wait3A_173 = tpu.memref_slice %arg2[%dma_wait3A_171, %dma_wait3A_172] : memref<10240x128xf32, #tpu.memory_space<hbm>> -> memref<128x128xf32, #tpu.memory_space<hbm>>
      %dma_wait3A_174 = arith.constant 0 : i32
      %dma_wait3A_175 = arith.constant 0 : i32
      %dma_wait3A_176 = tpu.memref_slice %arg2[%dma_wait3A_174, %dma_wait3A_175] : memref<10240x128xf32, #tpu.memory_space<hbm>> -> memref<128x128xf32, #tpu.memory_space<hbm>>
      tpu.wait_dma2 semaphore(%arg15 : memref<!tpu.dma_semaphore, #tpu.memory_space<semaphore_mem>>) src(%dma_wait3A_176 : memref<128x128xf32, #tpu.memory_space<hbm>>) dst(%arg12 : memref<128x128xf32, #tpu.memory_space<vmem>>)
      "tpu.region"() ({
        %run_scoped3A_337 = tpu.sem_alloc : memref<!tpu.dma_semaphore, #tpu.memory_space<semaphore_mem>>
        %dma_start3A_338 = arith.constant 0 : i32
        %dma_start3A_339 = tpu.memref_slice %arg7[%add3A_170, %dma_start3A_338] : memref<80x128xi32, #tpu.memory_space<vmem>> -> memref<1x128xi32, #tpu.memory_space<vmem>>
        %dma_start3A_340 = tpu.memref_squeeze %dma_start3A_339 : memref<1x128xi32, #tpu.memory_space<vmem>> -> memref<128xi32, #tpu.memory_space<vmem>>
        %dma_start3A_341 = arith.constant 0 : i32
        %dma_start3A_342 = arith.constant 0 : i32
        %dma_start3A_343 = tpu.memref_slice %arg14[%dma_start3A_341, %dma_start3A_342] : memref<10240x128xf32, #tpu.memory_space<vmem_shared>> -> memref<10240x128xf32, #tpu.memory_space<vmem_shared>>
        tpu.enqueue_indirect_dma source(%arg12 : memref<128x128xf32, #tpu.memory_space<vmem>>) target(%dma_start3A_343 : memref<10240x128xf32, #tpu.memory_space<vmem_shared>>) offsets(%dma_start3A_340 : memref<128xi32, #tpu.memory_space<vmem>>) semaphore(%run_scoped3A_337 : memref<!tpu.dma_semaphore, #tpu.memory_space<semaphore_mem>>) {add = true}
        %dma_wait3A_344 = arith.constant 0 : i32
        %dma_wait3A_345 = tpu.memref_slice %arg7[%add3A_170, %dma_wait3A_344] : memref<80x128xi32, #tpu.memory_space<vmem>> -> memref<1x128xi32, #tpu.memory_space<vmem>>
        %dma_wait3A_346 = tpu.memref_squeeze %dma_wait3A_345 : memref<1x128xi32, #tpu.memory_space<vmem>> -> memref<128xi32, #tpu.memory_space<vmem>>
        %dma_wait3A_347 = arith.constant 0 : i32
        %dma_wait3A_348 = arith.constant 0 : i32
        %dma_wait3A_349 = tpu.memref_slice %arg14[%dma_wait3A_347, %dma_wait3A_348] : memref<10240x128xf32, #tpu.memory_space<vmem_shared>> -> memref<10240x128xf32, #tpu.memory_space<vmem_shared>>
        tpu.wait_indirect_dma semaphore(%run_scoped3A_337 : memref<!tpu.dma_semaphore, #tpu.memory_space<semaphore_mem>>) src(%arg12 : memref<128x128xf32, #tpu.memory_space<vmem>>) dst(%dma_wait3A_349 : memref<10240x128xf32, #tpu.memory_space<vmem_shared>>)
        tpu.yield
      }) : () -> ()
      %add3A_177 = arith.constant 4 : i32
      %add3A_178 = arith.addi %add3A_170, %add3A_177 : i32
      %dma_start3A_179 = arith.constant 0 : i32
      %dma_start3A_180 = arith.constant 0 : i32
      %dma_start3A_181 = tpu.memref_slice %arg3[%add3A, %dma_start3A_179, %dma_start3A_180] : memref<32x80x128xi32, #tpu.memory_space<hbm>> -> memref<1x80x128xi32, #tpu.memory_space<hbm>>
      %dma_start3A_182 = tpu.memref_squeeze %dma_start3A_181 : memref<1x80x128xi32, #tpu.memory_space<hbm>> -> memref<80x128xi32, #tpu.memory_space<hbm>>
      %dma_start3A_183 = arith.constant 0 : i32
      %dma_start3A_184 = tpu.memref_slice %dma_start3A_182[%add3A_178, %dma_start3A_183] : memref<80x128xi32, #tpu.memory_space<hbm>> -> memref<1x128xi32, #tpu.memory_space<hbm>>
      %dma_start3A_185 = tpu.memref_squeeze %dma_start3A_184 : memref<1x128xi32, #tpu.memory_space<hbm>> -> memref<128xi32, #tpu.memory_space<hbm>>
      %dma_start3A_186 = arith.constant 0 : i32
      %dma_start3A_187 = arith.constant 0 : i32
      %dma_start3A_188 = tpu.memref_slice %arg3[%add3A, %dma_start3A_186, %dma_start3A_187] : memref<32x80x128xi32, #tpu.memory_space<hbm>> -> memref<1x80x128xi32, #tpu.memory_space<hbm>>
      %dma_start3A_189 = tpu.memref_squeeze %dma_start3A_188 : memref<1x80x128xi32, #tpu.memory_space<hbm>> -> memref<80x128xi32, #tpu.memory_space<hbm>>
      %dma_start3A_190 = arith.constant 0 : i32
      %dma_start3A_191 = tpu.memref_slice %dma_start3A_189[%add3A_178, %dma_start3A_190] : memref<80x128xi32, #tpu.memory_space<hbm>> -> memref<1x128xi32, #tpu.memory_space<hbm>>
      %dma_start3A_192 = tpu.memref_squeeze %dma_start3A_191 : memref<1x128xi32, #tpu.memory_space<hbm>> -> memref<128xi32, #tpu.memory_space<hbm>>
      tpu.enqueue_dma source(%dma_start3A_192 : memref<128xi32, #tpu.memory_space<hbm>>) target(%arg8 : memref<128xi32, #tpu.memory_space<vmem>>) target_semaphore(%arg17 : memref<!tpu.dma_semaphore, #tpu.memory_space<semaphore_mem>>)
      %dma_wait3A_193 = arith.constant 0 : i32
      %dma_wait3A_194 = arith.constant 0 : i32
      %dma_wait3A_195 = arith.constant 0 : i32
      %dma_wait3A_196 = tpu.memref_slice %arg3[%add3A, %dma_wait3A_194, %dma_wait3A_195] : memref<32x80x128xi32, #tpu.memory_space<hbm>> -> memref<1x80x128xi32, #tpu.memory_space<hbm>>
      %dma_wait3A_197 = tpu.memref_squeeze %dma_wait3A_196 : memref<1x80x128xi32, #tpu.memory_space<hbm>> -> memref<80x128xi32, #tpu.memory_space<hbm>>
      %dma_wait3A_198 = arith.constant 0 : i32
      %dma_wait3A_199 = tpu.memref_slice %dma_wait3A_197[%dma_wait3A_193, %dma_wait3A_198] : memref<80x128xi32, #tpu.memory_space<hbm>> -> memref<1x128xi32, #tpu.memory_space<hbm>>
      %dma_wait3A_200 = tpu.memref_squeeze %dma_wait3A_199 : memref<1x128xi32, #tpu.memory_space<hbm>> -> memref<128xi32, #tpu.memory_space<hbm>>
      %dma_wait3A_201 = arith.constant 0 : i32
      %dma_wait3A_202 = arith.constant 0 : i32
      %dma_wait3A_203 = tpu.memref_slice %arg3[%add3A, %dma_wait3A_201, %dma_wait3A_202] : memref<32x80x128xi32, #tpu.memory_space<hbm>> -> memref<1x80x128xi32, #tpu.memory_space<hbm>>
      %dma_wait3A_204 = tpu.memref_squeeze %dma_wait3A_203 : memref<1x80x128xi32, #tpu.memory_space<hbm>> -> memref<80x128xi32, #tpu.memory_space<hbm>>
      %dma_wait3A_205 = arith.constant 0 : i32
      %dma_wait3A_206 = tpu.memref_slice %dma_wait3A_204[%dma_wait3A_193, %dma_wait3A_205] : memref<80x128xi32, #tpu.memory_space<hbm>> -> memref<1x128xi32, #tpu.memory_space<hbm>>
      %dma_wait3A_207 = tpu.memref_squeeze %dma_wait3A_206 : memref<1x128xi32, #tpu.memory_space<hbm>> -> memref<128xi32, #tpu.memory_space<hbm>>
      tpu.wait_dma2 semaphore(%arg19 : memref<!tpu.dma_semaphore, #tpu.memory_space<semaphore_mem>>) src(%dma_wait3A_207 : memref<128xi32, #tpu.memory_space<hbm>>) dst(%arg10 : memref<128xi32, #tpu.memory_space<vmem>>)
      %dma_start3A_208 = arith.constant 0 : i32
      %dma_start3A_209 = arith.constant 0 : i32
      %dma_start3A_210 = tpu.memref_slice %arg2[%dma_start3A_208, %dma_start3A_209] : memref<10240x128xf32, #tpu.memory_space<hbm>> -> memref<10240x128xf32, #tpu.memory_space<hbm>>
      tpu.enqueue_indirect_dma source(%dma_start3A_210 : memref<10240x128xf32, #tpu.memory_space<hbm>>) target(%arg12 : memref<128x128xf32, #tpu.memory_space<vmem>>) offsets(%arg10 : memref<128xi32, #tpu.memory_space<vmem>>) semaphore(%arg15 : memref<!tpu.dma_semaphore, #tpu.memory_space<semaphore_mem>>)
      %add3A_211 = arith.constant 1 : i32
      %add3A_212 = arith.addi %mul3A_168, %add3A_211 : i32
      %dma_wait3A_213 = arith.constant 0 : i32
      %dma_wait3A_214 = arith.constant 0 : i32
      %dma_wait3A_215 = tpu.memref_slice %arg2[%dma_wait3A_213, %dma_wait3A_214] : memref<10240x128xf32, #tpu.memory_space<hbm>> -> memref<128x128xf32, #tpu.memory_space<hbm>>
      %dma_wait3A_216 = arith.constant 0 : i32
      %dma_wait3A_217 = arith.constant 0 : i32
      %dma_wait3A_218 = tpu.memref_slice %arg2[%dma_wait3A_216, %dma_wait3A_217] : memref<10240x128xf32, #tpu.memory_space<hbm>> -> memref<128x128xf32, #tpu.memory_space<hbm>>
      tpu.wait_dma2 semaphore(%arg16 : memref<!tpu.dma_semaphore, #tpu.memory_space<semaphore_mem>>) src(%dma_wait3A_218 : memref<128x128xf32, #tpu.memory_space<hbm>>) dst(%arg13 : memref<128x128xf32, #tpu.memory_space<vmem>>)
      "tpu.region"() ({
        %run_scoped3A_337 = tpu.sem_alloc : memref<!tpu.dma_semaphore, #tpu.memory_space<semaphore_mem>>
        %dma_start3A_338 = arith.constant 0 : i32
        %dma_start3A_339 = tpu.memref_slice %arg7[%add3A_212, %dma_start3A_338] : memref<80x128xi32, #tpu.memory_space<vmem>> -> memref<1x128xi32, #tpu.memory_space<vmem>>
        %dma_start3A_340 = tpu.memref_squeeze %dma_start3A_339 : memref<1x128xi32, #tpu.memory_space<vmem>> -> memref<128xi32, #tpu.memory_space<vmem>>
        %dma_start3A_341 = arith.constant 0 : i32
        %dma_start3A_342 = arith.constant 0 : i32
        %dma_start3A_343 = tpu.memref_slice %arg14[%dma_start3A_341, %dma_start3A_342] : memref<10240x128xf32, #tpu.memory_space<vmem_shared>> -> memref<10240x128xf32, #tpu.memory_space<vmem_shared>>
        tpu.enqueue_indirect_dma source(%arg13 : memref<128x128xf32, #tpu.memory_space<vmem>>) target(%dma_start3A_343 : memref<10240x128xf32, #tpu.memory_space<vmem_shared>>) offsets(%dma_start3A_340 : memref<128xi32, #tpu.memory_space<vmem>>) semaphore(%run_scoped3A_337 : memref<!tpu.dma_semaphore, #tpu.memory_space<semaphore_mem>>) {add = true}
        %dma_wait3A_344 = arith.constant 0 : i32
        %dma_wait3A_345 = tpu.memref_slice %arg7[%add3A_212, %dma_wait3A_344] : memref<80x128xi32, #tpu.memory_space<vmem>> -> memref<1x128xi32, #tpu.memory_space<vmem>>
        %dma_wait3A_346 = tpu.memref_squeeze %dma_wait3A_345 : memref<1x128xi32, #tpu.memory_space<vmem>> -> memref<128xi32, #tpu.memory_space<vmem>>
        %dma_wait3A_347 = arith.constant 0 : i32
        %dma_wait3A_348 = arith.constant 0 : i32
        %dma_wait3A_349 = tpu.memref_slice %arg14[%dma_wait3A_347, %dma_wait3A_348] : memref<10240x128xf32, #tpu.memory_space<vmem_shared>> -> memref<10240x128xf32, #tpu.memory_space<vmem_shared>>
        tpu.wait_indirect_dma semaphore(%run_scoped3A_337 : memref<!tpu.dma_semaphore, #tpu.memory_space<semaphore_mem>>) src(%arg13 : memref<128x128xf32, #tpu.memory_space<vmem>>) dst(%dma_wait3A_349 : memref<10240x128xf32, #tpu.memory_space<vmem_shared>>)
        tpu.yield
      }) : () -> ()
      %add3A_219 = arith.constant 4 : i32
      %add3A_220 = arith.addi %add3A_212, %add3A_219 : i32
      %dma_start3A_221 = arith.constant 0 : i32
      %dma_start3A_222 = arith.constant 0 : i32
      %dma_start3A_223 = tpu.memref_slice %arg3[%add3A, %dma_start3A_221, %dma_start3A_222] : memref<32x80x128xi32, #tpu.memory_space<hbm>> -> memref<1x80x128xi32, #tpu.memory_space<hbm>>
      %dma_start3A_224 = tpu.memref_squeeze %dma_start3A_223 : memref<1x80x128xi32, #tpu.memory_space<hbm>> -> memref<80x128xi32, #tpu.memory_space<hbm>>
      %dma_start3A_225 = arith.constant 0 : i32
      %dma_start3A_226 = tpu.memref_slice %dma_start3A_224[%add3A_220, %dma_start3A_225] : memref<80x128xi32, #tpu.memory_space<hbm>> -> memref<1x128xi32, #tpu.memory_space<hbm>>
      %dma_start3A_227 = tpu.memref_squeeze %dma_start3A_226 : memref<1x128xi32, #tpu.memory_space<hbm>> -> memref<128xi32, #tpu.memory_space<hbm>>
      %dma_start3A_228 = arith.constant 0 : i32
      %dma_start3A_229 = arith.constant 0 : i32
      %dma_start3A_230 = tpu.memref_slice %arg3[%add3A, %dma_start3A_228, %dma_start3A_229] : memref<32x80x128xi32, #tpu.memory_space<hbm>> -> memref<1x80x128xi32, #tpu.memory_space<hbm>>
      %dma_start3A_231 = tpu.memref_squeeze %dma_start3A_230 : memref<1x80x128xi32, #tpu.memory_space<hbm>> -> memref<80x128xi32, #tpu.memory_space<hbm>>
      %dma_start3A_232 = arith.constant 0 : i32
      %dma_start3A_233 = tpu.memref_slice %dma_start3A_231[%add3A_220, %dma_start3A_232] : memref<80x128xi32, #tpu.memory_space<hbm>> -> memref<1x128xi32, #tpu.memory_space<hbm>>
      %dma_start3A_234 = tpu.memref_squeeze %dma_start3A_233 : memref<1x128xi32, #tpu.memory_space<hbm>> -> memref<128xi32, #tpu.memory_space<hbm>>
      tpu.enqueue_dma source(%dma_start3A_234 : memref<128xi32, #tpu.memory_space<hbm>>) target(%arg9 : memref<128xi32, #tpu.memory_space<vmem>>) target_semaphore(%arg18 : memref<!tpu.dma_semaphore, #tpu.memory_space<semaphore_mem>>)
      %dma_wait3A_235 = arith.constant 0 : i32
      %dma_wait3A_236 = arith.constant 0 : i32
      %dma_wait3A_237 = arith.constant 0 : i32
      %dma_wait3A_238 = tpu.memref_slice %arg3[%add3A, %dma_wait3A_236, %dma_wait3A_237] : memref<32x80x128xi32, #tpu.memory_space<hbm>> -> memref<1x80x128xi32, #tpu.memory_space<hbm>>
      %dma_wait3A_239 = tpu.memref_squeeze %dma_wait3A_238 : memref<1x80x128xi32, #tpu.memory_space<hbm>> -> memref<80x128xi32, #tpu.memory_space<hbm>>
      %dma_wait3A_240 = arith.constant 0 : i32
      %dma_wait3A_241 = tpu.memref_slice %dma_wait3A_239[%dma_wait3A_235, %dma_wait3A_240] : memref<80x128xi32, #tpu.memory_space<hbm>> -> memref<1x128xi32, #tpu.memory_space<hbm>>
      %dma_wait3A_242 = tpu.memref_squeeze %dma_wait3A_241 : memref<1x128xi32, #tpu.memory_space<hbm>> -> memref<128xi32, #tpu.memory_space<hbm>>
      %dma_wait3A_243 = arith.constant 0 : i32
      %dma_wait3A_244 = arith.constant 0 : i32
      %dma_wait3A_245 = tpu.memref_slice %arg3[%add3A, %dma_wait3A_243, %dma_wait3A_244] : memref<32x80x128xi32, #tpu.memory_space<hbm>> -> memref<1x80x128xi32, #tpu.memory_space<hbm>>
      %dma_wait3A_246 = tpu.memref_squeeze %dma_wait3A_245 : memref<1x80x128xi32, #tpu.memory_space<hbm>> -> memref<80x128xi32, #tpu.memory_space<hbm>>
      %dma_wait3A_247 = arith.constant 0 : i32
      %dma_wait3A_248 = tpu.memref_slice %dma_wait3A_246[%dma_wait3A_235, %dma_wait3A_247] : memref<80x128xi32, #tpu.memory_space<hbm>> -> memref<1x128xi32, #tpu.memory_space<hbm>>
      %dma_wait3A_249 = tpu.memref_squeeze %dma_wait3A_248 : memref<1x128xi32, #tpu.memory_space<hbm>> -> memref<128xi32, #tpu.memory_space<hbm>>
      tpu.wait_dma2 semaphore(%arg20 : memref<!tpu.dma_semaphore, #tpu.memory_space<semaphore_mem>>) src(%dma_wait3A_249 : memref<128xi32, #tpu.memory_space<hbm>>) dst(%arg11 : memref<128xi32, #tpu.memory_space<vmem>>)
      %dma_start3A_250 = arith.constant 0 : i32
      %dma_start3A_251 = arith.constant 0 : i32
      %dma_start3A_252 = tpu.memref_slice %arg2[%dma_start3A_250, %dma_start3A_251] : memref<10240x128xf32, #tpu.memory_space<hbm>> -> memref<10240x128xf32, #tpu.memory_space<hbm>>
      tpu.enqueue_indirect_dma source(%dma_start3A_252 : memref<10240x128xf32, #tpu.memory_space<hbm>>) target(%arg13 : memref<128x128xf32, #tpu.memory_space<vmem>>) offsets(%arg11 : memref<128xi32, #tpu.memory_space<vmem>>) semaphore(%arg16 : memref<!tpu.dma_semaphore, #tpu.memory_space<semaphore_mem>>)
      %add3A_253 = arith.constant 2 : i32
      %add3A_254 = arith.addi %mul3A_168, %add3A_253 : i32
      %dma_wait3A_255 = arith.constant 0 : i32
      %dma_wait3A_256 = arith.constant 0 : i32
      %dma_wait3A_257 = tpu.memref_slice %arg2[%dma_wait3A_255, %dma_wait3A_256] : memref<10240x128xf32, #tpu.memory_space<hbm>> -> memref<128x128xf32, #tpu.memory_space<hbm>>
      %dma_wait3A_258 = arith.constant 0 : i32
      %dma_wait3A_259 = arith.constant 0 : i32
      %dma_wait3A_260 = tpu.memref_slice %arg2[%dma_wait3A_258, %dma_wait3A_259] : memref<10240x128xf32, #tpu.memory_space<hbm>> -> memref<128x128xf32, #tpu.memory_space<hbm>>
      tpu.wait_dma2 semaphore(%arg15 : memref<!tpu.dma_semaphore, #tpu.memory_space<semaphore_mem>>) src(%dma_wait3A_260 : memref<128x128xf32, #tpu.memory_space<hbm>>) dst(%arg12 : memref<128x128xf32, #tpu.memory_space<vmem>>)
      "tpu.region"() ({
        %run_scoped3A_337 = tpu.sem_alloc : memref<!tpu.dma_semaphore, #tpu.memory_space<semaphore_mem>>
        %dma_start3A_338 = arith.constant 0 : i32
        %dma_start3A_339 = tpu.memref_slice %arg7[%add3A_254, %dma_start3A_338] : memref<80x128xi32, #tpu.memory_space<vmem>> -> memref<1x128xi32, #tpu.memory_space<vmem>>
        %dma_start3A_340 = tpu.memref_squeeze %dma_start3A_339 : memref<1x128xi32, #tpu.memory_space<vmem>> -> memref<128xi32, #tpu.memory_space<vmem>>
        %dma_start3A_341 = arith.constant 0 : i32
        %dma_start3A_342 = arith.constant 0 : i32
        %dma_start3A_343 = tpu.memref_slice %arg14[%dma_start3A_341, %dma_start3A_342] : memref<10240x128xf32, #tpu.memory_space<vmem_shared>> -> memref<10240x128xf32, #tpu.memory_space<vmem_shared>>
        tpu.enqueue_indirect_dma source(%arg12 : memref<128x128xf32, #tpu.memory_space<vmem>>) target(%dma_start3A_343 : memref<10240x128xf32, #tpu.memory_space<vmem_shared>>) offsets(%dma_start3A_340 : memref<128xi32, #tpu.memory_space<vmem>>) semaphore(%run_scoped3A_337 : memref<!tpu.dma_semaphore, #tpu.memory_space<semaphore_mem>>) {add = true}
        %dma_wait3A_344 = arith.constant 0 : i32
        %dma_wait3A_345 = tpu.memref_slice %arg7[%add3A_254, %dma_wait3A_344] : memref<80x128xi32, #tpu.memory_space<vmem>> -> memref<1x128xi32, #tpu.memory_space<vmem>>
        %dma_wait3A_346 = tpu.memref_squeeze %dma_wait3A_345 : memref<1x128xi32, #tpu.memory_space<vmem>> -> memref<128xi32, #tpu.memory_space<vmem>>
        %dma_wait3A_347 = arith.constant 0 : i32
        %dma_wait3A_348 = arith.constant 0 : i32
        %dma_wait3A_349 = tpu.memref_slice %arg14[%dma_wait3A_347, %dma_wait3A_348] : memref<10240x128xf32, #tpu.memory_space<vmem_shared>> -> memref<10240x128xf32, #tpu.memory_space<vmem_shared>>
        tpu.wait_indirect_dma semaphore(%run_scoped3A_337 : memref<!tpu.dma_semaphore, #tpu.memory_space<semaphore_mem>>) src(%arg12 : memref<128x128xf32, #tpu.memory_space<vmem>>) dst(%dma_wait3A_349 : memref<10240x128xf32, #tpu.memory_space<vmem_shared>>)
        tpu.yield
      }) : () -> ()
      %add3A_261 = arith.constant 4 : i32
      %add3A_262 = arith.addi %add3A_254, %add3A_261 : i32
      %dma_start3A_263 = arith.constant 0 : i32
      %dma_start3A_264 = arith.constant 0 : i32
      %dma_start3A_265 = tpu.memref_slice %arg3[%add3A, %dma_start3A_263, %dma_start3A_264] : memref<32x80x128xi32, #tpu.memory_space<hbm>> -> memref<1x80x128xi32, #tpu.memory_space<hbm>>
      %dma_start3A_266 = tpu.memref_squeeze %dma_start3A_265 : memref<1x80x128xi32, #tpu.memory_space<hbm>> -> memref<80x128xi32, #tpu.memory_space<hbm>>
      %dma_start3A_267 = arith.constant 0 : i32
      %dma_start3A_268 = tpu.memref_slice %dma_start3A_266[%add3A_262, %dma_start3A_267] : memref<80x128xi32, #tpu.memory_space<hbm>> -> memref<1x128xi32, #tpu.memory_space<hbm>>
      %dma_start3A_269 = tpu.memref_squeeze %dma_start3A_268 : memref<1x128xi32, #tpu.memory_space<hbm>> -> memref<128xi32, #tpu.memory_space<hbm>>
      %dma_start3A_270 = arith.constant 0 : i32
      %dma_start3A_271 = arith.constant 0 : i32
      %dma_start3A_272 = tpu.memref_slice %arg3[%add3A, %dma_start3A_270, %dma_start3A_271] : memref<32x80x128xi32, #tpu.memory_space<hbm>> -> memref<1x80x128xi32, #tpu.memory_space<hbm>>
      %dma_start3A_273 = tpu.memref_squeeze %dma_start3A_272 : memref<1x80x128xi32, #tpu.memory_space<hbm>> -> memref<80x128xi32, #tpu.memory_space<hbm>>
      %dma_start3A_274 = arith.constant 0 : i32
      %dma_start3A_275 = tpu.memref_slice %dma_start3A_273[%add3A_262, %dma_start3A_274] : memref<80x128xi32, #tpu.memory_space<hbm>> -> memref<1x128xi32, #tpu.memory_space<hbm>>
      %dma_start3A_276 = tpu.memref_squeeze %dma_start3A_275 : memref<1x128xi32, #tpu.memory_space<hbm>> -> memref<128xi32, #tpu.memory_space<hbm>>
      tpu.enqueue_dma source(%dma_start3A_276 : memref<128xi32, #tpu.memory_space<hbm>>) target(%arg10 : memref<128xi32, #tpu.memory_space<vmem>>) target_semaphore(%arg19 : memref<!tpu.dma_semaphore, #tpu.memory_space<semaphore_mem>>)
      %dma_wait3A_277 = arith.constant 0 : i32
      %dma_wait3A_278 = arith.constant 0 : i32
      %dma_wait3A_279 = arith.constant 0 : i32
      %dma_wait3A_280 = tpu.memref_slice %arg3[%add3A, %dma_wait3A_278, %dma_wait3A_279] : memref<32x80x128xi32, #tpu.memory_space<hbm>> -> memref<1x80x128xi32, #tpu.memory_space<hbm>>
      %dma_wait3A_281 = tpu.memref_squeeze %dma_wait3A_280 : memref<1x80x128xi32, #tpu.memory_space<hbm>> -> memref<80x128xi32, #tpu.memory_space<hbm>>
      %dma_wait3A_282 = arith.constant 0 : i32
      %dma_wait3A_283 = tpu.memref_slice %dma_wait3A_281[%dma_wait3A_277, %dma_wait3A_282] : memref<80x128xi32, #tpu.memory_space<hbm>> -> memref<1x128xi32, #tpu.memory_space<hbm>>
      %dma_wait3A_284 = tpu.memref_squeeze %dma_wait3A_283 : memref<1x128xi32, #tpu.memory_space<hbm>> -> memref<128xi32, #tpu.memory_space<hbm>>
      %dma_wait3A_285 = arith.constant 0 : i32
      %dma_wait3A_286 = arith.constant 0 : i32
      %dma_wait3A_287 = tpu.memref_slice %arg3[%add3A, %dma_wait3A_285, %dma_wait3A_286] : memref<32x80x128xi32, #tpu.memory_space<hbm>> -> memref<1x80x128xi32, #tpu.memory_space<hbm>>
      %dma_wait3A_288 = tpu.memref_squeeze %dma_wait3A_287 : memref<1x80x128xi32, #tpu.memory_space<hbm>> -> memref<80x128xi32, #tpu.memory_space<hbm>>
      %dma_wait3A_289 = arith.constant 0 : i32
      %dma_wait3A_290 = tpu.memref_slice %dma_wait3A_288[%dma_wait3A_277, %dma_wait3A_289] : memref<80x128xi32, #tpu.memory_space<hbm>> -> memref<1x128xi32, #tpu.memory_space<hbm>>
      %dma_wait3A_291 = tpu.memref_squeeze %dma_wait3A_290 : memref<1x128xi32, #tpu.memory_space<hbm>> -> memref<128xi32, #tpu.memory_space<hbm>>
      tpu.wait_dma2 semaphore(%arg17 : memref<!tpu.dma_semaphore, #tpu.memory_space<semaphore_mem>>) src(%dma_wait3A_291 : memref<128xi32, #tpu.memory_space<hbm>>) dst(%arg8 : memref<128xi32, #tpu.memory_space<vmem>>)
      %dma_start3A_292 = arith.constant 0 : i32
      %dma_start3A_293 = arith.constant 0 : i32
      %dma_start3A_294 = tpu.memref_slice %arg2[%dma_start3A_292, %dma_start3A_293] : memref<10240x128xf32, #tpu.memory_space<hbm>> -> memref<10240x128xf32, #tpu.memory_space<hbm>>
      tpu.enqueue_indirect_dma source(%dma_start3A_294 : memref<10240x128xf32, #tpu.memory_space<hbm>>) target(%arg12 : memref<128x128xf32, #tpu.memory_space<vmem>>) offsets(%arg8 : memref<128xi32, #tpu.memory_space<vmem>>) semaphore(%arg15 : memref<!tpu.dma_semaphore, #tpu.memory_space<semaphore_mem>>)
      %add3A_295 = arith.constant 3 : i32
      %add3A_296 = arith.addi %mul3A_168, %add3A_295 : i32
      %dma_wait3A_297 = arith.constant 0 : i32
      %dma_wait3A_298 = arith.constant 0 : i32
      %dma_wait3A_299 = tpu.memref_slice %arg2[%dma_wait3A_297, %dma_wait3A_298] : memref<10240x128xf32, #tpu.memory_space<hbm>> -> memref<128x128xf32, #tpu.memory_space<hbm>>
      %dma_wait3A_300 = arith.constant 0 : i32
      %dma_wait3A_301 = arith.constant 0 : i32
      %dma_wait3A_302 = tpu.memref_slice %arg2[%dma_wait3A_300, %dma_wait3A_301] : memref<10240x128xf32, #tpu.memory_space<hbm>> -> memref<128x128xf32, #tpu.memory_space<hbm>>
      tpu.wait_dma2 semaphore(%arg16 : memref<!tpu.dma_semaphore, #tpu.memory_space<semaphore_mem>>) src(%dma_wait3A_302 : memref<128x128xf32, #tpu.memory_space<hbm>>) dst(%arg13 : memref<128x128xf32, #tpu.memory_space<vmem>>)
      "tpu.region"() ({
        %run_scoped3A_337 = tpu.sem_alloc : memref<!tpu.dma_semaphore, #tpu.memory_space<semaphore_mem>>
        %dma_start3A_338 = arith.constant 0 : i32
        %dma_start3A_339 = tpu.memref_slice %arg7[%add3A_296, %dma_start3A_338] : memref<80x128xi32, #tpu.memory_space<vmem>> -> memref<1x128xi32, #tpu.memory_space<vmem>>
        %dma_start3A_340 = tpu.memref_squeeze %dma_start3A_339 : memref<1x128xi32, #tpu.memory_space<vmem>> -> memref<128xi32, #tpu.memory_space<vmem>>
        %dma_start3A_341 = arith.constant 0 : i32
        %dma_start3A_342 = arith.constant 0 : i32
        %dma_start3A_343 = tpu.memref_slice %arg14[%dma_start3A_341, %dma_start3A_342] : memref<10240x128xf32, #tpu.memory_space<vmem_shared>> -> memref<10240x128xf32, #tpu.memory_space<vmem_shared>>
        tpu.enqueue_indirect_dma source(%arg13 : memref<128x128xf32, #tpu.memory_space<vmem>>) target(%dma_start3A_343 : memref<10240x128xf32, #tpu.memory_space<vmem_shared>>) offsets(%dma_start3A_340 : memref<128xi32, #tpu.memory_space<vmem>>) semaphore(%run_scoped3A_337 : memref<!tpu.dma_semaphore, #tpu.memory_space<semaphore_mem>>) {add = true}
        %dma_wait3A_344 = arith.constant 0 : i32
        %dma_wait3A_345 = tpu.memref_slice %arg7[%add3A_296, %dma_wait3A_344] : memref<80x128xi32, #tpu.memory_space<vmem>> -> memref<1x128xi32, #tpu.memory_space<vmem>>
        %dma_wait3A_346 = tpu.memref_squeeze %dma_wait3A_345 : memref<1x128xi32, #tpu.memory_space<vmem>> -> memref<128xi32, #tpu.memory_space<vmem>>
        %dma_wait3A_347 = arith.constant 0 : i32
        %dma_wait3A_348 = arith.constant 0 : i32
        %dma_wait3A_349 = tpu.memref_slice %arg14[%dma_wait3A_347, %dma_wait3A_348] : memref<10240x128xf32, #tpu.memory_space<vmem_shared>> -> memref<10240x128xf32, #tpu.memory_space<vmem_shared>>
        tpu.wait_indirect_dma semaphore(%run_scoped3A_337 : memref<!tpu.dma_semaphore, #tpu.memory_space<semaphore_mem>>) src(%arg13 : memref<128x128xf32, #tpu.memory_space<vmem>>) dst(%dma_wait3A_349 : memref<10240x128xf32, #tpu.memory_space<vmem_shared>>)
        tpu.yield
      }) : () -> ()
      %add3A_303 = arith.constant 4 : i32
      %add3A_304 = arith.addi %add3A_296, %add3A_303 : i32
      %dma_start3A_305 = arith.constant 0 : i32
      %dma_start3A_306 = arith.constant 0 : i32
      %dma_start3A_307 = tpu.memref_slice %arg3[%add3A, %dma_start3A_305, %dma_start3A_306] : memref<32x80x128xi32, #tpu.memory_space<hbm>> -> memref<1x80x128xi32, #tpu.memory_space<hbm>>
      %dma_start3A_308 = tpu.memref_squeeze %dma_start3A_307 : memref<1x80x128xi32, #tpu.memory_space<hbm>> -> memref<80x128xi32, #tpu.memory_space<hbm>>
      %dma_start3A_309 = arith.constant 0 : i32
      %dma_start3A_310 = tpu.memref_slice %dma_start3A_308[%add3A_304, %dma_start3A_309] : memref<80x128xi32, #tpu.memory_space<hbm>> -> memref<1x128xi32, #tpu.memory_space<hbm>>
      %dma_start3A_311 = tpu.memref_squeeze %dma_start3A_310 : memref<1x128xi32, #tpu.memory_space<hbm>> -> memref<128xi32, #tpu.memory_space<hbm>>
      %dma_start3A_312 = arith.constant 0 : i32
      %dma_start3A_313 = arith.constant 0 : i32
      %dma_start3A_314 = tpu.memref_slice %arg3[%add3A, %dma_start3A_312, %dma_start3A_313] : memref<32x80x128xi32, #tpu.memory_space<hbm>> -> memref<1x80x128xi32, #tpu.memory_space<hbm>>
      %dma_start3A_315 = tpu.memref_squeeze %dma_start3A_314 : memref<1x80x128xi32, #tpu.memory_space<hbm>> -> memref<80x128xi32, #tpu.memory_space<hbm>>
      %dma_start3A_316 = arith.constant 0 : i32
      %dma_start3A_317 = tpu.memref_slice %dma_start3A_315[%add3A_304, %dma_start3A_316] : memref<80x128xi32, #tpu.memory_space<hbm>> -> memref<1x128xi32, #tpu.memory_space<hbm>>
      %dma_start3A_318 = tpu.memref_squeeze %dma_start3A_317 : memref<1x128xi32, #tpu.memory_space<hbm>> -> memref<128xi32, #tpu.memory_space<hbm>>
      tpu.enqueue_dma source(%dma_start3A_318 : memref<128xi32, #tpu.memory_space<hbm>>) target(%arg11 : memref<128xi32, #tpu.memory_space<vmem>>) target_semaphore(%arg20 : memref<!tpu.dma_semaphore, #tpu.memory_space<semaphore_mem>>)
      %dma_wait3A_319 = arith.constant 0 : i32
      %dma_wait3A_320 = arith.constant 0 : i32
      %dma_wait3A_321 = arith.constant 0 : i32
      %dma_wait3A_322 = tpu.memref_slice %arg3[%add3A, %dma_wait3A_320, %dma_wait3A_321] : memref<32x80x128xi32, #tpu.memory_space<hbm>> -> memref<1x80x128xi32, #tpu.memory_space<hbm>>
      %dma_wait3A_323 = tpu.memref_squeeze %dma_wait3A_322 : memref<1x80x128xi32, #tpu.memory_space<hbm>> -> memref<80x128xi32, #tpu.memory_space<hbm>>
      %dma_wait3A_324 = arith.constant 0 : i32
      %dma_wait3A_325 = tpu.memref_slice %dma_wait3A_323[%dma_wait3A_319, %dma_wait3A_324] : memref<80x128xi32, #tpu.memory_space<hbm>> -> memref<1x128xi32, #tpu.memory_space<hbm>>
      %dma_wait3A_326 = tpu.memref_squeeze %dma_wait3A_325 : memref<1x128xi32, #tpu.memory_space<hbm>> -> memref<128xi32, #tpu.memory_space<hbm>>
      %dma_wait3A_327 = arith.constant 0 : i32
      %dma_wait3A_328 = arith.constant 0 : i32
      %dma_wait3A_329 = tpu.memref_slice %arg3[%add3A, %dma_wait3A_327, %dma_wait3A_328] : memref<32x80x128xi32, #tpu.memory_space<hbm>> -> memref<1x80x128xi32, #tpu.memory_space<hbm>>
      %dma_wait3A_330 = tpu.memref_squeeze %dma_wait3A_329 : memref<1x80x128xi32, #tpu.memory_space<hbm>> -> memref<80x128xi32, #tpu.memory_space<hbm>>
      %dma_wait3A_331 = arith.constant 0 : i32
      %dma_wait3A_332 = tpu.memref_slice %dma_wait3A_330[%dma_wait3A_319, %dma_wait3A_331] : memref<80x128xi32, #tpu.memory_space<hbm>> -> memref<1x128xi32, #tpu.memory_space<hbm>>
      %dma_wait3A_333 = tpu.memref_squeeze %dma_wait3A_332 : memref<1x128xi32, #tpu.memory_space<hbm>> -> memref<128xi32, #tpu.memory_space<hbm>>
      tpu.wait_dma2 semaphore(%arg18 : memref<!tpu.dma_semaphore, #tpu.memory_space<semaphore_mem>>) src(%dma_wait3A_333 : memref<128xi32, #tpu.memory_space<hbm>>) dst(%arg9 : memref<128xi32, #tpu.memory_space<vmem>>)
      %dma_start3A_334 = arith.constant 0 : i32
      %dma_start3A_335 = arith.constant 0 : i32
      %dma_start3A_336 = tpu.memref_slice %arg2[%dma_start3A_334, %dma_start3A_335] : memref<10240x128xf32, #tpu.memory_space<hbm>> -> memref<10240x128xf32, #tpu.memory_space<hbm>>
      tpu.enqueue_indirect_dma source(%dma_start3A_336 : memref<10240x128xf32, #tpu.memory_space<hbm>>) target(%arg13 : memref<128x128xf32, #tpu.memory_space<vmem>>) offsets(%arg9 : memref<128xi32, #tpu.memory_space<vmem>>) semaphore(%arg16 : memref<!tpu.dma_semaphore, #tpu.memory_space<semaphore_mem>>)
    }
    %scan3A_101 = arith.constant 19 : i32
    %dma_wait3A_102 = arith.constant 0 : i32
    %dma_wait3A_103 = arith.constant 0 : i32
    %dma_wait3A_104 = tpu.memref_slice %arg2[%dma_wait3A_102, %dma_wait3A_103] : memref<10240x128xf32, #tpu.memory_space<hbm>> -> memref<128x128xf32, #tpu.memory_space<hbm>>
    %dma_wait3A_105 = arith.constant 0 : i32
    %dma_wait3A_106 = arith.constant 0 : i32
    %dma_wait3A_107 = tpu.memref_slice %arg2[%dma_wait3A_105, %dma_wait3A_106] : memref<10240x128xf32, #tpu.memory_space<hbm>> -> memref<128x128xf32, #tpu.memory_space<hbm>>
    tpu.wait_dma2 semaphore(%arg15 : memref<!tpu.dma_semaphore, #tpu.memory_space<semaphore_mem>>) src(%dma_wait3A_107 : memref<128x128xf32, #tpu.memory_space<hbm>>) dst(%arg12 : memref<128x128xf32, #tpu.memory_space<vmem>>)
    %run_scoped3A = arith.constant 76 : i32
    "tpu.region"() ({
      %run_scoped3A_166 = tpu.sem_alloc : memref<!tpu.dma_semaphore, #tpu.memory_space<semaphore_mem>>
      %dma_start3A_167 = arith.constant 0 : i32
      %dma_start3A_168 = tpu.memref_slice %arg7[%run_scoped3A, %dma_start3A_167] : memref<80x128xi32, #tpu.memory_space<vmem>> -> memref<1x128xi32, #tpu.memory_space<vmem>>
      %dma_start3A_169 = tpu.memref_squeeze %dma_start3A_168 : memref<1x128xi32, #tpu.memory_space<vmem>> -> memref<128xi32, #tpu.memory_space<vmem>>
      %dma_start3A_170 = arith.constant 0 : i32
      %dma_start3A_171 = arith.constant 0 : i32
      %dma_start3A_172 = tpu.memref_slice %arg14[%dma_start3A_170, %dma_start3A_171] : memref<10240x128xf32, #tpu.memory_space<vmem_shared>> -> memref<10240x128xf32, #tpu.memory_space<vmem_shared>>
      tpu.enqueue_indirect_dma source(%arg12 : memref<128x128xf32, #tpu.memory_space<vmem>>) target(%dma_start3A_172 : memref<10240x128xf32, #tpu.memory_space<vmem_shared>>) offsets(%dma_start3A_169 : memref<128xi32, #tpu.memory_space<vmem>>) semaphore(%run_scoped3A_166 : memref<!tpu.dma_semaphore, #tpu.memory_space<semaphore_mem>>) {add = true}
      %dma_wait3A_173 = arith.constant 0 : i32
      %dma_wait3A_174 = tpu.memref_slice %arg7[%run_scoped3A, %dma_wait3A_173] : memref<80x128xi32, #tpu.memory_space<vmem>> -> memref<1x128xi32, #tpu.memory_space<vmem>>
      %dma_wait3A_175 = tpu.memref_squeeze %dma_wait3A_174 : memref<1x128xi32, #tpu.memory_space<vmem>> -> memref<128xi32, #tpu.memory_space<vmem>>
      %dma_wait3A_176 = arith.constant 0 : i32
      %dma_wait3A_177 = arith.constant 0 : i32
      %dma_wait3A_178 = tpu.memref_slice %arg14[%dma_wait3A_176, %dma_wait3A_177] : memref<10240x128xf32, #tpu.memory_space<vmem_shared>> -> memref<10240x128xf32, #tpu.memory_space<vmem_shared>>
      tpu.wait_indirect_dma semaphore(%run_scoped3A_166 : memref<!tpu.dma_semaphore, #tpu.memory_space<semaphore_mem>>) src(%arg12 : memref<128x128xf32, #tpu.memory_space<vmem>>) dst(%dma_wait3A_178 : memref<10240x128xf32, #tpu.memory_space<vmem_shared>>)
      tpu.yield
    }) : () -> ()
    %dma_wait3A_108 = arith.constant 0 : i32
    %dma_wait3A_109 = arith.constant 0 : i32
    %dma_wait3A_110 = arith.constant 0 : i32
    %dma_wait3A_111 = tpu.memref_slice %arg3[%add3A, %dma_wait3A_109, %dma_wait3A_110] : memref<32x80x128xi32, #tpu.memory_space<hbm>> -> memref<1x80x128xi32, #tpu.memory_space<hbm>>
    %dma_wait3A_112 = tpu.memref_squeeze %dma_wait3A_111 : memref<1x80x128xi32, #tpu.memory_space<hbm>> -> memref<80x128xi32, #tpu.memory_space<hbm>>
    %dma_wait3A_113 = arith.constant 0 : i32
    %dma_wait3A_114 = tpu.memref_slice %dma_wait3A_112[%dma_wait3A_108, %dma_wait3A_113] : memref<80x128xi32, #tpu.memory_space<hbm>> -> memref<1x128xi32, #tpu.memory_space<hbm>>
    %dma_wait3A_115 = tpu.memref_squeeze %dma_wait3A_114 : memref<1x128xi32, #tpu.memory_space<hbm>> -> memref<128xi32, #tpu.memory_space<hbm>>
    %dma_wait3A_116 = arith.constant 0 : i32
    %dma_wait3A_117 = arith.constant 0 : i32
    %dma_wait3A_118 = tpu.memref_slice %arg3[%add3A, %dma_wait3A_116, %dma_wait3A_117] : memref<32x80x128xi32, #tpu.memory_space<hbm>> -> memref<1x80x128xi32, #tpu.memory_space<hbm>>
    %dma_wait3A_119 = tpu.memref_squeeze %dma_wait3A_118 : memref<1x80x128xi32, #tpu.memory_space<hbm>> -> memref<80x128xi32, #tpu.memory_space<hbm>>
    %dma_wait3A_120 = arith.constant 0 : i32
    %dma_wait3A_121 = tpu.memref_slice %dma_wait3A_119[%dma_wait3A_108, %dma_wait3A_120] : memref<80x128xi32, #tpu.memory_space<hbm>> -> memref<1x128xi32, #tpu.memory_space<hbm>>
    %dma_wait3A_122 = tpu.memref_squeeze %dma_wait3A_121 : memref<1x128xi32, #tpu.memory_space<hbm>> -> memref<128xi32, #tpu.memory_space<hbm>>
    tpu.wait_dma2 semaphore(%arg19 : memref<!tpu.dma_semaphore, #tpu.memory_space<semaphore_mem>>) src(%dma_wait3A_122 : memref<128xi32, #tpu.memory_space<hbm>>) dst(%arg10 : memref<128xi32, #tpu.memory_space<vmem>>)
    %dma_start3A_123 = arith.constant 0 : i32
    %dma_start3A_124 = arith.constant 0 : i32
    %dma_start3A_125 = tpu.memref_slice %arg2[%dma_start3A_123, %dma_start3A_124] : memref<10240x128xf32, #tpu.memory_space<hbm>> -> memref<10240x128xf32, #tpu.memory_space<hbm>>
    tpu.enqueue_indirect_dma source(%dma_start3A_125 : memref<10240x128xf32, #tpu.memory_space<hbm>>) target(%arg12 : memref<128x128xf32, #tpu.memory_space<vmem>>) offsets(%arg10 : memref<128xi32, #tpu.memory_space<vmem>>) semaphore(%arg15 : memref<!tpu.dma_semaphore, #tpu.memory_space<semaphore_mem>>)
    %dma_wait3A_126 = arith.constant 0 : i32
    %dma_wait3A_127 = arith.constant 0 : i32
    %dma_wait3A_128 = tpu.memref_slice %arg2[%dma_wait3A_126, %dma_wait3A_127] : memref<10240x128xf32, #tpu.memory_space<hbm>> -> memref<128x128xf32, #tpu.memory_space<hbm>>
    %dma_wait3A_129 = arith.constant 0 : i32
    %dma_wait3A_130 = arith.constant 0 : i32
    %dma_wait3A_131 = tpu.memref_slice %arg2[%dma_wait3A_129, %dma_wait3A_130] : memref<10240x128xf32, #tpu.memory_space<hbm>> -> memref<128x128xf32, #tpu.memory_space<hbm>>
    tpu.wait_dma2 semaphore(%arg16 : memref<!tpu.dma_semaphore, #tpu.memory_space<semaphore_mem>>) src(%dma_wait3A_131 : memref<128x128xf32, #tpu.memory_space<hbm>>) dst(%arg13 : memref<128x128xf32, #tpu.memory_space<vmem>>)
    %run_scoped3A_132 = arith.constant 77 : i32
    "tpu.region"() ({
      %run_scoped3A_166 = tpu.sem_alloc : memref<!tpu.dma_semaphore, #tpu.memory_space<semaphore_mem>>
      %dma_start3A_167 = arith.constant 0 : i32
      %dma_start3A_168 = tpu.memref_slice %arg7[%run_scoped3A_132, %dma_start3A_167] : memref<80x128xi32, #tpu.memory_space<vmem>> -> memref<1x128xi32, #tpu.memory_space<vmem>>
      %dma_start3A_169 = tpu.memref_squeeze %dma_start3A_168 : memref<1x128xi32, #tpu.memory_space<vmem>> -> memref<128xi32, #tpu.memory_space<vmem>>
      %dma_start3A_170 = arith.constant 0 : i32
      %dma_start3A_171 = arith.constant 0 : i32
      %dma_start3A_172 = tpu.memref_slice %arg14[%dma_start3A_170, %dma_start3A_171] : memref<10240x128xf32, #tpu.memory_space<vmem_shared>> -> memref<10240x128xf32, #tpu.memory_space<vmem_shared>>
      tpu.enqueue_indirect_dma source(%arg13 : memref<128x128xf32, #tpu.memory_space<vmem>>) target(%dma_start3A_172 : memref<10240x128xf32, #tpu.memory_space<vmem_shared>>) offsets(%dma_start3A_169 : memref<128xi32, #tpu.memory_space<vmem>>) semaphore(%run_scoped3A_166 : memref<!tpu.dma_semaphore, #tpu.memory_space<semaphore_mem>>) {add = true}
      %dma_wait3A_173 = arith.constant 0 : i32
      %dma_wait3A_174 = tpu.memref_slice %arg7[%run_scoped3A_132, %dma_wait3A_173] : memref<80x128xi32, #tpu.memory_space<vmem>> -> memref<1x128xi32, #tpu.memory_space<vmem>>
      %dma_wait3A_175 = tpu.memref_squeeze %dma_wait3A_174 : memref<1x128xi32, #tpu.memory_space<vmem>> -> memref<128xi32, #tpu.memory_space<vmem>>
      %dma_wait3A_176 = arith.constant 0 : i32
      %dma_wait3A_177 = arith.constant 0 : i32
      %dma_wait3A_178 = tpu.memref_slice %arg14[%dma_wait3A_176, %dma_wait3A_177] : memref<10240x128xf32, #tpu.memory_space<vmem_shared>> -> memref<10240x128xf32, #tpu.memory_space<vmem_shared>>
      tpu.wait_indirect_dma semaphore(%run_scoped3A_166 : memref<!tpu.dma_semaphore, #tpu.memory_space<semaphore_mem>>) src(%arg13 : memref<128x128xf32, #tpu.memory_space<vmem>>) dst(%dma_wait3A_178 : memref<10240x128xf32, #tpu.memory_space<vmem_shared>>)
      tpu.yield
    }) : () -> ()
    %dma_wait3A_133 = arith.constant 0 : i32
    %dma_wait3A_134 = arith.constant 0 : i32
    %dma_wait3A_135 = arith.constant 0 : i32
    %dma_wait3A_136 = tpu.memref_slice %arg3[%add3A, %dma_wait3A_134, %dma_wait3A_135] : memref<32x80x128xi32, #tpu.memory_space<hbm>> -> memref<1x80x128xi32, #tpu.memory_space<hbm>>
    %dma_wait3A_137 = tpu.memref_squeeze %dma_wait3A_136 : memref<1x80x128xi32, #tpu.memory_space<hbm>> -> memref<80x128xi32, #tpu.memory_space<hbm>>
    %dma_wait3A_138 = arith.constant 0 : i32
    %dma_wait3A_139 = tpu.memref_slice %dma_wait3A_137[%dma_wait3A_133, %dma_wait3A_138] : memref<80x128xi32, #tpu.memory_space<hbm>> -> memref<1x128xi32, #tpu.memory_space<hbm>>
    %dma_wait3A_140 = tpu.memref_squeeze %dma_wait3A_139 : memref<1x128xi32, #tpu.memory_space<hbm>> -> memref<128xi32, #tpu.memory_space<hbm>>
    %dma_wait3A_141 = arith.constant 0 : i32
    %dma_wait3A_142 = arith.constant 0 : i32
    %dma_wait3A_143 = tpu.memref_slice %arg3[%add3A, %dma_wait3A_141, %dma_wait3A_142] : memref<32x80x128xi32, #tpu.memory_space<hbm>> -> memref<1x80x128xi32, #tpu.memory_space<hbm>>
    %dma_wait3A_144 = tpu.memref_squeeze %dma_wait3A_143 : memref<1x80x128xi32, #tpu.memory_space<hbm>> -> memref<80x128xi32, #tpu.memory_space<hbm>>
    %dma_wait3A_145 = arith.constant 0 : i32
    %dma_wait3A_146 = tpu.memref_slice %dma_wait3A_144[%dma_wait3A_133, %dma_wait3A_145] : memref<80x128xi32, #tpu.memory_space<hbm>> -> memref<1x128xi32, #tpu.memory_space<hbm>>
    %dma_wait3A_147 = tpu.memref_squeeze %dma_wait3A_146 : memref<1x128xi32, #tpu.memory_space<hbm>> -> memref<128xi32, #tpu.memory_space<hbm>>
    tpu.wait_dma2 semaphore(%arg20 : memref<!tpu.dma_semaphore, #tpu.memory_space<semaphore_mem>>) src(%dma_wait3A_147 : memref<128xi32, #tpu.memory_space<hbm>>) dst(%arg11 : memref<128xi32, #tpu.memory_space<vmem>>)
    %dma_start3A_148 = arith.constant 0 : i32
    %dma_start3A_149 = arith.constant 0 : i32
    %dma_start3A_150 = tpu.memref_slice %arg2[%dma_start3A_148, %dma_start3A_149] : memref<10240x128xf32, #tpu.memory_space<hbm>> -> memref<10240x128xf32, #tpu.memory_space<hbm>>
    tpu.enqueue_indirect_dma source(%dma_start3A_150 : memref<10240x128xf32, #tpu.memory_space<hbm>>) target(%arg13 : memref<128x128xf32, #tpu.memory_space<vmem>>) offsets(%arg11 : memref<128xi32, #tpu.memory_space<vmem>>) semaphore(%arg16 : memref<!tpu.dma_semaphore, #tpu.memory_space<semaphore_mem>>)
    %dma_wait3A_151 = arith.constant 0 : i32
    %dma_wait3A_152 = arith.constant 0 : i32
    %dma_wait3A_153 = tpu.memref_slice %arg2[%dma_wait3A_151, %dma_wait3A_152] : memref<10240x128xf32, #tpu.memory_space<hbm>> -> memref<128x128xf32, #tpu.memory_space<hbm>>
    %dma_wait3A_154 = arith.constant 0 : i32
    %dma_wait3A_155 = arith.constant 0 : i32
    %dma_wait3A_156 = tpu.memref_slice %arg2[%dma_wait3A_154, %dma_wait3A_155] : memref<10240x128xf32, #tpu.memory_space<hbm>> -> memref<128x128xf32, #tpu.memory_space<hbm>>
    tpu.wait_dma2 semaphore(%arg15 : memref<!tpu.dma_semaphore, #tpu.memory_space<semaphore_mem>>) src(%dma_wait3A_156 : memref<128x128xf32, #tpu.memory_space<hbm>>) dst(%arg12 : memref<128x128xf32, #tpu.memory_space<vmem>>)
    %run_scoped3A_157 = arith.constant 78 : i32
    "tpu.region"() ({
      %run_scoped3A_166 = tpu.sem_alloc : memref<!tpu.dma_semaphore, #tpu.memory_space<semaphore_mem>>
      %dma_start3A_167 = arith.constant 0 : i32
      %dma_start3A_168 = tpu.memref_slice %arg7[%run_scoped3A_157, %dma_start3A_167] : memref<80x128xi32, #tpu.memory_space<vmem>> -> memref<1x128xi32, #tpu.memory_space<vmem>>
      %dma_start3A_169 = tpu.memref_squeeze %dma_start3A_168 : memref<1x128xi32, #tpu.memory_space<vmem>> -> memref<128xi32, #tpu.memory_space<vmem>>
      %dma_start3A_170 = arith.constant 0 : i32
      %dma_start3A_171 = arith.constant 0 : i32
      %dma_start3A_172 = tpu.memref_slice %arg14[%dma_start3A_170, %dma_start3A_171] : memref<10240x128xf32, #tpu.memory_space<vmem_shared>> -> memref<10240x128xf32, #tpu.memory_space<vmem_shared>>
      tpu.enqueue_indirect_dma source(%arg12 : memref<128x128xf32, #tpu.memory_space<vmem>>) target(%dma_start3A_172 : memref<10240x128xf32, #tpu.memory_space<vmem_shared>>) offsets(%dma_start3A_169 : memref<128xi32, #tpu.memory_space<vmem>>) semaphore(%run_scoped3A_166 : memref<!tpu.dma_semaphore, #tpu.memory_space<semaphore_mem>>) {add = true}
      %dma_wait3A_173 = arith.constant 0 : i32
      %dma_wait3A_174 = tpu.memref_slice %arg7[%run_scoped3A_157, %dma_wait3A_173] : memref<80x128xi32, #tpu.memory_space<vmem>> -> memref<1x128xi32, #tpu.memory_space<vmem>>
      %dma_wait3A_175 = tpu.memref_squeeze %dma_wait3A_174 : memref<1x128xi32, #tpu.memory_space<vmem>> -> memref<128xi32, #tpu.memory_space<vmem>>
      %dma_wait3A_176 = arith.constant 0 : i32
      %dma_wait3A_177 = arith.constant 0 : i32
      %dma_wait3A_178 = tpu.memref_slice %arg14[%dma_wait3A_176, %dma_wait3A_177] : memref<10240x128xf32, #tpu.memory_space<vmem_shared>> -> memref<10240x128xf32, #tpu.memory_space<vmem_shared>>
      tpu.wait_indirect_dma semaphore(%run_scoped3A_166 : memref<!tpu.dma_semaphore, #tpu.memory_space<semaphore_mem>>) src(%arg12 : memref<128x128xf32, #tpu.memory_space<vmem>>) dst(%dma_wait3A_178 : memref<10240x128xf32, #tpu.memory_space<vmem_shared>>)
      tpu.yield
    }) : () -> ()
    %dma_wait3A_158 = arith.constant 0 : i32
    %dma_wait3A_159 = arith.constant 0 : i32
    %dma_wait3A_160 = tpu.memref_slice %arg2[%dma_wait3A_158, %dma_wait3A_159] : memref<10240x128xf32, #tpu.memory_space<hbm>> -> memref<128x128xf32, #tpu.memory_space<hbm>>
    %dma_wait3A_161 = arith.constant 0 : i32
    %dma_wait3A_162 = arith.constant 0 : i32
    %dma_wait3A_163 = tpu.memref_slice %arg2[%dma_wait3A_161, %dma_wait3A_162] : memref<10240x128xf32, #tpu.memory_space<hbm>> -> memref<128x128xf32, #tpu.memory_space<hbm>>
    tpu.wait_dma2 semaphore(%arg16 : memref<!tpu.dma_semaphore, #tpu.memory_space<semaphore_mem>>) src(%dma_wait3A_163 : memref<128x128xf32, #tpu.memory_space<hbm>>) dst(%arg13 : memref<128x128xf32, #tpu.memory_space<vmem>>)
    %run_scoped3A_164 = arith.constant 79 : i32
    "tpu.region"() ({
      %run_scoped3A_166 = tpu.sem_alloc : memref<!tpu.dma_semaphore, #tpu.memory_space<semaphore_mem>>
      %dma_start3A_167 = arith.constant 0 : i32
      %dma_start3A_168 = tpu.memref_slice %arg7[%run_scoped3A_164, %dma_start3A_167] : memref<80x128xi32, #tpu.memory_space<vmem>> -> memref<1x128xi32, #tpu.memory_space<vmem>>
      %dma_start3A_169 = tpu.memref_squeeze %dma_start3A_168 : memref<1x128xi32, #tpu.memory_space<vmem>> -> memref<128xi32, #tpu.memory_space<vmem>>
      %dma_start3A_170 = arith.constant 0 : i32
      %dma_start3A_171 = arith.constant 0 : i32
      %dma_start3A_172 = tpu.memref_slice %arg14[%dma_start3A_170, %dma_start3A_171] : memref<10240x128xf32, #tpu.memory_space<vmem_shared>> -> memref<10240x128xf32, #tpu.memory_space<vmem_shared>>
      tpu.enqueue_indirect_dma source(%arg13 : memref<128x128xf32, #tpu.memory_space<vmem>>) target(%dma_start3A_172 : memref<10240x128xf32, #tpu.memory_space<vmem_shared>>) offsets(%dma_start3A_169 : memref<128xi32, #tpu.memory_space<vmem>>) semaphore(%run_scoped3A_166 : memref<!tpu.dma_semaphore, #tpu.memory_space<semaphore_mem>>) {add = true}
      %dma_wait3A_173 = arith.constant 0 : i32
      %dma_wait3A_174 = tpu.memref_slice %arg7[%run_scoped3A_164, %dma_wait3A_173] : memref<80x128xi32, #tpu.memory_space<vmem>> -> memref<1x128xi32, #tpu.memory_space<vmem>>
      %dma_wait3A_175 = tpu.memref_squeeze %dma_wait3A_174 : memref<1x128xi32, #tpu.memory_space<vmem>> -> memref<128xi32, #tpu.memory_space<vmem>>
      %dma_wait3A_176 = arith.constant 0 : i32
      %dma_wait3A_177 = arith.constant 0 : i32
      %dma_wait3A_178 = tpu.memref_slice %arg14[%dma_wait3A_176, %dma_wait3A_177] : memref<10240x128xf32, #tpu.memory_space<vmem_shared>> -> memref<10240x128xf32, #tpu.memory_space<vmem_shared>>
      tpu.wait_indirect_dma semaphore(%run_scoped3A_166 : memref<!tpu.dma_semaphore, #tpu.memory_space<semaphore_mem>>) src(%arg13 : memref<128x128xf32, #tpu.memory_space<vmem>>) dst(%dma_wait3A_178 : memref<10240x128xf32, #tpu.memory_space<vmem_shared>>)
      tpu.yield
    }) : () -> ()
    %barrier3A_165 = arith.constant 0 : index
    tpu.barrier barrier_id(%barrier3A_165)
    "tpu.region"() ({
      %run_scoped3A_166 = tpu.sem_alloc : memref<!tpu.dma_semaphore, #tpu.memory_space<semaphore_mem>>
      %dma_start3A_167 = arith.constant 0 : i32
      %dma_start3A_168 = arith.constant 0 : i32
      %dma_start3A_169 = tpu.memref_slice %arg6[%arg0, %dma_start3A_167, %dma_start3A_168] : memref<2x10240x128xf32, #tpu.memory_space<hbm>> -> memref<1x10240x128xf32, #tpu.memory_space<hbm>>
      %dma_start3A_170 = tpu.memref_squeeze %dma_start3A_169 : memref<1x10240x128xf32, #tpu.memory_space<hbm>> -> memref<10240x128xf32, #tpu.memory_space<hbm>>
      %dma_start3A_171 = arith.constant 0 : i32
      %dma_start3A_172 = tpu.memref_slice %dma_start3A_170[%mul3A_2, %dma_start3A_171] : memref<10240x128xf32, #tpu.memory_space<hbm>> -> memref<640x128xf32, #tpu.memory_space<hbm>>
      %dma_start3A_173 = arith.constant 0 : i32
      %dma_start3A_174 = tpu.memref_slice %arg14[%mul3A_2, %dma_start3A_173] : memref<10240x128xf32, #tpu.memory_space<vmem_shared>> -> memref<640x128xf32, #tpu.memory_space<vmem_shared>>
      tpu.enqueue_dma source(%dma_start3A_174 : memref<640x128xf32, #tpu.memory_space<vmem_shared>>) target(%dma_start3A_172 : memref<640x128xf32, #tpu.memory_space<hbm>>) target_semaphore(%run_scoped3A_166 : memref<!tpu.dma_semaphore, #tpu.memory_space<semaphore_mem>>)
      %dma_wait3A_175 = arith.constant 0 : i32
      %dma_wait3A_176 = arith.constant 0 : i32
      %dma_wait3A_177 = tpu.memref_slice %arg6[%arg0, %dma_wait3A_175, %dma_wait3A_176] : memref<2x10240x128xf32, #tpu.memory_space<hbm>> -> memref<1x10240x128xf32, #tpu.memory_space<hbm>>
      %dma_wait3A_178 = tpu.memref_squeeze %dma_wait3A_177 : memref<1x10240x128xf32, #tpu.memory_space<hbm>> -> memref<10240x128xf32, #tpu.memory_space<hbm>>
      %dma_wait3A_179 = arith.constant 0 : i32
      %dma_wait3A_180 = tpu.memref_slice %dma_wait3A_178[%mul3A_2, %dma_wait3A_179] : memref<10240x128xf32, #tpu.memory_space<hbm>> -> memref<640x128xf32, #tpu.memory_space<hbm>>
      %dma_wait3A_181 = arith.constant 0 : i32
      %dma_wait3A_182 = tpu.memref_slice %arg14[%mul3A_2, %dma_wait3A_181] : memref<10240x128xf32, #tpu.memory_space<vmem_shared>> -> memref<640x128xf32, #tpu.memory_space<vmem_shared>>
      tpu.wait_dma2 semaphore(%run_scoped3A_166 : memref<!tpu.dma_semaphore, #tpu.memory_space<semaphore_mem>>) src(%dma_wait3A_182 : memref<640x128xf32, #tpu.memory_space<vmem_shared>>) dst(%dma_wait3A_180 : memref<640x128xf32, #tpu.memory_space<hbm>>)
      tpu.yield
    }) : () -> ()
    return
  }
}

#map = affine_map<(d0, d1) -> (0, 0, 0)>
#map1 = affine_map<(d0, d1) -> (0, 0)>
module attributes {stable_mosaic.version = 14 : i64} {
  func.func @k(%arg0: i32, %arg1: i32, %arg2: memref<32x80x128xi32, #tpu.memory_space<hbm>>, %arg3: memref<128x128xf32, #tpu.memory_space<hbm>>, %arg4: memref<640x128xf32, #tpu.memory_space<hbm>>, %arg5: memref<2x10240x128xf32, #tpu.memory_space<hbm>>, %arg6: memref<80x128xi32, #tpu.memory_space<vmem>>, %arg7: memref<128x128xf32, #tpu.memory_space<vmem>>, %arg8: memref<10240x128xf32, #tpu.memory_space<vmem_shared>>, %arg9: memref<!tpu.dma_semaphore, #tpu.memory_space<semaphore_mem>>) attributes {dimension_semantics = [#tpu.dimension_semantics<core_parallel>, #tpu.dimension_semantics<subcore_parallel>], iteration_bounds = array<i64: 2, 16>, scalar_prefetch = 0 : i64, scratch_operands = 4 : i64, tpu.core_type = #tpu.core_type<sc_vector_subcore>, window_params = [{transform_indices = #map}, {transform_indices = #map1}, {transform_indices = #map1}, {transform_indices = #map}]} {
    %mul3A = arith.constant 2 : i32
    %mul3A_0 = arith.muli %arg1, %mul3A : i32
    %add3A = arith.addi %mul3A_0, %arg0 : i32
    "tpu.region"() ({
      %run_scoped3A = tpu.sem_alloc : memref<!tpu.dma_semaphore, #tpu.memory_space<semaphore_mem>>
      %dma_start3A = arith.constant 0 : i32
      %dma_start3A_9 = arith.constant 0 : i32
      %dma_start3A_10 = tpu.memref_slice %arg2[%add3A, %dma_start3A, %dma_start3A_9] : memref<32x80x128xi32, #tpu.memory_space<hbm>> -> memref<1x80x128xi32, #tpu.memory_space<hbm>>
      %dma_start3A_11 = tpu.memref_squeeze %dma_start3A_10 : memref<1x80x128xi32, #tpu.memory_space<hbm>> -> memref<80x128xi32, #tpu.memory_space<hbm>>
      %dma_start3A_12 = arith.constant 0 : i32
      %dma_start3A_13 = arith.constant 0 : i32
      %dma_start3A_14 = tpu.memref_slice %arg2[%add3A, %dma_start3A_12, %dma_start3A_13] : memref<32x80x128xi32, #tpu.memory_space<hbm>> -> memref<1x80x128xi32, #tpu.memory_space<hbm>>
      %dma_start3A_15 = tpu.memref_squeeze %dma_start3A_14 : memref<1x80x128xi32, #tpu.memory_space<hbm>> -> memref<80x128xi32, #tpu.memory_space<hbm>>
      tpu.enqueue_dma source(%dma_start3A_15 : memref<80x128xi32, #tpu.memory_space<hbm>>) target(%arg6 : memref<80x128xi32, #tpu.memory_space<vmem>>) target_semaphore(%run_scoped3A : memref<!tpu.dma_semaphore, #tpu.memory_space<semaphore_mem>>)
      %dma_wait3A = arith.constant 0 : i32
      %dma_wait3A_16 = arith.constant 0 : i32
      %dma_wait3A_17 = tpu.memref_slice %arg2[%add3A, %dma_wait3A, %dma_wait3A_16] : memref<32x80x128xi32, #tpu.memory_space<hbm>> -> memref<1x80x128xi32, #tpu.memory_space<hbm>>
      %dma_wait3A_18 = tpu.memref_squeeze %dma_wait3A_17 : memref<1x80x128xi32, #tpu.memory_space<hbm>> -> memref<80x128xi32, #tpu.memory_space<hbm>>
      %dma_wait3A_19 = arith.constant 0 : i32
      %dma_wait3A_20 = arith.constant 0 : i32
      %dma_wait3A_21 = tpu.memref_slice %arg2[%add3A, %dma_wait3A_19, %dma_wait3A_20] : memref<32x80x128xi32, #tpu.memory_space<hbm>> -> memref<1x80x128xi32, #tpu.memory_space<hbm>>
      %dma_wait3A_22 = tpu.memref_squeeze %dma_wait3A_21 : memref<1x80x128xi32, #tpu.memory_space<hbm>> -> memref<80x128xi32, #tpu.memory_space<hbm>>
      tpu.wait_dma2 semaphore(%run_scoped3A : memref<!tpu.dma_semaphore, #tpu.memory_space<semaphore_mem>>) src(%dma_wait3A_22 : memref<80x128xi32, #tpu.memory_space<hbm>>) dst(%arg6 : memref<80x128xi32, #tpu.memory_space<vmem>>)
      tpu.yield
    }) : () -> ()
    "tpu.region"() ({
      %run_scoped3A = tpu.sem_alloc : memref<!tpu.dma_semaphore, #tpu.memory_space<semaphore_mem>>
      tpu.enqueue_dma source(%arg3 : memref<128x128xf32, #tpu.memory_space<hbm>>) target(%arg7 : memref<128x128xf32, #tpu.memory_space<vmem>>) target_semaphore(%run_scoped3A : memref<!tpu.dma_semaphore, #tpu.memory_space<semaphore_mem>>)
      tpu.wait_dma2 semaphore(%run_scoped3A : memref<!tpu.dma_semaphore, #tpu.memory_space<semaphore_mem>>) src(%arg3 : memref<128x128xf32, #tpu.memory_space<hbm>>) dst(%arg7 : memref<128x128xf32, #tpu.memory_space<vmem>>)
      tpu.yield
    }) : () -> ()
    %mul3A_1 = arith.constant 640 : i32
    %mul3A_2 = arith.muli %arg1, %mul3A_1 : i32
    "tpu.region"() ({
      %run_scoped3A = tpu.sem_alloc : memref<!tpu.dma_semaphore, #tpu.memory_space<semaphore_mem>>
      %dma_start3A = arith.constant 0 : i32
      %dma_start3A_9 = tpu.memref_slice %arg8[%mul3A_2, %dma_start3A] : memref<10240x128xf32, #tpu.memory_space<vmem_shared>> -> memref<640x128xf32, #tpu.memory_space<vmem_shared>>
      tpu.enqueue_dma source(%arg4 : memref<640x128xf32, #tpu.memory_space<hbm>>) target(%dma_start3A_9 : memref<640x128xf32, #tpu.memory_space<vmem_shared>>) target_semaphore(%run_scoped3A : memref<!tpu.dma_semaphore, #tpu.memory_space<semaphore_mem>>)
      %dma_wait3A = arith.constant 0 : i32
      %dma_wait3A_10 = tpu.memref_slice %arg8[%mul3A_2, %dma_wait3A] : memref<10240x128xf32, #tpu.memory_space<vmem_shared>> -> memref<640x128xf32, #tpu.memory_space<vmem_shared>>
      tpu.wait_dma2 semaphore(%run_scoped3A : memref<!tpu.dma_semaphore, #tpu.memory_space<semaphore_mem>>) src(%arg4 : memref<640x128xf32, #tpu.memory_space<hbm>>) dst(%dma_wait3A_10 : memref<640x128xf32, #tpu.memory_space<vmem_shared>>)
      tpu.yield
    }) : () -> ()
    %barrier3A = arith.constant 0 : index
    tpu.barrier barrier_id(%barrier3A)
    %scan3A = arith.constant 0 : i32
    %scan3A_3 = arith.constant 0 : i32
    %scan3A_4 = arith.constant 5 : i32
    %scan3A_5 = arith.addi %scan3A_3, %scan3A_4 : i32
    %scan3A_6 = arith.constant 1 : i32
    scf.for %scan3A_9 = %scan3A_3 to %scan3A_5 step %scan3A_6  : i32 {
      %mul3A_10 = arith.constant 16 : i32
      %mul3A_11 = arith.muli %scan3A_9, %mul3A_10 : i32
      %add3A_12 = arith.constant 0 : i32
      %add3A_13 = arith.addi %mul3A_11, %add3A_12 : i32
      %dma_start3A = arith.constant 0 : i32
      %dma_start3A_14 = tpu.memref_slice %arg6[%add3A_13, %dma_start3A] : memref<80x128xi32, #tpu.memory_space<vmem>> -> memref<1x128xi32, #tpu.memory_space<vmem>>
      %dma_start3A_15 = tpu.memref_squeeze %dma_start3A_14 : memref<1x128xi32, #tpu.memory_space<vmem>> -> memref<128xi32, #tpu.memory_space<vmem>>
      %dma_start3A_16 = arith.constant 0 : i32
      %dma_start3A_17 = arith.constant 0 : i32
      %dma_start3A_18 = tpu.memref_slice %arg8[%dma_start3A_16, %dma_start3A_17] : memref<10240x128xf32, #tpu.memory_space<vmem_shared>> -> memref<10240x128xf32, #tpu.memory_space<vmem_shared>>
      tpu.enqueue_indirect_dma source(%arg7 : memref<128x128xf32, #tpu.memory_space<vmem>>) target(%dma_start3A_18 : memref<10240x128xf32, #tpu.memory_space<vmem_shared>>) offsets(%dma_start3A_15 : memref<128xi32, #tpu.memory_space<vmem>>) semaphore(%arg9 : memref<!tpu.dma_semaphore, #tpu.memory_space<semaphore_mem>>) {add = true}
      %add3A_19 = arith.constant 1 : i32
      %add3A_20 = arith.addi %mul3A_11, %add3A_19 : i32
      %dma_start3A_21 = arith.constant 0 : i32
      %dma_start3A_22 = tpu.memref_slice %arg6[%add3A_20, %dma_start3A_21] : memref<80x128xi32, #tpu.memory_space<vmem>> -> memref<1x128xi32, #tpu.memory_space<vmem>>
      %dma_start3A_23 = tpu.memref_squeeze %dma_start3A_22 : memref<1x128xi32, #tpu.memory_space<vmem>> -> memref<128xi32, #tpu.memory_space<vmem>>
      %dma_start3A_24 = arith.constant 0 : i32
      %dma_start3A_25 = arith.constant 0 : i32
      %dma_start3A_26 = tpu.memref_slice %arg8[%dma_start3A_24, %dma_start3A_25] : memref<10240x128xf32, #tpu.memory_space<vmem_shared>> -> memref<10240x128xf32, #tpu.memory_space<vmem_shared>>
      tpu.enqueue_indirect_dma source(%arg7 : memref<128x128xf32, #tpu.memory_space<vmem>>) target(%dma_start3A_26 : memref<10240x128xf32, #tpu.memory_space<vmem_shared>>) offsets(%dma_start3A_23 : memref<128xi32, #tpu.memory_space<vmem>>) semaphore(%arg9 : memref<!tpu.dma_semaphore, #tpu.memory_space<semaphore_mem>>) {add = true}
      %add3A_27 = arith.constant 2 : i32
      %add3A_28 = arith.addi %mul3A_11, %add3A_27 : i32
      %dma_start3A_29 = arith.constant 0 : i32
      %dma_start3A_30 = tpu.memref_slice %arg6[%add3A_28, %dma_start3A_29] : memref<80x128xi32, #tpu.memory_space<vmem>> -> memref<1x128xi32, #tpu.memory_space<vmem>>
      %dma_start3A_31 = tpu.memref_squeeze %dma_start3A_30 : memref<1x128xi32, #tpu.memory_space<vmem>> -> memref<128xi32, #tpu.memory_space<vmem>>
      %dma_start3A_32 = arith.constant 0 : i32
      %dma_start3A_33 = arith.constant 0 : i32
      %dma_start3A_34 = tpu.memref_slice %arg8[%dma_start3A_32, %dma_start3A_33] : memref<10240x128xf32, #tpu.memory_space<vmem_shared>> -> memref<10240x128xf32, #tpu.memory_space<vmem_shared>>
      tpu.enqueue_indirect_dma source(%arg7 : memref<128x128xf32, #tpu.memory_space<vmem>>) target(%dma_start3A_34 : memref<10240x128xf32, #tpu.memory_space<vmem_shared>>) offsets(%dma_start3A_31 : memref<128xi32, #tpu.memory_space<vmem>>) semaphore(%arg9 : memref<!tpu.dma_semaphore, #tpu.memory_space<semaphore_mem>>) {add = true}
      %add3A_35 = arith.constant 3 : i32
      %add3A_36 = arith.addi %mul3A_11, %add3A_35 : i32
      %dma_start3A_37 = arith.constant 0 : i32
      %dma_start3A_38 = tpu.memref_slice %arg6[%add3A_36, %dma_start3A_37] : memref<80x128xi32, #tpu.memory_space<vmem>> -> memref<1x128xi32, #tpu.memory_space<vmem>>
      %dma_start3A_39 = tpu.memref_squeeze %dma_start3A_38 : memref<1x128xi32, #tpu.memory_space<vmem>> -> memref<128xi32, #tpu.memory_space<vmem>>
      %dma_start3A_40 = arith.constant 0 : i32
      %dma_start3A_41 = arith.constant 0 : i32
      %dma_start3A_42 = tpu.memref_slice %arg8[%dma_start3A_40, %dma_start3A_41] : memref<10240x128xf32, #tpu.memory_space<vmem_shared>> -> memref<10240x128xf32, #tpu.memory_space<vmem_shared>>
      tpu.enqueue_indirect_dma source(%arg7 : memref<128x128xf32, #tpu.memory_space<vmem>>) target(%dma_start3A_42 : memref<10240x128xf32, #tpu.memory_space<vmem_shared>>) offsets(%dma_start3A_39 : memref<128xi32, #tpu.memory_space<vmem>>) semaphore(%arg9 : memref<!tpu.dma_semaphore, #tpu.memory_space<semaphore_mem>>) {add = true}
      %add3A_43 = arith.constant 4 : i32
      %add3A_44 = arith.addi %mul3A_11, %add3A_43 : i32
      %dma_start3A_45 = arith.constant 0 : i32
      %dma_start3A_46 = tpu.memref_slice %arg6[%add3A_44, %dma_start3A_45] : memref<80x128xi32, #tpu.memory_space<vmem>> -> memref<1x128xi32, #tpu.memory_space<vmem>>
      %dma_start3A_47 = tpu.memref_squeeze %dma_start3A_46 : memref<1x128xi32, #tpu.memory_space<vmem>> -> memref<128xi32, #tpu.memory_space<vmem>>
      %dma_start3A_48 = arith.constant 0 : i32
      %dma_start3A_49 = arith.constant 0 : i32
      %dma_start3A_50 = tpu.memref_slice %arg8[%dma_start3A_48, %dma_start3A_49] : memref<10240x128xf32, #tpu.memory_space<vmem_shared>> -> memref<10240x128xf32, #tpu.memory_space<vmem_shared>>
      tpu.enqueue_indirect_dma source(%arg7 : memref<128x128xf32, #tpu.memory_space<vmem>>) target(%dma_start3A_50 : memref<10240x128xf32, #tpu.memory_space<vmem_shared>>) offsets(%dma_start3A_47 : memref<128xi32, #tpu.memory_space<vmem>>) semaphore(%arg9 : memref<!tpu.dma_semaphore, #tpu.memory_space<semaphore_mem>>) {add = true}
      %add3A_51 = arith.constant 5 : i32
      %add3A_52 = arith.addi %mul3A_11, %add3A_51 : i32
      %dma_start3A_53 = arith.constant 0 : i32
      %dma_start3A_54 = tpu.memref_slice %arg6[%add3A_52, %dma_start3A_53] : memref<80x128xi32, #tpu.memory_space<vmem>> -> memref<1x128xi32, #tpu.memory_space<vmem>>
      %dma_start3A_55 = tpu.memref_squeeze %dma_start3A_54 : memref<1x128xi32, #tpu.memory_space<vmem>> -> memref<128xi32, #tpu.memory_space<vmem>>
      %dma_start3A_56 = arith.constant 0 : i32
      %dma_start3A_57 = arith.constant 0 : i32
      %dma_start3A_58 = tpu.memref_slice %arg8[%dma_start3A_56, %dma_start3A_57] : memref<10240x128xf32, #tpu.memory_space<vmem_shared>> -> memref<10240x128xf32, #tpu.memory_space<vmem_shared>>
      tpu.enqueue_indirect_dma source(%arg7 : memref<128x128xf32, #tpu.memory_space<vmem>>) target(%dma_start3A_58 : memref<10240x128xf32, #tpu.memory_space<vmem_shared>>) offsets(%dma_start3A_55 : memref<128xi32, #tpu.memory_space<vmem>>) semaphore(%arg9 : memref<!tpu.dma_semaphore, #tpu.memory_space<semaphore_mem>>) {add = true}
      %add3A_59 = arith.constant 6 : i32
      %add3A_60 = arith.addi %mul3A_11, %add3A_59 : i32
      %dma_start3A_61 = arith.constant 0 : i32
      %dma_start3A_62 = tpu.memref_slice %arg6[%add3A_60, %dma_start3A_61] : memref<80x128xi32, #tpu.memory_space<vmem>> -> memref<1x128xi32, #tpu.memory_space<vmem>>
      %dma_start3A_63 = tpu.memref_squeeze %dma_start3A_62 : memref<1x128xi32, #tpu.memory_space<vmem>> -> memref<128xi32, #tpu.memory_space<vmem>>
      %dma_start3A_64 = arith.constant 0 : i32
      %dma_start3A_65 = arith.constant 0 : i32
      %dma_start3A_66 = tpu.memref_slice %arg8[%dma_start3A_64, %dma_start3A_65] : memref<10240x128xf32, #tpu.memory_space<vmem_shared>> -> memref<10240x128xf32, #tpu.memory_space<vmem_shared>>
      tpu.enqueue_indirect_dma source(%arg7 : memref<128x128xf32, #tpu.memory_space<vmem>>) target(%dma_start3A_66 : memref<10240x128xf32, #tpu.memory_space<vmem_shared>>) offsets(%dma_start3A_63 : memref<128xi32, #tpu.memory_space<vmem>>) semaphore(%arg9 : memref<!tpu.dma_semaphore, #tpu.memory_space<semaphore_mem>>) {add = true}
      %add3A_67 = arith.constant 7 : i32
      %add3A_68 = arith.addi %mul3A_11, %add3A_67 : i32
      %dma_start3A_69 = arith.constant 0 : i32
      %dma_start3A_70 = tpu.memref_slice %arg6[%add3A_68, %dma_start3A_69] : memref<80x128xi32, #tpu.memory_space<vmem>> -> memref<1x128xi32, #tpu.memory_space<vmem>>
      %dma_start3A_71 = tpu.memref_squeeze %dma_start3A_70 : memref<1x128xi32, #tpu.memory_space<vmem>> -> memref<128xi32, #tpu.memory_space<vmem>>
      %dma_start3A_72 = arith.constant 0 : i32
      %dma_start3A_73 = arith.constant 0 : i32
      %dma_start3A_74 = tpu.memref_slice %arg8[%dma_start3A_72, %dma_start3A_73] : memref<10240x128xf32, #tpu.memory_space<vmem_shared>> -> memref<10240x128xf32, #tpu.memory_space<vmem_shared>>
      tpu.enqueue_indirect_dma source(%arg7 : memref<128x128xf32, #tpu.memory_space<vmem>>) target(%dma_start3A_74 : memref<10240x128xf32, #tpu.memory_space<vmem_shared>>) offsets(%dma_start3A_71 : memref<128xi32, #tpu.memory_space<vmem>>) semaphore(%arg9 : memref<!tpu.dma_semaphore, #tpu.memory_space<semaphore_mem>>) {add = true}
      %add3A_75 = arith.constant 8 : i32
      %add3A_76 = arith.addi %mul3A_11, %add3A_75 : i32
      %dma_start3A_77 = arith.constant 0 : i32
      %dma_start3A_78 = tpu.memref_slice %arg6[%add3A_76, %dma_start3A_77] : memref<80x128xi32, #tpu.memory_space<vmem>> -> memref<1x128xi32, #tpu.memory_space<vmem>>
      %dma_start3A_79 = tpu.memref_squeeze %dma_start3A_78 : memref<1x128xi32, #tpu.memory_space<vmem>> -> memref<128xi32, #tpu.memory_space<vmem>>
      %dma_start3A_80 = arith.constant 0 : i32
      %dma_start3A_81 = arith.constant 0 : i32
      %dma_start3A_82 = tpu.memref_slice %arg8[%dma_start3A_80, %dma_start3A_81] : memref<10240x128xf32, #tpu.memory_space<vmem_shared>> -> memref<10240x128xf32, #tpu.memory_space<vmem_shared>>
      tpu.enqueue_indirect_dma source(%arg7 : memref<128x128xf32, #tpu.memory_space<vmem>>) target(%dma_start3A_82 : memref<10240x128xf32, #tpu.memory_space<vmem_shared>>) offsets(%dma_start3A_79 : memref<128xi32, #tpu.memory_space<vmem>>) semaphore(%arg9 : memref<!tpu.dma_semaphore, #tpu.memory_space<semaphore_mem>>) {add = true}
      %add3A_83 = arith.constant 9 : i32
      %add3A_84 = arith.addi %mul3A_11, %add3A_83 : i32
      %dma_start3A_85 = arith.constant 0 : i32
      %dma_start3A_86 = tpu.memref_slice %arg6[%add3A_84, %dma_start3A_85] : memref<80x128xi32, #tpu.memory_space<vmem>> -> memref<1x128xi32, #tpu.memory_space<vmem>>
      %dma_start3A_87 = tpu.memref_squeeze %dma_start3A_86 : memref<1x128xi32, #tpu.memory_space<vmem>> -> memref<128xi32, #tpu.memory_space<vmem>>
      %dma_start3A_88 = arith.constant 0 : i32
      %dma_start3A_89 = arith.constant 0 : i32
      %dma_start3A_90 = tpu.memref_slice %arg8[%dma_start3A_88, %dma_start3A_89] : memref<10240x128xf32, #tpu.memory_space<vmem_shared>> -> memref<10240x128xf32, #tpu.memory_space<vmem_shared>>
      tpu.enqueue_indirect_dma source(%arg7 : memref<128x128xf32, #tpu.memory_space<vmem>>) target(%dma_start3A_90 : memref<10240x128xf32, #tpu.memory_space<vmem_shared>>) offsets(%dma_start3A_87 : memref<128xi32, #tpu.memory_space<vmem>>) semaphore(%arg9 : memref<!tpu.dma_semaphore, #tpu.memory_space<semaphore_mem>>) {add = true}
      %add3A_91 = arith.constant 10 : i32
      %add3A_92 = arith.addi %mul3A_11, %add3A_91 : i32
      %dma_start3A_93 = arith.constant 0 : i32
      %dma_start3A_94 = tpu.memref_slice %arg6[%add3A_92, %dma_start3A_93] : memref<80x128xi32, #tpu.memory_space<vmem>> -> memref<1x128xi32, #tpu.memory_space<vmem>>
      %dma_start3A_95 = tpu.memref_squeeze %dma_start3A_94 : memref<1x128xi32, #tpu.memory_space<vmem>> -> memref<128xi32, #tpu.memory_space<vmem>>
      %dma_start3A_96 = arith.constant 0 : i32
      %dma_start3A_97 = arith.constant 0 : i32
      %dma_start3A_98 = tpu.memref_slice %arg8[%dma_start3A_96, %dma_start3A_97] : memref<10240x128xf32, #tpu.memory_space<vmem_shared>> -> memref<10240x128xf32, #tpu.memory_space<vmem_shared>>
      tpu.enqueue_indirect_dma source(%arg7 : memref<128x128xf32, #tpu.memory_space<vmem>>) target(%dma_start3A_98 : memref<10240x128xf32, #tpu.memory_space<vmem_shared>>) offsets(%dma_start3A_95 : memref<128xi32, #tpu.memory_space<vmem>>) semaphore(%arg9 : memref<!tpu.dma_semaphore, #tpu.memory_space<semaphore_mem>>) {add = true}
      %add3A_99 = arith.constant 11 : i32
      %add3A_100 = arith.addi %mul3A_11, %add3A_99 : i32
      %dma_start3A_101 = arith.constant 0 : i32
      %dma_start3A_102 = tpu.memref_slice %arg6[%add3A_100, %dma_start3A_101] : memref<80x128xi32, #tpu.memory_space<vmem>> -> memref<1x128xi32, #tpu.memory_space<vmem>>
      %dma_start3A_103 = tpu.memref_squeeze %dma_start3A_102 : memref<1x128xi32, #tpu.memory_space<vmem>> -> memref<128xi32, #tpu.memory_space<vmem>>
      %dma_start3A_104 = arith.constant 0 : i32
      %dma_start3A_105 = arith.constant 0 : i32
      %dma_start3A_106 = tpu.memref_slice %arg8[%dma_start3A_104, %dma_start3A_105] : memref<10240x128xf32, #tpu.memory_space<vmem_shared>> -> memref<10240x128xf32, #tpu.memory_space<vmem_shared>>
      tpu.enqueue_indirect_dma source(%arg7 : memref<128x128xf32, #tpu.memory_space<vmem>>) target(%dma_start3A_106 : memref<10240x128xf32, #tpu.memory_space<vmem_shared>>) offsets(%dma_start3A_103 : memref<128xi32, #tpu.memory_space<vmem>>) semaphore(%arg9 : memref<!tpu.dma_semaphore, #tpu.memory_space<semaphore_mem>>) {add = true}
      %add3A_107 = arith.constant 12 : i32
      %add3A_108 = arith.addi %mul3A_11, %add3A_107 : i32
      %dma_start3A_109 = arith.constant 0 : i32
      %dma_start3A_110 = tpu.memref_slice %arg6[%add3A_108, %dma_start3A_109] : memref<80x128xi32, #tpu.memory_space<vmem>> -> memref<1x128xi32, #tpu.memory_space<vmem>>
      %dma_start3A_111 = tpu.memref_squeeze %dma_start3A_110 : memref<1x128xi32, #tpu.memory_space<vmem>> -> memref<128xi32, #tpu.memory_space<vmem>>
      %dma_start3A_112 = arith.constant 0 : i32
      %dma_start3A_113 = arith.constant 0 : i32
      %dma_start3A_114 = tpu.memref_slice %arg8[%dma_start3A_112, %dma_start3A_113] : memref<10240x128xf32, #tpu.memory_space<vmem_shared>> -> memref<10240x128xf32, #tpu.memory_space<vmem_shared>>
      tpu.enqueue_indirect_dma source(%arg7 : memref<128x128xf32, #tpu.memory_space<vmem>>) target(%dma_start3A_114 : memref<10240x128xf32, #tpu.memory_space<vmem_shared>>) offsets(%dma_start3A_111 : memref<128xi32, #tpu.memory_space<vmem>>) semaphore(%arg9 : memref<!tpu.dma_semaphore, #tpu.memory_space<semaphore_mem>>) {add = true}
      %add3A_115 = arith.constant 13 : i32
      %add3A_116 = arith.addi %mul3A_11, %add3A_115 : i32
      %dma_start3A_117 = arith.constant 0 : i32
      %dma_start3A_118 = tpu.memref_slice %arg6[%add3A_116, %dma_start3A_117] : memref<80x128xi32, #tpu.memory_space<vmem>> -> memref<1x128xi32, #tpu.memory_space<vmem>>
      %dma_start3A_119 = tpu.memref_squeeze %dma_start3A_118 : memref<1x128xi32, #tpu.memory_space<vmem>> -> memref<128xi32, #tpu.memory_space<vmem>>
      %dma_start3A_120 = arith.constant 0 : i32
      %dma_start3A_121 = arith.constant 0 : i32
      %dma_start3A_122 = tpu.memref_slice %arg8[%dma_start3A_120, %dma_start3A_121] : memref<10240x128xf32, #tpu.memory_space<vmem_shared>> -> memref<10240x128xf32, #tpu.memory_space<vmem_shared>>
      tpu.enqueue_indirect_dma source(%arg7 : memref<128x128xf32, #tpu.memory_space<vmem>>) target(%dma_start3A_122 : memref<10240x128xf32, #tpu.memory_space<vmem_shared>>) offsets(%dma_start3A_119 : memref<128xi32, #tpu.memory_space<vmem>>) semaphore(%arg9 : memref<!tpu.dma_semaphore, #tpu.memory_space<semaphore_mem>>) {add = true}
      %add3A_123 = arith.constant 14 : i32
      %add3A_124 = arith.addi %mul3A_11, %add3A_123 : i32
      %dma_start3A_125 = arith.constant 0 : i32
      %dma_start3A_126 = tpu.memref_slice %arg6[%add3A_124, %dma_start3A_125] : memref<80x128xi32, #tpu.memory_space<vmem>> -> memref<1x128xi32, #tpu.memory_space<vmem>>
      %dma_start3A_127 = tpu.memref_squeeze %dma_start3A_126 : memref<1x128xi32, #tpu.memory_space<vmem>> -> memref<128xi32, #tpu.memory_space<vmem>>
      %dma_start3A_128 = arith.constant 0 : i32
      %dma_start3A_129 = arith.constant 0 : i32
      %dma_start3A_130 = tpu.memref_slice %arg8[%dma_start3A_128, %dma_start3A_129] : memref<10240x128xf32, #tpu.memory_space<vmem_shared>> -> memref<10240x128xf32, #tpu.memory_space<vmem_shared>>
      tpu.enqueue_indirect_dma source(%arg7 : memref<128x128xf32, #tpu.memory_space<vmem>>) target(%dma_start3A_130 : memref<10240x128xf32, #tpu.memory_space<vmem_shared>>) offsets(%dma_start3A_127 : memref<128xi32, #tpu.memory_space<vmem>>) semaphore(%arg9 : memref<!tpu.dma_semaphore, #tpu.memory_space<semaphore_mem>>) {add = true}
      %add3A_131 = arith.constant 15 : i32
      %add3A_132 = arith.addi %mul3A_11, %add3A_131 : i32
      %dma_start3A_133 = arith.constant 0 : i32
      %dma_start3A_134 = tpu.memref_slice %arg6[%add3A_132, %dma_start3A_133] : memref<80x128xi32, #tpu.memory_space<vmem>> -> memref<1x128xi32, #tpu.memory_space<vmem>>
      %dma_start3A_135 = tpu.memref_squeeze %dma_start3A_134 : memref<1x128xi32, #tpu.memory_space<vmem>> -> memref<128xi32, #tpu.memory_space<vmem>>
      %dma_start3A_136 = arith.constant 0 : i32
      %dma_start3A_137 = arith.constant 0 : i32
      %dma_start3A_138 = tpu.memref_slice %arg8[%dma_start3A_136, %dma_start3A_137] : memref<10240x128xf32, #tpu.memory_space<vmem_shared>> -> memref<10240x128xf32, #tpu.memory_space<vmem_shared>>
      tpu.enqueue_indirect_dma source(%arg7 : memref<128x128xf32, #tpu.memory_space<vmem>>) target(%dma_start3A_138 : memref<10240x128xf32, #tpu.memory_space<vmem_shared>>) offsets(%dma_start3A_135 : memref<128xi32, #tpu.memory_space<vmem>>) semaphore(%arg9 : memref<!tpu.dma_semaphore, #tpu.memory_space<semaphore_mem>>) {add = true}
      %dma_wait3A = arith.constant 0 : i32
      %dma_wait3A_139 = tpu.memref_slice %arg6[%add3A_13, %dma_wait3A] : memref<80x128xi32, #tpu.memory_space<vmem>> -> memref<1x128xi32, #tpu.memory_space<vmem>>
      %dma_wait3A_140 = tpu.memref_squeeze %dma_wait3A_139 : memref<1x128xi32, #tpu.memory_space<vmem>> -> memref<128xi32, #tpu.memory_space<vmem>>
      %dma_wait3A_141 = arith.constant 0 : i32
      %dma_wait3A_142 = arith.constant 0 : i32
      %dma_wait3A_143 = tpu.memref_slice %arg8[%dma_wait3A_141, %dma_wait3A_142] : memref<10240x128xf32, #tpu.memory_space<vmem_shared>> -> memref<10240x128xf32, #tpu.memory_space<vmem_shared>>
      tpu.wait_indirect_dma semaphore(%arg9 : memref<!tpu.dma_semaphore, #tpu.memory_space<semaphore_mem>>) src(%arg7 : memref<128x128xf32, #tpu.memory_space<vmem>>) dst(%dma_wait3A_143 : memref<10240x128xf32, #tpu.memory_space<vmem_shared>>)
      %dma_wait3A_144 = arith.constant 0 : i32
      %dma_wait3A_145 = tpu.memref_slice %arg6[%add3A_20, %dma_wait3A_144] : memref<80x128xi32, #tpu.memory_space<vmem>> -> memref<1x128xi32, #tpu.memory_space<vmem>>
      %dma_wait3A_146 = tpu.memref_squeeze %dma_wait3A_145 : memref<1x128xi32, #tpu.memory_space<vmem>> -> memref<128xi32, #tpu.memory_space<vmem>>
      %dma_wait3A_147 = arith.constant 0 : i32
      %dma_wait3A_148 = arith.constant 0 : i32
      %dma_wait3A_149 = tpu.memref_slice %arg8[%dma_wait3A_147, %dma_wait3A_148] : memref<10240x128xf32, #tpu.memory_space<vmem_shared>> -> memref<10240x128xf32, #tpu.memory_space<vmem_shared>>
      tpu.wait_indirect_dma semaphore(%arg9 : memref<!tpu.dma_semaphore, #tpu.memory_space<semaphore_mem>>) src(%arg7 : memref<128x128xf32, #tpu.memory_space<vmem>>) dst(%dma_wait3A_149 : memref<10240x128xf32, #tpu.memory_space<vmem_shared>>)
      %dma_wait3A_150 = arith.constant 0 : i32
      %dma_wait3A_151 = tpu.memref_slice %arg6[%add3A_28, %dma_wait3A_150] : memref<80x128xi32, #tpu.memory_space<vmem>> -> memref<1x128xi32, #tpu.memory_space<vmem>>
      %dma_wait3A_152 = tpu.memref_squeeze %dma_wait3A_151 : memref<1x128xi32, #tpu.memory_space<vmem>> -> memref<128xi32, #tpu.memory_space<vmem>>
      %dma_wait3A_153 = arith.constant 0 : i32
      %dma_wait3A_154 = arith.constant 0 : i32
      %dma_wait3A_155 = tpu.memref_slice %arg8[%dma_wait3A_153, %dma_wait3A_154] : memref<10240x128xf32, #tpu.memory_space<vmem_shared>> -> memref<10240x128xf32, #tpu.memory_space<vmem_shared>>
      tpu.wait_indirect_dma semaphore(%arg9 : memref<!tpu.dma_semaphore, #tpu.memory_space<semaphore_mem>>) src(%arg7 : memref<128x128xf32, #tpu.memory_space<vmem>>) dst(%dma_wait3A_155 : memref<10240x128xf32, #tpu.memory_space<vmem_shared>>)
      %dma_wait3A_156 = arith.constant 0 : i32
      %dma_wait3A_157 = tpu.memref_slice %arg6[%add3A_36, %dma_wait3A_156] : memref<80x128xi32, #tpu.memory_space<vmem>> -> memref<1x128xi32, #tpu.memory_space<vmem>>
      %dma_wait3A_158 = tpu.memref_squeeze %dma_wait3A_157 : memref<1x128xi32, #tpu.memory_space<vmem>> -> memref<128xi32, #tpu.memory_space<vmem>>
      %dma_wait3A_159 = arith.constant 0 : i32
      %dma_wait3A_160 = arith.constant 0 : i32
      %dma_wait3A_161 = tpu.memref_slice %arg8[%dma_wait3A_159, %dma_wait3A_160] : memref<10240x128xf32, #tpu.memory_space<vmem_shared>> -> memref<10240x128xf32, #tpu.memory_space<vmem_shared>>
      tpu.wait_indirect_dma semaphore(%arg9 : memref<!tpu.dma_semaphore, #tpu.memory_space<semaphore_mem>>) src(%arg7 : memref<128x128xf32, #tpu.memory_space<vmem>>) dst(%dma_wait3A_161 : memref<10240x128xf32, #tpu.memory_space<vmem_shared>>)
      %dma_wait3A_162 = arith.constant 0 : i32
      %dma_wait3A_163 = tpu.memref_slice %arg6[%add3A_44, %dma_wait3A_162] : memref<80x128xi32, #tpu.memory_space<vmem>> -> memref<1x128xi32, #tpu.memory_space<vmem>>
      %dma_wait3A_164 = tpu.memref_squeeze %dma_wait3A_163 : memref<1x128xi32, #tpu.memory_space<vmem>> -> memref<128xi32, #tpu.memory_space<vmem>>
      %dma_wait3A_165 = arith.constant 0 : i32
      %dma_wait3A_166 = arith.constant 0 : i32
      %dma_wait3A_167 = tpu.memref_slice %arg8[%dma_wait3A_165, %dma_wait3A_166] : memref<10240x128xf32, #tpu.memory_space<vmem_shared>> -> memref<10240x128xf32, #tpu.memory_space<vmem_shared>>
      tpu.wait_indirect_dma semaphore(%arg9 : memref<!tpu.dma_semaphore, #tpu.memory_space<semaphore_mem>>) src(%arg7 : memref<128x128xf32, #tpu.memory_space<vmem>>) dst(%dma_wait3A_167 : memref<10240x128xf32, #tpu.memory_space<vmem_shared>>)
      %dma_wait3A_168 = arith.constant 0 : i32
      %dma_wait3A_169 = tpu.memref_slice %arg6[%add3A_52, %dma_wait3A_168] : memref<80x128xi32, #tpu.memory_space<vmem>> -> memref<1x128xi32, #tpu.memory_space<vmem>>
      %dma_wait3A_170 = tpu.memref_squeeze %dma_wait3A_169 : memref<1x128xi32, #tpu.memory_space<vmem>> -> memref<128xi32, #tpu.memory_space<vmem>>
      %dma_wait3A_171 = arith.constant 0 : i32
      %dma_wait3A_172 = arith.constant 0 : i32
      %dma_wait3A_173 = tpu.memref_slice %arg8[%dma_wait3A_171, %dma_wait3A_172] : memref<10240x128xf32, #tpu.memory_space<vmem_shared>> -> memref<10240x128xf32, #tpu.memory_space<vmem_shared>>
      tpu.wait_indirect_dma semaphore(%arg9 : memref<!tpu.dma_semaphore, #tpu.memory_space<semaphore_mem>>) src(%arg7 : memref<128x128xf32, #tpu.memory_space<vmem>>) dst(%dma_wait3A_173 : memref<10240x128xf32, #tpu.memory_space<vmem_shared>>)
      %dma_wait3A_174 = arith.constant 0 : i32
      %dma_wait3A_175 = tpu.memref_slice %arg6[%add3A_60, %dma_wait3A_174] : memref<80x128xi32, #tpu.memory_space<vmem>> -> memref<1x128xi32, #tpu.memory_space<vmem>>
      %dma_wait3A_176 = tpu.memref_squeeze %dma_wait3A_175 : memref<1x128xi32, #tpu.memory_space<vmem>> -> memref<128xi32, #tpu.memory_space<vmem>>
      %dma_wait3A_177 = arith.constant 0 : i32
      %dma_wait3A_178 = arith.constant 0 : i32
      %dma_wait3A_179 = tpu.memref_slice %arg8[%dma_wait3A_177, %dma_wait3A_178] : memref<10240x128xf32, #tpu.memory_space<vmem_shared>> -> memref<10240x128xf32, #tpu.memory_space<vmem_shared>>
      tpu.wait_indirect_dma semaphore(%arg9 : memref<!tpu.dma_semaphore, #tpu.memory_space<semaphore_mem>>) src(%arg7 : memref<128x128xf32, #tpu.memory_space<vmem>>) dst(%dma_wait3A_179 : memref<10240x128xf32, #tpu.memory_space<vmem_shared>>)
      %dma_wait3A_180 = arith.constant 0 : i32
      %dma_wait3A_181 = tpu.memref_slice %arg6[%add3A_68, %dma_wait3A_180] : memref<80x128xi32, #tpu.memory_space<vmem>> -> memref<1x128xi32, #tpu.memory_space<vmem>>
      %dma_wait3A_182 = tpu.memref_squeeze %dma_wait3A_181 : memref<1x128xi32, #tpu.memory_space<vmem>> -> memref<128xi32, #tpu.memory_space<vmem>>
      %dma_wait3A_183 = arith.constant 0 : i32
      %dma_wait3A_184 = arith.constant 0 : i32
      %dma_wait3A_185 = tpu.memref_slice %arg8[%dma_wait3A_183, %dma_wait3A_184] : memref<10240x128xf32, #tpu.memory_space<vmem_shared>> -> memref<10240x128xf32, #tpu.memory_space<vmem_shared>>
      tpu.wait_indirect_dma semaphore(%arg9 : memref<!tpu.dma_semaphore, #tpu.memory_space<semaphore_mem>>) src(%arg7 : memref<128x128xf32, #tpu.memory_space<vmem>>) dst(%dma_wait3A_185 : memref<10240x128xf32, #tpu.memory_space<vmem_shared>>)
      %dma_wait3A_186 = arith.constant 0 : i32
      %dma_wait3A_187 = tpu.memref_slice %arg6[%add3A_76, %dma_wait3A_186] : memref<80x128xi32, #tpu.memory_space<vmem>> -> memref<1x128xi32, #tpu.memory_space<vmem>>
      %dma_wait3A_188 = tpu.memref_squeeze %dma_wait3A_187 : memref<1x128xi32, #tpu.memory_space<vmem>> -> memref<128xi32, #tpu.memory_space<vmem>>
      %dma_wait3A_189 = arith.constant 0 : i32
      %dma_wait3A_190 = arith.constant 0 : i32
      %dma_wait3A_191 = tpu.memref_slice %arg8[%dma_wait3A_189, %dma_wait3A_190] : memref<10240x128xf32, #tpu.memory_space<vmem_shared>> -> memref<10240x128xf32, #tpu.memory_space<vmem_shared>>
      tpu.wait_indirect_dma semaphore(%arg9 : memref<!tpu.dma_semaphore, #tpu.memory_space<semaphore_mem>>) src(%arg7 : memref<128x128xf32, #tpu.memory_space<vmem>>) dst(%dma_wait3A_191 : memref<10240x128xf32, #tpu.memory_space<vmem_shared>>)
      %dma_wait3A_192 = arith.constant 0 : i32
      %dma_wait3A_193 = tpu.memref_slice %arg6[%add3A_84, %dma_wait3A_192] : memref<80x128xi32, #tpu.memory_space<vmem>> -> memref<1x128xi32, #tpu.memory_space<vmem>>
      %dma_wait3A_194 = tpu.memref_squeeze %dma_wait3A_193 : memref<1x128xi32, #tpu.memory_space<vmem>> -> memref<128xi32, #tpu.memory_space<vmem>>
      %dma_wait3A_195 = arith.constant 0 : i32
      %dma_wait3A_196 = arith.constant 0 : i32
      %dma_wait3A_197 = tpu.memref_slice %arg8[%dma_wait3A_195, %dma_wait3A_196] : memref<10240x128xf32, #tpu.memory_space<vmem_shared>> -> memref<10240x128xf32, #tpu.memory_space<vmem_shared>>
      tpu.wait_indirect_dma semaphore(%arg9 : memref<!tpu.dma_semaphore, #tpu.memory_space<semaphore_mem>>) src(%arg7 : memref<128x128xf32, #tpu.memory_space<vmem>>) dst(%dma_wait3A_197 : memref<10240x128xf32, #tpu.memory_space<vmem_shared>>)
      %dma_wait3A_198 = arith.constant 0 : i32
      %dma_wait3A_199 = tpu.memref_slice %arg6[%add3A_92, %dma_wait3A_198] : memref<80x128xi32, #tpu.memory_space<vmem>> -> memref<1x128xi32, #tpu.memory_space<vmem>>
      %dma_wait3A_200 = tpu.memref_squeeze %dma_wait3A_199 : memref<1x128xi32, #tpu.memory_space<vmem>> -> memref<128xi32, #tpu.memory_space<vmem>>
      %dma_wait3A_201 = arith.constant 0 : i32
      %dma_wait3A_202 = arith.constant 0 : i32
      %dma_wait3A_203 = tpu.memref_slice %arg8[%dma_wait3A_201, %dma_wait3A_202] : memref<10240x128xf32, #tpu.memory_space<vmem_shared>> -> memref<10240x128xf32, #tpu.memory_space<vmem_shared>>
      tpu.wait_indirect_dma semaphore(%arg9 : memref<!tpu.dma_semaphore, #tpu.memory_space<semaphore_mem>>) src(%arg7 : memref<128x128xf32, #tpu.memory_space<vmem>>) dst(%dma_wait3A_203 : memref<10240x128xf32, #tpu.memory_space<vmem_shared>>)
      %dma_wait3A_204 = arith.constant 0 : i32
      %dma_wait3A_205 = tpu.memref_slice %arg6[%add3A_100, %dma_wait3A_204] : memref<80x128xi32, #tpu.memory_space<vmem>> -> memref<1x128xi32, #tpu.memory_space<vmem>>
      %dma_wait3A_206 = tpu.memref_squeeze %dma_wait3A_205 : memref<1x128xi32, #tpu.memory_space<vmem>> -> memref<128xi32, #tpu.memory_space<vmem>>
      %dma_wait3A_207 = arith.constant 0 : i32
      %dma_wait3A_208 = arith.constant 0 : i32
      %dma_wait3A_209 = tpu.memref_slice %arg8[%dma_wait3A_207, %dma_wait3A_208] : memref<10240x128xf32, #tpu.memory_space<vmem_shared>> -> memref<10240x128xf32, #tpu.memory_space<vmem_shared>>
      tpu.wait_indirect_dma semaphore(%arg9 : memref<!tpu.dma_semaphore, #tpu.memory_space<semaphore_mem>>) src(%arg7 : memref<128x128xf32, #tpu.memory_space<vmem>>) dst(%dma_wait3A_209 : memref<10240x128xf32, #tpu.memory_space<vmem_shared>>)
      %dma_wait3A_210 = arith.constant 0 : i32
      %dma_wait3A_211 = tpu.memref_slice %arg6[%add3A_108, %dma_wait3A_210] : memref<80x128xi32, #tpu.memory_space<vmem>> -> memref<1x128xi32, #tpu.memory_space<vmem>>
      %dma_wait3A_212 = tpu.memref_squeeze %dma_wait3A_211 : memref<1x128xi32, #tpu.memory_space<vmem>> -> memref<128xi32, #tpu.memory_space<vmem>>
      %dma_wait3A_213 = arith.constant 0 : i32
      %dma_wait3A_214 = arith.constant 0 : i32
      %dma_wait3A_215 = tpu.memref_slice %arg8[%dma_wait3A_213, %dma_wait3A_214] : memref<10240x128xf32, #tpu.memory_space<vmem_shared>> -> memref<10240x128xf32, #tpu.memory_space<vmem_shared>>
      tpu.wait_indirect_dma semaphore(%arg9 : memref<!tpu.dma_semaphore, #tpu.memory_space<semaphore_mem>>) src(%arg7 : memref<128x128xf32, #tpu.memory_space<vmem>>) dst(%dma_wait3A_215 : memref<10240x128xf32, #tpu.memory_space<vmem_shared>>)
      %dma_wait3A_216 = arith.constant 0 : i32
      %dma_wait3A_217 = tpu.memref_slice %arg6[%add3A_116, %dma_wait3A_216] : memref<80x128xi32, #tpu.memory_space<vmem>> -> memref<1x128xi32, #tpu.memory_space<vmem>>
      %dma_wait3A_218 = tpu.memref_squeeze %dma_wait3A_217 : memref<1x128xi32, #tpu.memory_space<vmem>> -> memref<128xi32, #tpu.memory_space<vmem>>
      %dma_wait3A_219 = arith.constant 0 : i32
      %dma_wait3A_220 = arith.constant 0 : i32
      %dma_wait3A_221 = tpu.memref_slice %arg8[%dma_wait3A_219, %dma_wait3A_220] : memref<10240x128xf32, #tpu.memory_space<vmem_shared>> -> memref<10240x128xf32, #tpu.memory_space<vmem_shared>>
      tpu.wait_indirect_dma semaphore(%arg9 : memref<!tpu.dma_semaphore, #tpu.memory_space<semaphore_mem>>) src(%arg7 : memref<128x128xf32, #tpu.memory_space<vmem>>) dst(%dma_wait3A_221 : memref<10240x128xf32, #tpu.memory_space<vmem_shared>>)
      %dma_wait3A_222 = arith.constant 0 : i32
      %dma_wait3A_223 = tpu.memref_slice %arg6[%add3A_124, %dma_wait3A_222] : memref<80x128xi32, #tpu.memory_space<vmem>> -> memref<1x128xi32, #tpu.memory_space<vmem>>
      %dma_wait3A_224 = tpu.memref_squeeze %dma_wait3A_223 : memref<1x128xi32, #tpu.memory_space<vmem>> -> memref<128xi32, #tpu.memory_space<vmem>>
      %dma_wait3A_225 = arith.constant 0 : i32
      %dma_wait3A_226 = arith.constant 0 : i32
      %dma_wait3A_227 = tpu.memref_slice %arg8[%dma_wait3A_225, %dma_wait3A_226] : memref<10240x128xf32, #tpu.memory_space<vmem_shared>> -> memref<10240x128xf32, #tpu.memory_space<vmem_shared>>
      tpu.wait_indirect_dma semaphore(%arg9 : memref<!tpu.dma_semaphore, #tpu.memory_space<semaphore_mem>>) src(%arg7 : memref<128x128xf32, #tpu.memory_space<vmem>>) dst(%dma_wait3A_227 : memref<10240x128xf32, #tpu.memory_space<vmem_shared>>)
      %dma_wait3A_228 = arith.constant 0 : i32
      %dma_wait3A_229 = tpu.memref_slice %arg6[%add3A_132, %dma_wait3A_228] : memref<80x128xi32, #tpu.memory_space<vmem>> -> memref<1x128xi32, #tpu.memory_space<vmem>>
      %dma_wait3A_230 = tpu.memref_squeeze %dma_wait3A_229 : memref<1x128xi32, #tpu.memory_space<vmem>> -> memref<128xi32, #tpu.memory_space<vmem>>
      %dma_wait3A_231 = arith.constant 0 : i32
      %dma_wait3A_232 = arith.constant 0 : i32
      %dma_wait3A_233 = tpu.memref_slice %arg8[%dma_wait3A_231, %dma_wait3A_232] : memref<10240x128xf32, #tpu.memory_space<vmem_shared>> -> memref<10240x128xf32, #tpu.memory_space<vmem_shared>>
      tpu.wait_indirect_dma semaphore(%arg9 : memref<!tpu.dma_semaphore, #tpu.memory_space<semaphore_mem>>) src(%arg7 : memref<128x128xf32, #tpu.memory_space<vmem>>) dst(%dma_wait3A_233 : memref<10240x128xf32, #tpu.memory_space<vmem_shared>>)
    }
    %scan3A_7 = arith.constant 5 : i32
    %barrier3A_8 = arith.constant 0 : index
    tpu.barrier barrier_id(%barrier3A_8)
    "tpu.region"() ({
      %run_scoped3A = tpu.sem_alloc : memref<!tpu.dma_semaphore, #tpu.memory_space<semaphore_mem>>
      %dma_start3A = arith.constant 0 : i32
      %dma_start3A_9 = arith.constant 0 : i32
      %dma_start3A_10 = tpu.memref_slice %arg5[%arg0, %dma_start3A, %dma_start3A_9] : memref<2x10240x128xf32, #tpu.memory_space<hbm>> -> memref<1x10240x128xf32, #tpu.memory_space<hbm>>
      %dma_start3A_11 = tpu.memref_squeeze %dma_start3A_10 : memref<1x10240x128xf32, #tpu.memory_space<hbm>> -> memref<10240x128xf32, #tpu.memory_space<hbm>>
      %dma_start3A_12 = arith.constant 0 : i32
      %dma_start3A_13 = tpu.memref_slice %dma_start3A_11[%mul3A_2, %dma_start3A_12] : memref<10240x128xf32, #tpu.memory_space<hbm>> -> memref<640x128xf32, #tpu.memory_space<hbm>>
      %dma_start3A_14 = arith.constant 0 : i32
      %dma_start3A_15 = tpu.memref_slice %arg8[%mul3A_2, %dma_start3A_14] : memref<10240x128xf32, #tpu.memory_space<vmem_shared>> -> memref<640x128xf32, #tpu.memory_space<vmem_shared>>
      tpu.enqueue_dma source(%dma_start3A_15 : memref<640x128xf32, #tpu.memory_space<vmem_shared>>) target(%dma_start3A_13 : memref<640x128xf32, #tpu.memory_space<hbm>>) target_semaphore(%run_scoped3A : memref<!tpu.dma_semaphore, #tpu.memory_space<semaphore_mem>>)
      %dma_wait3A = arith.constant 0 : i32
      %dma_wait3A_16 = arith.constant 0 : i32
      %dma_wait3A_17 = tpu.memref_slice %arg5[%arg0, %dma_wait3A, %dma_wait3A_16] : memref<2x10240x128xf32, #tpu.memory_space<hbm>> -> memref<1x10240x128xf32, #tpu.memory_space<hbm>>
      %dma_wait3A_18 = tpu.memref_squeeze %dma_wait3A_17 : memref<1x10240x128xf32, #tpu.memory_space<hbm>> -> memref<10240x128xf32, #tpu.memory_space<hbm>>
      %dma_wait3A_19 = arith.constant 0 : i32
      %dma_wait3A_20 = tpu.memref_slice %dma_wait3A_18[%mul3A_2, %dma_wait3A_19] : memref<10240x128xf32, #tpu.memory_space<hbm>> -> memref<640x128xf32, #tpu.memory_space<hbm>>
      %dma_wait3A_21 = arith.constant 0 : i32
      %dma_wait3A_22 = tpu.memref_slice %arg8[%mul3A_2, %dma_wait3A_21] : memref<10240x128xf32, #tpu.memory_space<vmem_shared>> -> memref<640x128xf32, #tpu.memory_space<vmem_shared>>
      tpu.wait_dma2 semaphore(%run_scoped3A : memref<!tpu.dma_semaphore, #tpu.memory_space<semaphore_mem>>) src(%dma_wait3A_22 : memref<640x128xf32, #tpu.memory_space<vmem_shared>>) dst(%dma_wait3A_20 : memref<640x128xf32, #tpu.memory_space<hbm>>)
      tpu.yield
    }) : () -> ()
    return
  }
}

#map = affine_map<(d0, d1) -> (0, 0)>
#map1 = affine_map<(d0, d1) -> (0, 0, 0)>
module attributes {stable_mosaic.version = 14 : i64} {
  func.func @k(%arg0: i32, %arg1: i32, %arg2: memref<10240x128xf32, #tpu.memory_space<hbm>>, %arg3: memref<32x80x128xi32, #tpu.memory_space<hbm>>, %arg4: memref<32x80x128xi32, #tpu.memory_space<hbm>>, %arg5: memref<640x128xf32, #tpu.memory_space<hbm>>, %arg6: memref<2x10240x128xf32, #tpu.memory_space<hbm>>, %arg7: memref<80x128xi32, #tpu.memory_space<vmem>>, %arg8: memref<128xi32, #tpu.memory_space<vmem>>, %arg9: memref<128xi32, #tpu.memory_space<vmem>>, %arg10: memref<128xi32, #tpu.memory_space<vmem>>, %arg11: memref<128xi32, #tpu.memory_space<vmem>>, %arg12: memref<128x128xf32, #tpu.memory_space<vmem>>, %arg13: memref<128x128xf32, #tpu.memory_space<vmem>>, %arg14: memref<10240x128xf32, #tpu.memory_space<vmem_shared>>, %arg15: memref<!tpu.dma_semaphore, #tpu.memory_space<semaphore_mem>>, %arg16: memref<!tpu.dma_semaphore, #tpu.memory_space<semaphore_mem>>, %arg17: memref<!tpu.dma_semaphore, #tpu.memory_space<semaphore_mem>>, %arg18: memref<!tpu.dma_semaphore, #tpu.memory_space<semaphore_mem>>, %arg19: memref<!tpu.dma_semaphore, #tpu.memory_space<semaphore_mem>>, %arg20: memref<!tpu.dma_semaphore, #tpu.memory_space<semaphore_mem>>) attributes {dimension_semantics = [#tpu.dimension_semantics<core_parallel>, #tpu.dimension_semantics<subcore_parallel>], iteration_bounds = array<i64: 2, 16>, scalar_prefetch = 0 : i64, scratch_operands = 14 : i64, tpu.core_type = #tpu.core_type<sc_vector_subcore>, window_params = [{transform_indices = #map}, {transform_indices = #map1}, {transform_indices = #map1}, {transform_indices = #map}, {transform_indices = #map1}]} {
    %mul3A = arith.constant 2 : i32
    %mul3A_0 = arith.muli %arg1, %mul3A : i32
    %add3A = arith.addi %mul3A_0, %arg0 : i32
    "tpu.region"() ({
      %run_scoped3A_166 = tpu.sem_alloc : memref<!tpu.dma_semaphore, #tpu.memory_space<semaphore_mem>>
      %dma_start3A_167 = arith.constant 0 : i32
      %dma_start3A_168 = arith.constant 0 : i32
      %dma_start3A_169 = tpu.memref_slice %arg4[%add3A, %dma_start3A_167, %dma_start3A_168] : memref<32x80x128xi32, #tpu.memory_space<hbm>> -> memref<1x80x128xi32, #tpu.memory_space<hbm>>
      %dma_start3A_170 = tpu.memref_squeeze %dma_start3A_169 : memref<1x80x128xi32, #tpu.memory_space<hbm>> -> memref<80x128xi32, #tpu.memory_space<hbm>>
      %dma_start3A_171 = arith.constant 0 : i32
      %dma_start3A_172 = arith.constant 0 : i32
      %dma_start3A_173 = tpu.memref_slice %arg4[%add3A, %dma_start3A_171, %dma_start3A_172] : memref<32x80x128xi32, #tpu.memory_space<hbm>> -> memref<1x80x128xi32, #tpu.memory_space<hbm>>
      %dma_start3A_174 = tpu.memref_squeeze %dma_start3A_173 : memref<1x80x128xi32, #tpu.memory_space<hbm>> -> memref<80x128xi32, #tpu.memory_space<hbm>>
      tpu.enqueue_dma source(%dma_start3A_174 : memref<80x128xi32, #tpu.memory_space<hbm>>) target(%arg7 : memref<80x128xi32, #tpu.memory_space<vmem>>) target_semaphore(%run_scoped3A_166 : memref<!tpu.dma_semaphore, #tpu.memory_space<semaphore_mem>>)
      %dma_wait3A_175 = arith.constant 0 : i32
      %dma_wait3A_176 = arith.constant 0 : i32
      %dma_wait3A_177 = tpu.memref_slice %arg4[%add3A, %dma_wait3A_175, %dma_wait3A_176] : memref<32x80x128xi32, #tpu.memory_space<hbm>> -> memref<1x80x128xi32, #tpu.memory_space<hbm>>
      %dma_wait3A_178 = tpu.memref_squeeze %dma_wait3A_177 : memref<1x80x128xi32, #tpu.memory_space<hbm>> -> memref<80x128xi32, #tpu.memory_space<hbm>>
      %dma_wait3A_179 = arith.constant 0 : i32
      %dma_wait3A_180 = arith.constant 0 : i32
      %dma_wait3A_181 = tpu.memref_slice %arg4[%add3A, %dma_wait3A_179, %dma_wait3A_180] : memref<32x80x128xi32, #tpu.memory_space<hbm>> -> memref<1x80x128xi32, #tpu.memory_space<hbm>>
      %dma_wait3A_182 = tpu.memref_squeeze %dma_wait3A_181 : memref<1x80x128xi32, #tpu.memory_space<hbm>> -> memref<80x128xi32, #tpu.memory_space<hbm>>
      tpu.wait_dma2 semaphore(%run_scoped3A_166 : memref<!tpu.dma_semaphore, #tpu.memory_space<semaphore_mem>>) src(%dma_wait3A_182 : memref<80x128xi32, #tpu.memory_space<hbm>>) dst(%arg7 : memref<80x128xi32, #tpu.memory_space<vmem>>)
      tpu.yield
    }) : () -> ()
    %mul3A_1 = arith.constant 640 : i32
    %mul3A_2 = arith.muli %arg1, %mul3A_1 : i32
    "tpu.region"() ({
      %run_scoped3A_166 = tpu.sem_alloc : memref<!tpu.dma_semaphore, #tpu.memory_space<semaphore_mem>>
      %dma_start3A_167 = arith.constant 0 : i32
      %dma_start3A_168 = tpu.memref_slice %arg14[%mul3A_2, %dma_start3A_167] : memref<10240x128xf32, #tpu.memory_space<vmem_shared>> -> memref<640x128xf32, #tpu.memory_space<vmem_shared>>
      tpu.enqueue_dma source(%arg5 : memref<640x128xf32, #tpu.memory_space<hbm>>) target(%dma_start3A_168 : memref<640x128xf32, #tpu.memory_space<vmem_shared>>) target_semaphore(%run_scoped3A_166 : memref<!tpu.dma_semaphore, #tpu.memory_space<semaphore_mem>>)
      %dma_wait3A_169 = arith.constant 0 : i32
      %dma_wait3A_170 = tpu.memref_slice %arg14[%mul3A_2, %dma_wait3A_169] : memref<10240x128xf32, #tpu.memory_space<vmem_shared>> -> memref<640x128xf32, #tpu.memory_space<vmem_shared>>
      tpu.wait_dma2 semaphore(%run_scoped3A_166 : memref<!tpu.dma_semaphore, #tpu.memory_space<semaphore_mem>>) src(%arg5 : memref<640x128xf32, #tpu.memory_space<hbm>>) dst(%dma_wait3A_170 : memref<640x128xf32, #tpu.memory_space<vmem_shared>>)
      tpu.yield
    }) : () -> ()
    %barrier3A = arith.constant 0 : index
    tpu.barrier barrier_id(%barrier3A)
    %dma_start3A = arith.constant 0 : i32
    %dma_start3A_3 = arith.constant 0 : i32
    %dma_start3A_4 = arith.constant 0 : i32
    %dma_start3A_5 = tpu.memref_slice %arg3[%add3A, %dma_start3A_3, %dma_start3A_4] : memref<32x80x128xi32, #tpu.memory_space<hbm>> -> memref<1x80x128xi32, #tpu.memory_space<hbm>>
    %dma_start3A_6 = tpu.memref_squeeze %dma_start3A_5 : memref<1x80x128xi32, #tpu.memory_space<hbm>> -> memref<80x128xi32, #tpu.memory_space<hbm>>
    %dma_start3A_7 = arith.constant 0 : i32
    %dma_start3A_8 = tpu.memref_slice %dma_start3A_6[%dma_start3A, %dma_start3A_7] : memref<80x128xi32, #tpu.memory_space<hbm>> -> memref<1x128xi32, #tpu.memory_space<hbm>>
    %dma_start3A_9 = tpu.memref_squeeze %dma_start3A_8 : memref<1x128xi32, #tpu.memory_space<hbm>> -> memref<128xi32, #tpu.memory_space<hbm>>
    %dma_start3A_10 = arith.constant 0 : i32
    %dma_start3A_11 = arith.constant 0 : i32
    %dma_start3A_12 = tpu.memref_slice %arg3[%add3A, %dma_start3A_10, %dma_start3A_11] : memref<32x80x128xi32, #tpu.memory_space<hbm>> -> memref<1x80x128xi32, #tpu.memory_space<hbm>>
    %dma_start3A_13 = tpu.memref_squeeze %dma_start3A_12 : memref<1x80x128xi32, #tpu.memory_space<hbm>> -> memref<80x128xi32, #tpu.memory_space<hbm>>
    %dma_start3A_14 = arith.constant 0 : i32
    %dma_start3A_15 = tpu.memref_slice %dma_start3A_13[%dma_start3A, %dma_start3A_14] : memref<80x128xi32, #tpu.memory_space<hbm>> -> memref<1x128xi32, #tpu.memory_space<hbm>>
    %dma_start3A_16 = tpu.memref_squeeze %dma_start3A_15 : memref<1x128xi32, #tpu.memory_space<hbm>> -> memref<128xi32, #tpu.memory_space<hbm>>
    tpu.enqueue_dma source(%dma_start3A_16 : memref<128xi32, #tpu.memory_space<hbm>>) target(%arg8 : memref<128xi32, #tpu.memory_space<vmem>>) target_semaphore(%arg17 : memref<!tpu.dma_semaphore, #tpu.memory_space<semaphore_mem>>)
    %dma_start3A_17 = arith.constant 1 : i32
    %dma_start3A_18 = arith.constant 0 : i32
    %dma_start3A_19 = arith.constant 0 : i32
    %dma_start3A_20 = tpu.memref_slice %arg3[%add3A, %dma_start3A_18, %dma_start3A_19] : memref<32x80x128xi32, #tpu.memory_space<hbm>> -> memref<1x80x128xi32, #tpu.memory_space<hbm>>
    %dma_start3A_21 = tpu.memref_squeeze %dma_start3A_20 : memref<1x80x128xi32, #tpu.memory_space<hbm>> -> memref<80x128xi32, #tpu.memory_space<hbm>>
    %dma_start3A_22 = arith.constant 0 : i32
    %dma_start3A_23 = tpu.memref_slice %dma_start3A_21[%dma_start3A_17, %dma_start3A_22] : memref<80x128xi32, #tpu.memory_space<hbm>> -> memref<1x128xi32, #tpu.memory_space<hbm>>
    %dma_start3A_24 = tpu.memref_squeeze %dma_start3A_23 : memref<1x128xi32, #tpu.memory_space<hbm>> -> memref<128xi32, #tpu.memory_space<hbm>>
    %dma_start3A_25 = arith.constant 0 : i32
    %dma_start3A_26 = arith.constant 0 : i32
    %dma_start3A_27 = tpu.memref_slice %arg3[%add3A, %dma_start3A_25, %dma_start3A_26] : memref<32x80x128xi32, #tpu.memory_space<hbm>> -> memref<1x80x128xi32, #tpu.memory_space<hbm>>
    %dma_start3A_28 = tpu.memref_squeeze %dma_start3A_27 : memref<1x80x128xi32, #tpu.memory_space<hbm>> -> memref<80x128xi32, #tpu.memory_space<hbm>>
    %dma_start3A_29 = arith.constant 0 : i32
    %dma_start3A_30 = tpu.memref_slice %dma_start3A_28[%dma_start3A_17, %dma_start3A_29] : memref<80x128xi32, #tpu.memory_space<hbm>> -> memref<1x128xi32, #tpu.memory_space<hbm>>
    %dma_start3A_31 = tpu.memref_squeeze %dma_start3A_30 : memref<1x128xi32, #tpu.memory_space<hbm>> -> memref<128xi32, #tpu.memory_space<hbm>>
    tpu.enqueue_dma source(%dma_start3A_31 : memref<128xi32, #tpu.memory_space<hbm>>) target(%arg9 : memref<128xi32, #tpu.memory_space<vmem>>) target_semaphore(%arg18 : memref<!tpu.dma_semaphore, #tpu.memory_space<semaphore_mem>>)
    %dma_start3A_32 = arith.constant 2 : i32
    %dma_start3A_33 = arith.constant 0 : i32
    %dma_start3A_34 = arith.constant 0 : i32
    %dma_start3A_35 = tpu.memref_slice %arg3[%add3A, %dma_start3A_33, %dma_start3A_34] : memref<32x80x128xi32, #tpu.memory_space<hbm>> -> memref<1x80x128xi32, #tpu.memory_space<hbm>>
    %dma_start3A_36 = tpu.memref_squeeze %dma_start3A_35 : memref<1x80x128xi32, #tpu.memory_space<hbm>> -> memref<80x128xi32, #tpu.memory_space<hbm>>
    %dma_start3A_37 = arith.constant 0 : i32
    %dma_start3A_38 = tpu.memref_slice %dma_start3A_36[%dma_start3A_32, %dma_start3A_37] : memref<80x128xi32, #tpu.memory_space<hbm>> -> memref<1x128xi32, #tpu.memory_space<hbm>>
    %dma_start3A_39 = tpu.memref_squeeze %dma_start3A_38 : memref<1x128xi32, #tpu.memory_space<hbm>> -> memref<128xi32, #tpu.memory_space<hbm>>
    %dma_start3A_40 = arith.constant 0 : i32
    %dma_start3A_41 = arith.constant 0 : i32
    %dma_start3A_42 = tpu.memref_slice %arg3[%add3A, %dma_start3A_40, %dma_start3A_41] : memref<32x80x128xi32, #tpu.memory_space<hbm>> -> memref<1x80x128xi32, #tpu.memory_space<hbm>>
    %dma_start3A_43 = tpu.memref_squeeze %dma_start3A_42 : memref<1x80x128xi32, #tpu.memory_space<hbm>> -> memref<80x128xi32, #tpu.memory_space<hbm>>
    %dma_start3A_44 = arith.constant 0 : i32
    %dma_start3A_45 = tpu.memref_slice %dma_start3A_43[%dma_start3A_32, %dma_start3A_44] : memref<80x128xi32, #tpu.memory_space<hbm>> -> memref<1x128xi32, #tpu.memory_space<hbm>>
    %dma_start3A_46 = tpu.memref_squeeze %dma_start3A_45 : memref<1x128xi32, #tpu.memory_space<hbm>> -> memref<128xi32, #tpu.memory_space<hbm>>
    tpu.enqueue_dma source(%dma_start3A_46 : memref<128xi32, #tpu.memory_space<hbm>>) target(%arg10 : memref<128xi32, #tpu.memory_space<vmem>>) target_semaphore(%arg19 : memref<!tpu.dma_semaphore, #tpu.memory_space<semaphore_mem>>)
    %dma_start3A_47 = arith.constant 3 : i32
    %dma_start3A_48 = arith.constant 0 : i32
    %dma_start3A_49 = arith.constant 0 : i32
    %dma_start3A_50 = tpu.memref_slice %arg3[%add3A, %dma_start3A_48, %dma_start3A_49] : memref<32x80x128xi32, #tpu.memory_space<hbm>> -> memref<1x80x128xi32, #tpu.memory_space<hbm>>
    %dma_start3A_51 = tpu.memref_squeeze %dma_start3A_50 : memref<1x80x128xi32, #tpu.memory_space<hbm>> -> memref<80x128xi32, #tpu.memory_space<hbm>>
    %dma_start3A_52 = arith.constant 0 : i32
    %dma_start3A_53 = tpu.memref_slice %dma_start3A_51[%dma_start3A_47, %dma_start3A_52] : memref<80x128xi32, #tpu.memory_space<hbm>> -> memref<1x128xi32, #tpu.memory_space<hbm>>
    %dma_start3A_54 = tpu.memref_squeeze %dma_start3A_53 : memref<1x128xi32, #tpu.memory_space<hbm>> -> memref<128xi32, #tpu.memory_space<hbm>>
    %dma_start3A_55 = arith.constant 0 : i32
    %dma_start3A_56 = arith.constant 0 : i32
    %dma_start3A_57 = tpu.memref_slice %arg3[%add3A, %dma_start3A_55, %dma_start3A_56] : memref<32x80x128xi32, #tpu.memory_space<hbm>> -> memref<1x80x128xi32, #tpu.memory_space<hbm>>
    %dma_start3A_58 = tpu.memref_squeeze %dma_start3A_57 : memref<1x80x128xi32, #tpu.memory_space<hbm>> -> memref<80x128xi32, #tpu.memory_space<hbm>>
    %dma_start3A_59 = arith.constant 0 : i32
    %dma_start3A_60 = tpu.memref_slice %dma_start3A_58[%dma_start3A_47, %dma_start3A_59] : memref<80x128xi32, #tpu.memory_space<hbm>> -> memref<1x128xi32, #tpu.memory_space<hbm>>
    %dma_start3A_61 = tpu.memref_squeeze %dma_start3A_60 : memref<1x128xi32, #tpu.memory_space<hbm>> -> memref<128xi32, #tpu.memory_space<hbm>>
    tpu.enqueue_dma source(%dma_start3A_61 : memref<128xi32, #tpu.memory_space<hbm>>) target(%arg11 : memref<128xi32, #tpu.memory_space<vmem>>) target_semaphore(%arg20 : memref<!tpu.dma_semaphore, #tpu.memory_space<semaphore_mem>>)
    %dma_wait3A = arith.constant 0 : i32
    %dma_wait3A_62 = arith.constant 0 : i32
    %dma_wait3A_63 = arith.constant 0 : i32
    %dma_wait3A_64 = tpu.memref_slice %arg3[%add3A, %dma_wait3A_62, %dma_wait3A_63] : memref<32x80x128xi32, #tpu.memory_space<hbm>> -> memref<1x80x128xi32, #tpu.memory_space<hbm>>
    %dma_wait3A_65 = tpu.memref_squeeze %dma_wait3A_64 : memref<1x80x128xi32, #tpu.memory_space<hbm>> -> memref<80x128xi32, #tpu.memory_space<hbm>>
    %dma_wait3A_66 = arith.constant 0 : i32
    %dma_wait3A_67 = tpu.memref_slice %dma_wait3A_65[%dma_wait3A, %dma_wait3A_66] : memref<80x128xi32, #tpu.memory_space<hbm>> -> memref<1x128xi32, #tpu.memory_space<hbm>>
    %dma_wait3A_68 = tpu.memref_squeeze %dma_wait3A_67 : memref<1x128xi32, #tpu.memory_space<hbm>> -> memref<128xi32, #tpu.memory_space<hbm>>
    %dma_wait3A_69 = arith.constant 0 : i32
    %dma_wait3A_70 = arith.constant 0 : i32
    %dma_wait3A_71 = tpu.memref_slice %arg3[%add3A, %dma_wait3A_69, %dma_wait3A_70] : memref<32x80x128xi32, #tpu.memory_space<hbm>> -> memref<1x80x128xi32, #tpu.memory_space<hbm>>
    %dma_wait3A_72 = tpu.memref_squeeze %dma_wait3A_71 : memref<1x80x128xi32, #tpu.memory_space<hbm>> -> memref<80x128xi32, #tpu.memory_space<hbm>>
    %dma_wait3A_73 = arith.constant 0 : i32
    %dma_wait3A_74 = tpu.memref_slice %dma_wait3A_72[%dma_wait3A, %dma_wait3A_73] : memref<80x128xi32, #tpu.memory_space<hbm>> -> memref<1x128xi32, #tpu.memory_space<hbm>>
    %dma_wait3A_75 = tpu.memref_squeeze %dma_wait3A_74 : memref<1x128xi32, #tpu.memory_space<hbm>> -> memref<128xi32, #tpu.memory_space<hbm>>
    tpu.wait_dma2 semaphore(%arg17 : memref<!tpu.dma_semaphore, #tpu.memory_space<semaphore_mem>>) src(%dma_wait3A_75 : memref<128xi32, #tpu.memory_space<hbm>>) dst(%arg8 : memref<128xi32, #tpu.memory_space<vmem>>)
    %dma_start3A_76 = arith.constant 0 : i32
    %dma_start3A_77 = arith.constant 0 : i32
    %dma_start3A_78 = tpu.memref_slice %arg2[%dma_start3A_76, %dma_start3A_77] : memref<10240x128xf32, #tpu.memory_space<hbm>> -> memref<10240x128xf32, #tpu.memory_space<hbm>>
    tpu.enqueue_indirect_dma source(%dma_start3A_78 : memref<10240x128xf32, #tpu.memory_space<hbm>>) target(%arg12 : memref<128x128xf32, #tpu.memory_space<vmem>>) offsets(%arg8 : memref<128xi32, #tpu.memory_space<vmem>>) semaphore(%arg15 : memref<!tpu.dma_semaphore, #tpu.memory_space<semaphore_mem>>)
    %dma_wait3A_79 = arith.constant 1 : i32
    %dma_wait3A_80 = arith.constant 0 : i32
    %dma_wait3A_81 = arith.constant 0 : i32
    %dma_wait3A_82 = tpu.memref_slice %arg3[%add3A, %dma_wait3A_80, %dma_wait3A_81] : memref<32x80x128xi32, #tpu.memory_space<hbm>> -> memref<1x80x128xi32, #tpu.memory_space<hbm>>
    %dma_wait3A_83 = tpu.memref_squeeze %dma_wait3A_82 : memref<1x80x128xi32, #tpu.memory_space<hbm>> -> memref<80x128xi32, #tpu.memory_space<hbm>>
    %dma_wait3A_84 = arith.constant 0 : i32
    %dma_wait3A_85 = tpu.memref_slice %dma_wait3A_83[%dma_wait3A_79, %dma_wait3A_84] : memref<80x128xi32, #tpu.memory_space<hbm>> -> memref<1x128xi32, #tpu.memory_space<hbm>>
    %dma_wait3A_86 = tpu.memref_squeeze %dma_wait3A_85 : memref<1x128xi32, #tpu.memory_space<hbm>> -> memref<128xi32, #tpu.memory_space<hbm>>
    %dma_wait3A_87 = arith.constant 0 : i32
    %dma_wait3A_88 = arith.constant 0 : i32
    %dma_wait3A_89 = tpu.memref_slice %arg3[%add3A, %dma_wait3A_87, %dma_wait3A_88] : memref<32x80x128xi32, #tpu.memory_space<hbm>> -> memref<1x80x128xi32, #tpu.memory_space<hbm>>
    %dma_wait3A_90 = tpu.memref_squeeze %dma_wait3A_89 : memref<1x80x128xi32, #tpu.memory_space<hbm>> -> memref<80x128xi32, #tpu.memory_space<hbm>>
    %dma_wait3A_91 = arith.constant 0 : i32
    %dma_wait3A_92 = tpu.memref_slice %dma_wait3A_90[%dma_wait3A_79, %dma_wait3A_91] : memref<80x128xi32, #tpu.memory_space<hbm>> -> memref<1x128xi32, #tpu.memory_space<hbm>>
    %dma_wait3A_93 = tpu.memref_squeeze %dma_wait3A_92 : memref<1x128xi32, #tpu.memory_space<hbm>> -> memref<128xi32, #tpu.memory_space<hbm>>
    tpu.wait_dma2 semaphore(%arg18 : memref<!tpu.dma_semaphore, #tpu.memory_space<semaphore_mem>>) src(%dma_wait3A_93 : memref<128xi32, #tpu.memory_space<hbm>>) dst(%arg9 : memref<128xi32, #tpu.memory_space<vmem>>)
    %dma_start3A_94 = arith.constant 0 : i32
    %dma_start3A_95 = arith.constant 0 : i32
    %dma_start3A_96 = tpu.memref_slice %arg2[%dma_start3A_94, %dma_start3A_95] : memref<10240x128xf32, #tpu.memory_space<hbm>> -> memref<10240x128xf32, #tpu.memory_space<hbm>>
    tpu.enqueue_indirect_dma source(%dma_start3A_96 : memref<10240x128xf32, #tpu.memory_space<hbm>>) target(%arg13 : memref<128x128xf32, #tpu.memory_space<vmem>>) offsets(%arg9 : memref<128xi32, #tpu.memory_space<vmem>>) semaphore(%arg16 : memref<!tpu.dma_semaphore, #tpu.memory_space<semaphore_mem>>)
    %scan3A = arith.constant 0 : i32
    %scan3A_97 = arith.constant 0 : i32
    %scan3A_98 = arith.constant 19 : i32
    %scan3A_99 = arith.addi %scan3A_97, %scan3A_98 : i32
    %scan3A_100 = arith.constant 1 : i32
    scf.for %scan3A_166 = %scan3A_97 to %scan3A_99 step %scan3A_100  : i32 {
      %mul3A_167 = arith.constant 4 : i32
      %mul3A_168 = arith.muli %scan3A_166, %mul3A_167 : i32
      %add3A_169 = arith.constant 0 : i32
      %add3A_170 = arith.addi %mul3A_168, %add3A_169 : i32
      %dma_wait3A_171 = arith.constant 0 : i32
      %dma_wait3A_172 = arith.constant 0 : i32
      %dma_wait3A_173 = tpu.memref_slice %arg2[%dma_wait3A_171, %dma_wait3A_172] : memref<10240x128xf32, #tpu.memory_space<hbm>> -> memref<128x128xf32, #tpu.memory_space<hbm>>
      %dma_wait3A_174 = arith.constant 0 : i32
      %dma_wait3A_175 = arith.constant 0 : i32
      %dma_wait3A_176 = tpu.memref_slice %arg2[%dma_wait3A_174, %dma_wait3A_175] : memref<10240x128xf32, #tpu.memory_space<hbm>> -> memref<128x128xf32, #tpu.memory_space<hbm>>
      tpu.wait_dma2 semaphore(%arg15 : memref<!tpu.dma_semaphore, #tpu.memory_space<semaphore_mem>>) src(%dma_wait3A_176 : memref<128x128xf32, #tpu.memory_space<hbm>>) dst(%arg12 : memref<128x128xf32, #tpu.memory_space<vmem>>)
      "tpu.region"() ({
        %run_scoped3A_337 = tpu.sem_alloc : memref<!tpu.dma_semaphore, #tpu.memory_space<semaphore_mem>>
        %dma_start3A_338 = arith.constant 0 : i32
        %dma_start3A_339 = tpu.memref_slice %arg7[%add3A_170, %dma_start3A_338] : memref<80x128xi32, #tpu.memory_space<vmem>> -> memref<1x128xi32, #tpu.memory_space<vmem>>
        %dma_start3A_340 = tpu.memref_squeeze %dma_start3A_339 : memref<1x128xi32, #tpu.memory_space<vmem>> -> memref<128xi32, #tpu.memory_space<vmem>>
        %dma_start3A_341 = arith.constant 0 : i32
        %dma_start3A_342 = arith.constant 0 : i32
        %dma_start3A_343 = tpu.memref_slice %arg14[%dma_start3A_341, %dma_start3A_342] : memref<10240x128xf32, #tpu.memory_space<vmem_shared>> -> memref<10240x128xf32, #tpu.memory_space<vmem_shared>>
        tpu.enqueue_indirect_dma source(%arg12 : memref<128x128xf32, #tpu.memory_space<vmem>>) target(%dma_start3A_343 : memref<10240x128xf32, #tpu.memory_space<vmem_shared>>) offsets(%dma_start3A_340 : memref<128xi32, #tpu.memory_space<vmem>>) semaphore(%run_scoped3A_337 : memref<!tpu.dma_semaphore, #tpu.memory_space<semaphore_mem>>) {add = true}
        %dma_wait3A_344 = arith.constant 0 : i32
        %dma_wait3A_345 = tpu.memref_slice %arg7[%add3A_170, %dma_wait3A_344] : memref<80x128xi32, #tpu.memory_space<vmem>> -> memref<1x128xi32, #tpu.memory_space<vmem>>
        %dma_wait3A_346 = tpu.memref_squeeze %dma_wait3A_345 : memref<1x128xi32, #tpu.memory_space<vmem>> -> memref<128xi32, #tpu.memory_space<vmem>>
        %dma_wait3A_347 = arith.constant 0 : i32
        %dma_wait3A_348 = arith.constant 0 : i32
        %dma_wait3A_349 = tpu.memref_slice %arg14[%dma_wait3A_347, %dma_wait3A_348] : memref<10240x128xf32, #tpu.memory_space<vmem_shared>> -> memref<10240x128xf32, #tpu.memory_space<vmem_shared>>
        tpu.wait_indirect_dma semaphore(%run_scoped3A_337 : memref<!tpu.dma_semaphore, #tpu.memory_space<semaphore_mem>>) src(%arg12 : memref<128x128xf32, #tpu.memory_space<vmem>>) dst(%dma_wait3A_349 : memref<10240x128xf32, #tpu.memory_space<vmem_shared>>)
        tpu.yield
      }) : () -> ()
      %add3A_177 = arith.constant 4 : i32
      %add3A_178 = arith.addi %add3A_170, %add3A_177 : i32
      %dma_start3A_179 = arith.constant 0 : i32
      %dma_start3A_180 = arith.constant 0 : i32
      %dma_start3A_181 = tpu.memref_slice %arg3[%add3A, %dma_start3A_179, %dma_start3A_180] : memref<32x80x128xi32, #tpu.memory_space<hbm>> -> memref<1x80x128xi32, #tpu.memory_space<hbm>>
      %dma_start3A_182 = tpu.memref_squeeze %dma_start3A_181 : memref<1x80x128xi32, #tpu.memory_space<hbm>> -> memref<80x128xi32, #tpu.memory_space<hbm>>
      %dma_start3A_183 = arith.constant 0 : i32
      %dma_start3A_184 = tpu.memref_slice %dma_start3A_182[%add3A_178, %dma_start3A_183] : memref<80x128xi32, #tpu.memory_space<hbm>> -> memref<1x128xi32, #tpu.memory_space<hbm>>
      %dma_start3A_185 = tpu.memref_squeeze %dma_start3A_184 : memref<1x128xi32, #tpu.memory_space<hbm>> -> memref<128xi32, #tpu.memory_space<hbm>>
      %dma_start3A_186 = arith.constant 0 : i32
      %dma_start3A_187 = arith.constant 0 : i32
      %dma_start3A_188 = tpu.memref_slice %arg3[%add3A, %dma_start3A_186, %dma_start3A_187] : memref<32x80x128xi32, #tpu.memory_space<hbm>> -> memref<1x80x128xi32, #tpu.memory_space<hbm>>
      %dma_start3A_189 = tpu.memref_squeeze %dma_start3A_188 : memref<1x80x128xi32, #tpu.memory_space<hbm>> -> memref<80x128xi32, #tpu.memory_space<hbm>>
      %dma_start3A_190 = arith.constant 0 : i32
      %dma_start3A_191 = tpu.memref_slice %dma_start3A_189[%add3A_178, %dma_start3A_190] : memref<80x128xi32, #tpu.memory_space<hbm>> -> memref<1x128xi32, #tpu.memory_space<hbm>>
      %dma_start3A_192 = tpu.memref_squeeze %dma_start3A_191 : memref<1x128xi32, #tpu.memory_space<hbm>> -> memref<128xi32, #tpu.memory_space<hbm>>
      tpu.enqueue_dma source(%dma_start3A_192 : memref<128xi32, #tpu.memory_space<hbm>>) target(%arg8 : memref<128xi32, #tpu.memory_space<vmem>>) target_semaphore(%arg17 : memref<!tpu.dma_semaphore, #tpu.memory_space<semaphore_mem>>)
      %dma_wait3A_193 = arith.constant 0 : i32
      %dma_wait3A_194 = arith.constant 0 : i32
      %dma_wait3A_195 = arith.constant 0 : i32
      %dma_wait3A_196 = tpu.memref_slice %arg3[%add3A, %dma_wait3A_194, %dma_wait3A_195] : memref<32x80x128xi32, #tpu.memory_space<hbm>> -> memref<1x80x128xi32, #tpu.memory_space<hbm>>
      %dma_wait3A_197 = tpu.memref_squeeze %dma_wait3A_196 : memref<1x80x128xi32, #tpu.memory_space<hbm>> -> memref<80x128xi32, #tpu.memory_space<hbm>>
      %dma_wait3A_198 = arith.constant 0 : i32
      %dma_wait3A_199 = tpu.memref_slice %dma_wait3A_197[%dma_wait3A_193, %dma_wait3A_198] : memref<80x128xi32, #tpu.memory_space<hbm>> -> memref<1x128xi32, #tpu.memory_space<hbm>>
      %dma_wait3A_200 = tpu.memref_squeeze %dma_wait3A_199 : memref<1x128xi32, #tpu.memory_space<hbm>> -> memref<128xi32, #tpu.memory_space<hbm>>
      %dma_wait3A_201 = arith.constant 0 : i32
      %dma_wait3A_202 = arith.constant 0 : i32
      %dma_wait3A_203 = tpu.memref_slice %arg3[%add3A, %dma_wait3A_201, %dma_wait3A_202] : memref<32x80x128xi32, #tpu.memory_space<hbm>> -> memref<1x80x128xi32, #tpu.memory_space<hbm>>
      %dma_wait3A_204 = tpu.memref_squeeze %dma_wait3A_203 : memref<1x80x128xi32, #tpu.memory_space<hbm>> -> memref<80x128xi32, #tpu.memory_space<hbm>>
      %dma_wait3A_205 = arith.constant 0 : i32
      %dma_wait3A_206 = tpu.memref_slice %dma_wait3A_204[%dma_wait3A_193, %dma_wait3A_205] : memref<80x128xi32, #tpu.memory_space<hbm>> -> memref<1x128xi32, #tpu.memory_space<hbm>>
      %dma_wait3A_207 = tpu.memref_squeeze %dma_wait3A_206 : memref<1x128xi32, #tpu.memory_space<hbm>> -> memref<128xi32, #tpu.memory_space<hbm>>
      tpu.wait_dma2 semaphore(%arg19 : memref<!tpu.dma_semaphore, #tpu.memory_space<semaphore_mem>>) src(%dma_wait3A_207 : memref<128xi32, #tpu.memory_space<hbm>>) dst(%arg10 : memref<128xi32, #tpu.memory_space<vmem>>)
      %dma_start3A_208 = arith.constant 0 : i32
      %dma_start3A_209 = arith.constant 0 : i32
      %dma_start3A_210 = tpu.memref_slice %arg2[%dma_start3A_208, %dma_start3A_209] : memref<10240x128xf32, #tpu.memory_space<hbm>> -> memref<10240x128xf32, #tpu.memory_space<hbm>>
      tpu.enqueue_indirect_dma source(%dma_start3A_210 : memref<10240x128xf32, #tpu.memory_space<hbm>>) target(%arg12 : memref<128x128xf32, #tpu.memory_space<vmem>>) offsets(%arg10 : memref<128xi32, #tpu.memory_space<vmem>>) semaphore(%arg15 : memref<!tpu.dma_semaphore, #tpu.memory_space<semaphore_mem>>)
      %add3A_211 = arith.constant 1 : i32
      %add3A_212 = arith.addi %mul3A_168, %add3A_211 : i32
      %dma_wait3A_213 = arith.constant 0 : i32
      %dma_wait3A_214 = arith.constant 0 : i32
      %dma_wait3A_215 = tpu.memref_slice %arg2[%dma_wait3A_213, %dma_wait3A_214] : memref<10240x128xf32, #tpu.memory_space<hbm>> -> memref<128x128xf32, #tpu.memory_space<hbm>>
      %dma_wait3A_216 = arith.constant 0 : i32
      %dma_wait3A_217 = arith.constant 0 : i32
      %dma_wait3A_218 = tpu.memref_slice %arg2[%dma_wait3A_216, %dma_wait3A_217] : memref<10240x128xf32, #tpu.memory_space<hbm>> -> memref<128x128xf32, #tpu.memory_space<hbm>>
      tpu.wait_dma2 semaphore(%arg16 : memref<!tpu.dma_semaphore, #tpu.memory_space<semaphore_mem>>) src(%dma_wait3A_218 : memref<128x128xf32, #tpu.memory_space<hbm>>) dst(%arg13 : memref<128x128xf32, #tpu.memory_space<vmem>>)
      "tpu.region"() ({
        %run_scoped3A_337 = tpu.sem_alloc : memref<!tpu.dma_semaphore, #tpu.memory_space<semaphore_mem>>
        %dma_start3A_338 = arith.constant 0 : i32
        %dma_start3A_339 = tpu.memref_slice %arg7[%add3A_212, %dma_start3A_338] : memref<80x128xi32, #tpu.memory_space<vmem>> -> memref<1x128xi32, #tpu.memory_space<vmem>>
        %dma_start3A_340 = tpu.memref_squeeze %dma_start3A_339 : memref<1x128xi32, #tpu.memory_space<vmem>> -> memref<128xi32, #tpu.memory_space<vmem>>
        %dma_start3A_341 = arith.constant 0 : i32
        %dma_start3A_342 = arith.constant 0 : i32
        %dma_start3A_343 = tpu.memref_slice %arg14[%dma_start3A_341, %dma_start3A_342] : memref<10240x128xf32, #tpu.memory_space<vmem_shared>> -> memref<10240x128xf32, #tpu.memory_space<vmem_shared>>
        tpu.enqueue_indirect_dma source(%arg13 : memref<128x128xf32, #tpu.memory_space<vmem>>) target(%dma_start3A_343 : memref<10240x128xf32, #tpu.memory_space<vmem_shared>>) offsets(%dma_start3A_340 : memref<128xi32, #tpu.memory_space<vmem>>) semaphore(%run_scoped3A_337 : memref<!tpu.dma_semaphore, #tpu.memory_space<semaphore_mem>>) {add = true}
        %dma_wait3A_344 = arith.constant 0 : i32
        %dma_wait3A_345 = tpu.memref_slice %arg7[%add3A_212, %dma_wait3A_344] : memref<80x128xi32, #tpu.memory_space<vmem>> -> memref<1x128xi32, #tpu.memory_space<vmem>>
        %dma_wait3A_346 = tpu.memref_squeeze %dma_wait3A_345 : memref<1x128xi32, #tpu.memory_space<vmem>> -> memref<128xi32, #tpu.memory_space<vmem>>
        %dma_wait3A_347 = arith.constant 0 : i32
        %dma_wait3A_348 = arith.constant 0 : i32
        %dma_wait3A_349 = tpu.memref_slice %arg14[%dma_wait3A_347, %dma_wait3A_348] : memref<10240x128xf32, #tpu.memory_space<vmem_shared>> -> memref<10240x128xf32, #tpu.memory_space<vmem_shared>>
        tpu.wait_indirect_dma semaphore(%run_scoped3A_337 : memref<!tpu.dma_semaphore, #tpu.memory_space<semaphore_mem>>) src(%arg13 : memref<128x128xf32, #tpu.memory_space<vmem>>) dst(%dma_wait3A_349 : memref<10240x128xf32, #tpu.memory_space<vmem_shared>>)
        tpu.yield
      }) : () -> ()
      %add3A_219 = arith.constant 4 : i32
      %add3A_220 = arith.addi %add3A_212, %add3A_219 : i32
      %dma_start3A_221 = arith.constant 0 : i32
      %dma_start3A_222 = arith.constant 0 : i32
      %dma_start3A_223 = tpu.memref_slice %arg3[%add3A, %dma_start3A_221, %dma_start3A_222] : memref<32x80x128xi32, #tpu.memory_space<hbm>> -> memref<1x80x128xi32, #tpu.memory_space<hbm>>
      %dma_start3A_224 = tpu.memref_squeeze %dma_start3A_223 : memref<1x80x128xi32, #tpu.memory_space<hbm>> -> memref<80x128xi32, #tpu.memory_space<hbm>>
      %dma_start3A_225 = arith.constant 0 : i32
      %dma_start3A_226 = tpu.memref_slice %dma_start3A_224[%add3A_220, %dma_start3A_225] : memref<80x128xi32, #tpu.memory_space<hbm>> -> memref<1x128xi32, #tpu.memory_space<hbm>>
      %dma_start3A_227 = tpu.memref_squeeze %dma_start3A_226 : memref<1x128xi32, #tpu.memory_space<hbm>> -> memref<128xi32, #tpu.memory_space<hbm>>
      %dma_start3A_228 = arith.constant 0 : i32
      %dma_start3A_229 = arith.constant 0 : i32
      %dma_start3A_230 = tpu.memref_slice %arg3[%add3A, %dma_start3A_228, %dma_start3A_229] : memref<32x80x128xi32, #tpu.memory_space<hbm>> -> memref<1x80x128xi32, #tpu.memory_space<hbm>>
      %dma_start3A_231 = tpu.memref_squeeze %dma_start3A_230 : memref<1x80x128xi32, #tpu.memory_space<hbm>> -> memref<80x128xi32, #tpu.memory_space<hbm>>
      %dma_start3A_232 = arith.constant 0 : i32
      %dma_start3A_233 = tpu.memref_slice %dma_start3A_231[%add3A_220, %dma_start3A_232] : memref<80x128xi32, #tpu.memory_space<hbm>> -> memref<1x128xi32, #tpu.memory_space<hbm>>
      %dma_start3A_234 = tpu.memref_squeeze %dma_start3A_233 : memref<1x128xi32, #tpu.memory_space<hbm>> -> memref<128xi32, #tpu.memory_space<hbm>>
      tpu.enqueue_dma source(%dma_start3A_234 : memref<128xi32, #tpu.memory_space<hbm>>) target(%arg9 : memref<128xi32, #tpu.memory_space<vmem>>) target_semaphore(%arg18 : memref<!tpu.dma_semaphore, #tpu.memory_space<semaphore_mem>>)
      %dma_wait3A_235 = arith.constant 0 : i32
      %dma_wait3A_236 = arith.constant 0 : i32
      %dma_wait3A_237 = arith.constant 0 : i32
      %dma_wait3A_238 = tpu.memref_slice %arg3[%add3A, %dma_wait3A_236, %dma_wait3A_237] : memref<32x80x128xi32, #tpu.memory_space<hbm>> -> memref<1x80x128xi32, #tpu.memory_space<hbm>>
      %dma_wait3A_239 = tpu.memref_squeeze %dma_wait3A_238 : memref<1x80x128xi32, #tpu.memory_space<hbm>> -> memref<80x128xi32, #tpu.memory_space<hbm>>
      %dma_wait3A_240 = arith.constant 0 : i32
      %dma_wait3A_241 = tpu.memref_slice %dma_wait3A_239[%dma_wait3A_235, %dma_wait3A_240] : memref<80x128xi32, #tpu.memory_space<hbm>> -> memref<1x128xi32, #tpu.memory_space<hbm>>
      %dma_wait3A_242 = tpu.memref_squeeze %dma_wait3A_241 : memref<1x128xi32, #tpu.memory_space<hbm>> -> memref<128xi32, #tpu.memory_space<hbm>>
      %dma_wait3A_243 = arith.constant 0 : i32
      %dma_wait3A_244 = arith.constant 0 : i32
      %dma_wait3A_245 = tpu.memref_slice %arg3[%add3A, %dma_wait3A_243, %dma_wait3A_244] : memref<32x80x128xi32, #tpu.memory_space<hbm>> -> memref<1x80x128xi32, #tpu.memory_space<hbm>>
      %dma_wait3A_246 = tpu.memref_squeeze %dma_wait3A_245 : memref<1x80x128xi32, #tpu.memory_space<hbm>> -> memref<80x128xi32, #tpu.memory_space<hbm>>
      %dma_wait3A_247 = arith.constant 0 : i32
      %dma_wait3A_248 = tpu.memref_slice %dma_wait3A_246[%dma_wait3A_235, %dma_wait3A_247] : memref<80x128xi32, #tpu.memory_space<hbm>> -> memref<1x128xi32, #tpu.memory_space<hbm>>
      %dma_wait3A_249 = tpu.memref_squeeze %dma_wait3A_248 : memref<1x128xi32, #tpu.memory_space<hbm>> -> memref<128xi32, #tpu.memory_space<hbm>>
      tpu.wait_dma2 semaphore(%arg20 : memref<!tpu.dma_semaphore, #tpu.memory_space<semaphore_mem>>) src(%dma_wait3A_249 : memref<128xi32, #tpu.memory_space<hbm>>) dst(%arg11 : memref<128xi32, #tpu.memory_space<vmem>>)
      %dma_start3A_250 = arith.constant 0 : i32
      %dma_start3A_251 = arith.constant 0 : i32
      %dma_start3A_252 = tpu.memref_slice %arg2[%dma_start3A_250, %dma_start3A_251] : memref<10240x128xf32, #tpu.memory_space<hbm>> -> memref<10240x128xf32, #tpu.memory_space<hbm>>
      tpu.enqueue_indirect_dma source(%dma_start3A_252 : memref<10240x128xf32, #tpu.memory_space<hbm>>) target(%arg13 : memref<128x128xf32, #tpu.memory_space<vmem>>) offsets(%arg11 : memref<128xi32, #tpu.memory_space<vmem>>) semaphore(%arg16 : memref<!tpu.dma_semaphore, #tpu.memory_space<semaphore_mem>>)
      %add3A_253 = arith.constant 2 : i32
      %add3A_254 = arith.addi %mul3A_168, %add3A_253 : i32
      %dma_wait3A_255 = arith.constant 0 : i32
      %dma_wait3A_256 = arith.constant 0 : i32
      %dma_wait3A_257 = tpu.memref_slice %arg2[%dma_wait3A_255, %dma_wait3A_256] : memref<10240x128xf32, #tpu.memory_space<hbm>> -> memref<128x128xf32, #tpu.memory_space<hbm>>
      %dma_wait3A_258 = arith.constant 0 : i32
      %dma_wait3A_259 = arith.constant 0 : i32
      %dma_wait3A_260 = tpu.memref_slice %arg2[%dma_wait3A_258, %dma_wait3A_259] : memref<10240x128xf32, #tpu.memory_space<hbm>> -> memref<128x128xf32, #tpu.memory_space<hbm>>
      tpu.wait_dma2 semaphore(%arg15 : memref<!tpu.dma_semaphore, #tpu.memory_space<semaphore_mem>>) src(%dma_wait3A_260 : memref<128x128xf32, #tpu.memory_space<hbm>>) dst(%arg12 : memref<128x128xf32, #tpu.memory_space<vmem>>)
      "tpu.region"() ({
        %run_scoped3A_337 = tpu.sem_alloc : memref<!tpu.dma_semaphore, #tpu.memory_space<semaphore_mem>>
        %dma_start3A_338 = arith.constant 0 : i32
        %dma_start3A_339 = tpu.memref_slice %arg7[%add3A_254, %dma_start3A_338] : memref<80x128xi32, #tpu.memory_space<vmem>> -> memref<1x128xi32, #tpu.memory_space<vmem>>
        %dma_start3A_340 = tpu.memref_squeeze %dma_start3A_339 : memref<1x128xi32, #tpu.memory_space<vmem>> -> memref<128xi32, #tpu.memory_space<vmem>>
        %dma_start3A_341 = arith.constant 0 : i32
        %dma_start3A_342 = arith.constant 0 : i32
        %dma_start3A_343 = tpu.memref_slice %arg14[%dma_start3A_341, %dma_start3A_342] : memref<10240x128xf32, #tpu.memory_space<vmem_shared>> -> memref<10240x128xf32, #tpu.memory_space<vmem_shared>>
        tpu.enqueue_indirect_dma source(%arg12 : memref<128x128xf32, #tpu.memory_space<vmem>>) target(%dma_start3A_343 : memref<10240x128xf32, #tpu.memory_space<vmem_shared>>) offsets(%dma_start3A_340 : memref<128xi32, #tpu.memory_space<vmem>>) semaphore(%run_scoped3A_337 : memref<!tpu.dma_semaphore, #tpu.memory_space<semaphore_mem>>) {add = true}
        %dma_wait3A_344 = arith.constant 0 : i32
        %dma_wait3A_345 = tpu.memref_slice %arg7[%add3A_254, %dma_wait3A_344] : memref<80x128xi32, #tpu.memory_space<vmem>> -> memref<1x128xi32, #tpu.memory_space<vmem>>
        %dma_wait3A_346 = tpu.memref_squeeze %dma_wait3A_345 : memref<1x128xi32, #tpu.memory_space<vmem>> -> memref<128xi32, #tpu.memory_space<vmem>>
        %dma_wait3A_347 = arith.constant 0 : i32
        %dma_wait3A_348 = arith.constant 0 : i32
        %dma_wait3A_349 = tpu.memref_slice %arg14[%dma_wait3A_347, %dma_wait3A_348] : memref<10240x128xf32, #tpu.memory_space<vmem_shared>> -> memref<10240x128xf32, #tpu.memory_space<vmem_shared>>
        tpu.wait_indirect_dma semaphore(%run_scoped3A_337 : memref<!tpu.dma_semaphore, #tpu.memory_space<semaphore_mem>>) src(%arg12 : memref<128x128xf32, #tpu.memory_space<vmem>>) dst(%dma_wait3A_349 : memref<10240x128xf32, #tpu.memory_space<vmem_shared>>)
        tpu.yield
      }) : () -> ()
      %add3A_261 = arith.constant 4 : i32
      %add3A_262 = arith.addi %add3A_254, %add3A_261 : i32
      %dma_start3A_263 = arith.constant 0 : i32
      %dma_start3A_264 = arith.constant 0 : i32
      %dma_start3A_265 = tpu.memref_slice %arg3[%add3A, %dma_start3A_263, %dma_start3A_264] : memref<32x80x128xi32, #tpu.memory_space<hbm>> -> memref<1x80x128xi32, #tpu.memory_space<hbm>>
      %dma_start3A_266 = tpu.memref_squeeze %dma_start3A_265 : memref<1x80x128xi32, #tpu.memory_space<hbm>> -> memref<80x128xi32, #tpu.memory_space<hbm>>
      %dma_start3A_267 = arith.constant 0 : i32
      %dma_start3A_268 = tpu.memref_slice %dma_start3A_266[%add3A_262, %dma_start3A_267] : memref<80x128xi32, #tpu.memory_space<hbm>> -> memref<1x128xi32, #tpu.memory_space<hbm>>
      %dma_start3A_269 = tpu.memref_squeeze %dma_start3A_268 : memref<1x128xi32, #tpu.memory_space<hbm>> -> memref<128xi32, #tpu.memory_space<hbm>>
      %dma_start3A_270 = arith.constant 0 : i32
      %dma_start3A_271 = arith.constant 0 : i32
      %dma_start3A_272 = tpu.memref_slice %arg3[%add3A, %dma_start3A_270, %dma_start3A_271] : memref<32x80x128xi32, #tpu.memory_space<hbm>> -> memref<1x80x128xi32, #tpu.memory_space<hbm>>
      %dma_start3A_273 = tpu.memref_squeeze %dma_start3A_272 : memref<1x80x128xi32, #tpu.memory_space<hbm>> -> memref<80x128xi32, #tpu.memory_space<hbm>>
      %dma_start3A_274 = arith.constant 0 : i32
      %dma_start3A_275 = tpu.memref_slice %dma_start3A_273[%add3A_262, %dma_start3A_274] : memref<80x128xi32, #tpu.memory_space<hbm>> -> memref<1x128xi32, #tpu.memory_space<hbm>>
      %dma_start3A_276 = tpu.memref_squeeze %dma_start3A_275 : memref<1x128xi32, #tpu.memory_space<hbm>> -> memref<128xi32, #tpu.memory_space<hbm>>
      tpu.enqueue_dma source(%dma_start3A_276 : memref<128xi32, #tpu.memory_space<hbm>>) target(%arg10 : memref<128xi32, #tpu.memory_space<vmem>>) target_semaphore(%arg19 : memref<!tpu.dma_semaphore, #tpu.memory_space<semaphore_mem>>)
      %dma_wait3A_277 = arith.constant 0 : i32
      %dma_wait3A_278 = arith.constant 0 : i32
      %dma_wait3A_279 = arith.constant 0 : i32
      %dma_wait3A_280 = tpu.memref_slice %arg3[%add3A, %dma_wait3A_278, %dma_wait3A_279] : memref<32x80x128xi32, #tpu.memory_space<hbm>> -> memref<1x80x128xi32, #tpu.memory_space<hbm>>
      %dma_wait3A_281 = tpu.memref_squeeze %dma_wait3A_280 : memref<1x80x128xi32, #tpu.memory_space<hbm>> -> memref<80x128xi32, #tpu.memory_space<hbm>>
      %dma_wait3A_282 = arith.constant 0 : i32
      %dma_wait3A_283 = tpu.memref_slice %dma_wait3A_281[%dma_wait3A_277, %dma_wait3A_282] : memref<80x128xi32, #tpu.memory_space<hbm>> -> memref<1x128xi32, #tpu.memory_space<hbm>>
      %dma_wait3A_284 = tpu.memref_squeeze %dma_wait3A_283 : memref<1x128xi32, #tpu.memory_space<hbm>> -> memref<128xi32, #tpu.memory_space<hbm>>
      %dma_wait3A_285 = arith.constant 0 : i32
      %dma_wait3A_286 = arith.constant 0 : i32
      %dma_wait3A_287 = tpu.memref_slice %arg3[%add3A, %dma_wait3A_285, %dma_wait3A_286] : memref<32x80x128xi32, #tpu.memory_space<hbm>> -> memref<1x80x128xi32, #tpu.memory_space<hbm>>
      %dma_wait3A_288 = tpu.memref_squeeze %dma_wait3A_287 : memref<1x80x128xi32, #tpu.memory_space<hbm>> -> memref<80x128xi32, #tpu.memory_space<hbm>>
      %dma_wait3A_289 = arith.constant 0 : i32
      %dma_wait3A_290 = tpu.memref_slice %dma_wait3A_288[%dma_wait3A_277, %dma_wait3A_289] : memref<80x128xi32, #tpu.memory_space<hbm>> -> memref<1x128xi32, #tpu.memory_space<hbm>>
      %dma_wait3A_291 = tpu.memref_squeeze %dma_wait3A_290 : memref<1x128xi32, #tpu.memory_space<hbm>> -> memref<128xi32, #tpu.memory_space<hbm>>
      tpu.wait_dma2 semaphore(%arg17 : memref<!tpu.dma_semaphore, #tpu.memory_space<semaphore_mem>>) src(%dma_wait3A_291 : memref<128xi32, #tpu.memory_space<hbm>>) dst(%arg8 : memref<128xi32, #tpu.memory_space<vmem>>)
      %dma_start3A_292 = arith.constant 0 : i32
      %dma_start3A_293 = arith.constant 0 : i32
      %dma_start3A_294 = tpu.memref_slice %arg2[%dma_start3A_292, %dma_start3A_293] : memref<10240x128xf32, #tpu.memory_space<hbm>> -> memref<10240x128xf32, #tpu.memory_space<hbm>>
      tpu.enqueue_indirect_dma source(%dma_start3A_294 : memref<10240x128xf32, #tpu.memory_space<hbm>>) target(%arg12 : memref<128x128xf32, #tpu.memory_space<vmem>>) offsets(%arg8 : memref<128xi32, #tpu.memory_space<vmem>>) semaphore(%arg15 : memref<!tpu.dma_semaphore, #tpu.memory_space<semaphore_mem>>)
      %add3A_295 = arith.constant 3 : i32
      %add3A_296 = arith.addi %mul3A_168, %add3A_295 : i32
      %dma_wait3A_297 = arith.constant 0 : i32
      %dma_wait3A_298 = arith.constant 0 : i32
      %dma_wait3A_299 = tpu.memref_slice %arg2[%dma_wait3A_297, %dma_wait3A_298] : memref<10240x128xf32, #tpu.memory_space<hbm>> -> memref<128x128xf32, #tpu.memory_space<hbm>>
      %dma_wait3A_300 = arith.constant 0 : i32
      %dma_wait3A_301 = arith.constant 0 : i32
      %dma_wait3A_302 = tpu.memref_slice %arg2[%dma_wait3A_300, %dma_wait3A_301] : memref<10240x128xf32, #tpu.memory_space<hbm>> -> memref<128x128xf32, #tpu.memory_space<hbm>>
      tpu.wait_dma2 semaphore(%arg16 : memref<!tpu.dma_semaphore, #tpu.memory_space<semaphore_mem>>) src(%dma_wait3A_302 : memref<128x128xf32, #tpu.memory_space<hbm>>) dst(%arg13 : memref<128x128xf32, #tpu.memory_space<vmem>>)
      "tpu.region"() ({
        %run_scoped3A_337 = tpu.sem_alloc : memref<!tpu.dma_semaphore, #tpu.memory_space<semaphore_mem>>
        %dma_start3A_338 = arith.constant 0 : i32
        %dma_start3A_339 = tpu.memref_slice %arg7[%add3A_296, %dma_start3A_338] : memref<80x128xi32, #tpu.memory_space<vmem>> -> memref<1x128xi32, #tpu.memory_space<vmem>>
        %dma_start3A_340 = tpu.memref_squeeze %dma_start3A_339 : memref<1x128xi32, #tpu.memory_space<vmem>> -> memref<128xi32, #tpu.memory_space<vmem>>
        %dma_start3A_341 = arith.constant 0 : i32
        %dma_start3A_342 = arith.constant 0 : i32
        %dma_start3A_343 = tpu.memref_slice %arg14[%dma_start3A_341, %dma_start3A_342] : memref<10240x128xf32, #tpu.memory_space<vmem_shared>> -> memref<10240x128xf32, #tpu.memory_space<vmem_shared>>
        tpu.enqueue_indirect_dma source(%arg13 : memref<128x128xf32, #tpu.memory_space<vmem>>) target(%dma_start3A_343 : memref<10240x128xf32, #tpu.memory_space<vmem_shared>>) offsets(%dma_start3A_340 : memref<128xi32, #tpu.memory_space<vmem>>) semaphore(%run_scoped3A_337 : memref<!tpu.dma_semaphore, #tpu.memory_space<semaphore_mem>>) {add = true}
        %dma_wait3A_344 = arith.constant 0 : i32
        %dma_wait3A_345 = tpu.memref_slice %arg7[%add3A_296, %dma_wait3A_344] : memref<80x128xi32, #tpu.memory_space<vmem>> -> memref<1x128xi32, #tpu.memory_space<vmem>>
        %dma_wait3A_346 = tpu.memref_squeeze %dma_wait3A_345 : memref<1x128xi32, #tpu.memory_space<vmem>> -> memref<128xi32, #tpu.memory_space<vmem>>
        %dma_wait3A_347 = arith.constant 0 : i32
        %dma_wait3A_348 = arith.constant 0 : i32
        %dma_wait3A_349 = tpu.memref_slice %arg14[%dma_wait3A_347, %dma_wait3A_348] : memref<10240x128xf32, #tpu.memory_space<vmem_shared>> -> memref<10240x128xf32, #tpu.memory_space<vmem_shared>>
        tpu.wait_indirect_dma semaphore(%run_scoped3A_337 : memref<!tpu.dma_semaphore, #tpu.memory_space<semaphore_mem>>) src(%arg13 : memref<128x128xf32, #tpu.memory_space<vmem>>) dst(%dma_wait3A_349 : memref<10240x128xf32, #tpu.memory_space<vmem_shared>>)
        tpu.yield
      }) : () -> ()
      %add3A_303 = arith.constant 4 : i32
      %add3A_304 = arith.addi %add3A_296, %add3A_303 : i32
      %dma_start3A_305 = arith.constant 0 : i32
      %dma_start3A_306 = arith.constant 0 : i32
      %dma_start3A_307 = tpu.memref_slice %arg3[%add3A, %dma_start3A_305, %dma_start3A_306] : memref<32x80x128xi32, #tpu.memory_space<hbm>> -> memref<1x80x128xi32, #tpu.memory_space<hbm>>
      %dma_start3A_308 = tpu.memref_squeeze %dma_start3A_307 : memref<1x80x128xi32, #tpu.memory_space<hbm>> -> memref<80x128xi32, #tpu.memory_space<hbm>>
      %dma_start3A_309 = arith.constant 0 : i32
      %dma_start3A_310 = tpu.memref_slice %dma_start3A_308[%add3A_304, %dma_start3A_309] : memref<80x128xi32, #tpu.memory_space<hbm>> -> memref<1x128xi32, #tpu.memory_space<hbm>>
      %dma_start3A_311 = tpu.memref_squeeze %dma_start3A_310 : memref<1x128xi32, #tpu.memory_space<hbm>> -> memref<128xi32, #tpu.memory_space<hbm>>
      %dma_start3A_312 = arith.constant 0 : i32
      %dma_start3A_313 = arith.constant 0 : i32
      %dma_start3A_314 = tpu.memref_slice %arg3[%add3A, %dma_start3A_312, %dma_start3A_313] : memref<32x80x128xi32, #tpu.memory_space<hbm>> -> memref<1x80x128xi32, #tpu.memory_space<hbm>>
      %dma_start3A_315 = tpu.memref_squeeze %dma_start3A_314 : memref<1x80x128xi32, #tpu.memory_space<hbm>> -> memref<80x128xi32, #tpu.memory_space<hbm>>
      %dma_start3A_316 = arith.constant 0 : i32
      %dma_start3A_317 = tpu.memref_slice %dma_start3A_315[%add3A_304, %dma_start3A_316] : memref<80x128xi32, #tpu.memory_space<hbm>> -> memref<1x128xi32, #tpu.memory_space<hbm>>
      %dma_start3A_318 = tpu.memref_squeeze %dma_start3A_317 : memref<1x128xi32, #tpu.memory_space<hbm>> -> memref<128xi32, #tpu.memory_space<hbm>>
      tpu.enqueue_dma source(%dma_start3A_318 : memref<128xi32, #tpu.memory_space<hbm>>) target(%arg11 : memref<128xi32, #tpu.memory_space<vmem>>) target_semaphore(%arg20 : memref<!tpu.dma_semaphore, #tpu.memory_space<semaphore_mem>>)
      %dma_wait3A_319 = arith.constant 0 : i32
      %dma_wait3A_320 = arith.constant 0 : i32
      %dma_wait3A_321 = arith.constant 0 : i32
      %dma_wait3A_322 = tpu.memref_slice %arg3[%add3A, %dma_wait3A_320, %dma_wait3A_321] : memref<32x80x128xi32, #tpu.memory_space<hbm>> -> memref<1x80x128xi32, #tpu.memory_space<hbm>>
      %dma_wait3A_323 = tpu.memref_squeeze %dma_wait3A_322 : memref<1x80x128xi32, #tpu.memory_space<hbm>> -> memref<80x128xi32, #tpu.memory_space<hbm>>
      %dma_wait3A_324 = arith.constant 0 : i32
      %dma_wait3A_325 = tpu.memref_slice %dma_wait3A_323[%dma_wait3A_319, %dma_wait3A_324] : memref<80x128xi32, #tpu.memory_space<hbm>> -> memref<1x128xi32, #tpu.memory_space<hbm>>
      %dma_wait3A_326 = tpu.memref_squeeze %dma_wait3A_325 : memref<1x128xi32, #tpu.memory_space<hbm>> -> memref<128xi32, #tpu.memory_space<hbm>>
      %dma_wait3A_327 = arith.constant 0 : i32
      %dma_wait3A_328 = arith.constant 0 : i32
      %dma_wait3A_329 = tpu.memref_slice %arg3[%add3A, %dma_wait3A_327, %dma_wait3A_328] : memref<32x80x128xi32, #tpu.memory_space<hbm>> -> memref<1x80x128xi32, #tpu.memory_space<hbm>>
      %dma_wait3A_330 = tpu.memref_squeeze %dma_wait3A_329 : memref<1x80x128xi32, #tpu.memory_space<hbm>> -> memref<80x128xi32, #tpu.memory_space<hbm>>
      %dma_wait3A_331 = arith.constant 0 : i32
      %dma_wait3A_332 = tpu.memref_slice %dma_wait3A_330[%dma_wait3A_319, %dma_wait3A_331] : memref<80x128xi32, #tpu.memory_space<hbm>> -> memref<1x128xi32, #tpu.memory_space<hbm>>
      %dma_wait3A_333 = tpu.memref_squeeze %dma_wait3A_332 : memref<1x128xi32, #tpu.memory_space<hbm>> -> memref<128xi32, #tpu.memory_space<hbm>>
      tpu.wait_dma2 semaphore(%arg18 : memref<!tpu.dma_semaphore, #tpu.memory_space<semaphore_mem>>) src(%dma_wait3A_333 : memref<128xi32, #tpu.memory_space<hbm>>) dst(%arg9 : memref<128xi32, #tpu.memory_space<vmem>>)
      %dma_start3A_334 = arith.constant 0 : i32
      %dma_start3A_335 = arith.constant 0 : i32
      %dma_start3A_336 = tpu.memref_slice %arg2[%dma_start3A_334, %dma_start3A_335] : memref<10240x128xf32, #tpu.memory_space<hbm>> -> memref<10240x128xf32, #tpu.memory_space<hbm>>
      tpu.enqueue_indirect_dma source(%dma_start3A_336 : memref<10240x128xf32, #tpu.memory_space<hbm>>) target(%arg13 : memref<128x128xf32, #tpu.memory_space<vmem>>) offsets(%arg9 : memref<128xi32, #tpu.memory_space<vmem>>) semaphore(%arg16 : memref<!tpu.dma_semaphore, #tpu.memory_space<semaphore_mem>>)
    }
    %scan3A_101 = arith.constant 19 : i32
    %dma_wait3A_102 = arith.constant 0 : i32
    %dma_wait3A_103 = arith.constant 0 : i32
    %dma_wait3A_104 = tpu.memref_slice %arg2[%dma_wait3A_102, %dma_wait3A_103] : memref<10240x128xf32, #tpu.memory_space<hbm>> -> memref<128x128xf32, #tpu.memory_space<hbm>>
    %dma_wait3A_105 = arith.constant 0 : i32
    %dma_wait3A_106 = arith.constant 0 : i32
    %dma_wait3A_107 = tpu.memref_slice %arg2[%dma_wait3A_105, %dma_wait3A_106] : memref<10240x128xf32, #tpu.memory_space<hbm>> -> memref<128x128xf32, #tpu.memory_space<hbm>>
    tpu.wait_dma2 semaphore(%arg15 : memref<!tpu.dma_semaphore, #tpu.memory_space<semaphore_mem>>) src(%dma_wait3A_107 : memref<128x128xf32, #tpu.memory_space<hbm>>) dst(%arg12 : memref<128x128xf32, #tpu.memory_space<vmem>>)
    %run_scoped3A = arith.constant 76 : i32
    "tpu.region"() ({
      %run_scoped3A_166 = tpu.sem_alloc : memref<!tpu.dma_semaphore, #tpu.memory_space<semaphore_mem>>
      %dma_start3A_167 = arith.constant 0 : i32
      %dma_start3A_168 = tpu.memref_slice %arg7[%run_scoped3A, %dma_start3A_167] : memref<80x128xi32, #tpu.memory_space<vmem>> -> memref<1x128xi32, #tpu.memory_space<vmem>>
      %dma_start3A_169 = tpu.memref_squeeze %dma_start3A_168 : memref<1x128xi32, #tpu.memory_space<vmem>> -> memref<128xi32, #tpu.memory_space<vmem>>
      %dma_start3A_170 = arith.constant 0 : i32
      %dma_start3A_171 = arith.constant 0 : i32
      %dma_start3A_172 = tpu.memref_slice %arg14[%dma_start3A_170, %dma_start3A_171] : memref<10240x128xf32, #tpu.memory_space<vmem_shared>> -> memref<10240x128xf32, #tpu.memory_space<vmem_shared>>
      tpu.enqueue_indirect_dma source(%arg12 : memref<128x128xf32, #tpu.memory_space<vmem>>) target(%dma_start3A_172 : memref<10240x128xf32, #tpu.memory_space<vmem_shared>>) offsets(%dma_start3A_169 : memref<128xi32, #tpu.memory_space<vmem>>) semaphore(%run_scoped3A_166 : memref<!tpu.dma_semaphore, #tpu.memory_space<semaphore_mem>>) {add = true}
      %dma_wait3A_173 = arith.constant 0 : i32
      %dma_wait3A_174 = tpu.memref_slice %arg7[%run_scoped3A, %dma_wait3A_173] : memref<80x128xi32, #tpu.memory_space<vmem>> -> memref<1x128xi32, #tpu.memory_space<vmem>>
      %dma_wait3A_175 = tpu.memref_squeeze %dma_wait3A_174 : memref<1x128xi32, #tpu.memory_space<vmem>> -> memref<128xi32, #tpu.memory_space<vmem>>
      %dma_wait3A_176 = arith.constant 0 : i32
      %dma_wait3A_177 = arith.constant 0 : i32
      %dma_wait3A_178 = tpu.memref_slice %arg14[%dma_wait3A_176, %dma_wait3A_177] : memref<10240x128xf32, #tpu.memory_space<vmem_shared>> -> memref<10240x128xf32, #tpu.memory_space<vmem_shared>>
      tpu.wait_indirect_dma semaphore(%run_scoped3A_166 : memref<!tpu.dma_semaphore, #tpu.memory_space<semaphore_mem>>) src(%arg12 : memref<128x128xf32, #tpu.memory_space<vmem>>) dst(%dma_wait3A_178 : memref<10240x128xf32, #tpu.memory_space<vmem_shared>>)
      tpu.yield
    }) : () -> ()
    %dma_wait3A_108 = arith.constant 0 : i32
    %dma_wait3A_109 = arith.constant 0 : i32
    %dma_wait3A_110 = arith.constant 0 : i32
    %dma_wait3A_111 = tpu.memref_slice %arg3[%add3A, %dma_wait3A_109, %dma_wait3A_110] : memref<32x80x128xi32, #tpu.memory_space<hbm>> -> memref<1x80x128xi32, #tpu.memory_space<hbm>>
    %dma_wait3A_112 = tpu.memref_squeeze %dma_wait3A_111 : memref<1x80x128xi32, #tpu.memory_space<hbm>> -> memref<80x128xi32, #tpu.memory_space<hbm>>
    %dma_wait3A_113 = arith.constant 0 : i32
    %dma_wait3A_114 = tpu.memref_slice %dma_wait3A_112[%dma_wait3A_108, %dma_wait3A_113] : memref<80x128xi32, #tpu.memory_space<hbm>> -> memref<1x128xi32, #tpu.memory_space<hbm>>
    %dma_wait3A_115 = tpu.memref_squeeze %dma_wait3A_114 : memref<1x128xi32, #tpu.memory_space<hbm>> -> memref<128xi32, #tpu.memory_space<hbm>>
    %dma_wait3A_116 = arith.constant 0 : i32
    %dma_wait3A_117 = arith.constant 0 : i32
    %dma_wait3A_118 = tpu.memref_slice %arg3[%add3A, %dma_wait3A_116, %dma_wait3A_117] : memref<32x80x128xi32, #tpu.memory_space<hbm>> -> memref<1x80x128xi32, #tpu.memory_space<hbm>>
    %dma_wait3A_119 = tpu.memref_squeeze %dma_wait3A_118 : memref<1x80x128xi32, #tpu.memory_space<hbm>> -> memref<80x128xi32, #tpu.memory_space<hbm>>
    %dma_wait3A_120 = arith.constant 0 : i32
    %dma_wait3A_121 = tpu.memref_slice %dma_wait3A_119[%dma_wait3A_108, %dma_wait3A_120] : memref<80x128xi32, #tpu.memory_space<hbm>> -> memref<1x128xi32, #tpu.memory_space<hbm>>
    %dma_wait3A_122 = tpu.memref_squeeze %dma_wait3A_121 : memref<1x128xi32, #tpu.memory_space<hbm>> -> memref<128xi32, #tpu.memory_space<hbm>>
    tpu.wait_dma2 semaphore(%arg19 : memref<!tpu.dma_semaphore, #tpu.memory_space<semaphore_mem>>) src(%dma_wait3A_122 : memref<128xi32, #tpu.memory_space<hbm>>) dst(%arg10 : memref<128xi32, #tpu.memory_space<vmem>>)
    %dma_start3A_123 = arith.constant 0 : i32
    %dma_start3A_124 = arith.constant 0 : i32
    %dma_start3A_125 = tpu.memref_slice %arg2[%dma_start3A_123, %dma_start3A_124] : memref<10240x128xf32, #tpu.memory_space<hbm>> -> memref<10240x128xf32, #tpu.memory_space<hbm>>
    tpu.enqueue_indirect_dma source(%dma_start3A_125 : memref<10240x128xf32, #tpu.memory_space<hbm>>) target(%arg12 : memref<128x128xf32, #tpu.memory_space<vmem>>) offsets(%arg10 : memref<128xi32, #tpu.memory_space<vmem>>) semaphore(%arg15 : memref<!tpu.dma_semaphore, #tpu.memory_space<semaphore_mem>>)
    %dma_wait3A_126 = arith.constant 0 : i32
    %dma_wait3A_127 = arith.constant 0 : i32
    %dma_wait3A_128 = tpu.memref_slice %arg2[%dma_wait3A_126, %dma_wait3A_127] : memref<10240x128xf32, #tpu.memory_space<hbm>> -> memref<128x128xf32, #tpu.memory_space<hbm>>
    %dma_wait3A_129 = arith.constant 0 : i32
    %dma_wait3A_130 = arith.constant 0 : i32
    %dma_wait3A_131 = tpu.memref_slice %arg2[%dma_wait3A_129, %dma_wait3A_130] : memref<10240x128xf32, #tpu.memory_space<hbm>> -> memref<128x128xf32, #tpu.memory_space<hbm>>
    tpu.wait_dma2 semaphore(%arg16 : memref<!tpu.dma_semaphore, #tpu.memory_space<semaphore_mem>>) src(%dma_wait3A_131 : memref<128x128xf32, #tpu.memory_space<hbm>>) dst(%arg13 : memref<128x128xf32, #tpu.memory_space<vmem>>)
    %run_scoped3A_132 = arith.constant 77 : i32
    "tpu.region"() ({
      %run_scoped3A_166 = tpu.sem_alloc : memref<!tpu.dma_semaphore, #tpu.memory_space<semaphore_mem>>
      %dma_start3A_167 = arith.constant 0 : i32
      %dma_start3A_168 = tpu.memref_slice %arg7[%run_scoped3A_132, %dma_start3A_167] : memref<80x128xi32, #tpu.memory_space<vmem>> -> memref<1x128xi32, #tpu.memory_space<vmem>>
      %dma_start3A_169 = tpu.memref_squeeze %dma_start3A_168 : memref<1x128xi32, #tpu.memory_space<vmem>> -> memref<128xi32, #tpu.memory_space<vmem>>
      %dma_start3A_170 = arith.constant 0 : i32
      %dma_start3A_171 = arith.constant 0 : i32
      %dma_start3A_172 = tpu.memref_slice %arg14[%dma_start3A_170, %dma_start3A_171] : memref<10240x128xf32, #tpu.memory_space<vmem_shared>> -> memref<10240x128xf32, #tpu.memory_space<vmem_shared>>
      tpu.enqueue_indirect_dma source(%arg13 : memref<128x128xf32, #tpu.memory_space<vmem>>) target(%dma_start3A_172 : memref<10240x128xf32, #tpu.memory_space<vmem_shared>>) offsets(%dma_start3A_169 : memref<128xi32, #tpu.memory_space<vmem>>) semaphore(%run_scoped3A_166 : memref<!tpu.dma_semaphore, #tpu.memory_space<semaphore_mem>>) {add = true}
      %dma_wait3A_173 = arith.constant 0 : i32
      %dma_wait3A_174 = tpu.memref_slice %arg7[%run_scoped3A_132, %dma_wait3A_173] : memref<80x128xi32, #tpu.memory_space<vmem>> -> memref<1x128xi32, #tpu.memory_space<vmem>>
      %dma_wait3A_175 = tpu.memref_squeeze %dma_wait3A_174 : memref<1x128xi32, #tpu.memory_space<vmem>> -> memref<128xi32, #tpu.memory_space<vmem>>
      %dma_wait3A_176 = arith.constant 0 : i32
      %dma_wait3A_177 = arith.constant 0 : i32
      %dma_wait3A_178 = tpu.memref_slice %arg14[%dma_wait3A_176, %dma_wait3A_177] : memref<10240x128xf32, #tpu.memory_space<vmem_shared>> -> memref<10240x128xf32, #tpu.memory_space<vmem_shared>>
      tpu.wait_indirect_dma semaphore(%run_scoped3A_166 : memref<!tpu.dma_semaphore, #tpu.memory_space<semaphore_mem>>) src(%arg13 : memref<128x128xf32, #tpu.memory_space<vmem>>) dst(%dma_wait3A_178 : memref<10240x128xf32, #tpu.memory_space<vmem_shared>>)
      tpu.yield
    }) : () -> ()
    %dma_wait3A_133 = arith.constant 0 : i32
    %dma_wait3A_134 = arith.constant 0 : i32
    %dma_wait3A_135 = arith.constant 0 : i32
    %dma_wait3A_136 = tpu.memref_slice %arg3[%add3A, %dma_wait3A_134, %dma_wait3A_135] : memref<32x80x128xi32, #tpu.memory_space<hbm>> -> memref<1x80x128xi32, #tpu.memory_space<hbm>>
    %dma_wait3A_137 = tpu.memref_squeeze %dma_wait3A_136 : memref<1x80x128xi32, #tpu.memory_space<hbm>> -> memref<80x128xi32, #tpu.memory_space<hbm>>
    %dma_wait3A_138 = arith.constant 0 : i32
    %dma_wait3A_139 = tpu.memref_slice %dma_wait3A_137[%dma_wait3A_133, %dma_wait3A_138] : memref<80x128xi32, #tpu.memory_space<hbm>> -> memref<1x128xi32, #tpu.memory_space<hbm>>
    %dma_wait3A_140 = tpu.memref_squeeze %dma_wait3A_139 : memref<1x128xi32, #tpu.memory_space<hbm>> -> memref<128xi32, #tpu.memory_space<hbm>>
    %dma_wait3A_141 = arith.constant 0 : i32
    %dma_wait3A_142 = arith.constant 0 : i32
    %dma_wait3A_143 = tpu.memref_slice %arg3[%add3A, %dma_wait3A_141, %dma_wait3A_142] : memref<32x80x128xi32, #tpu.memory_space<hbm>> -> memref<1x80x128xi32, #tpu.memory_space<hbm>>
    %dma_wait3A_144 = tpu.memref_squeeze %dma_wait3A_143 : memref<1x80x128xi32, #tpu.memory_space<hbm>> -> memref<80x128xi32, #tpu.memory_space<hbm>>
    %dma_wait3A_145 = arith.constant 0 : i32
    %dma_wait3A_146 = tpu.memref_slice %dma_wait3A_144[%dma_wait3A_133, %dma_wait3A_145] : memref<80x128xi32, #tpu.memory_space<hbm>> -> memref<1x128xi32, #tpu.memory_space<hbm>>
    %dma_wait3A_147 = tpu.memref_squeeze %dma_wait3A_146 : memref<1x128xi32, #tpu.memory_space<hbm>> -> memref<128xi32, #tpu.memory_space<hbm>>
    tpu.wait_dma2 semaphore(%arg20 : memref<!tpu.dma_semaphore, #tpu.memory_space<semaphore_mem>>) src(%dma_wait3A_147 : memref<128xi32, #tpu.memory_space<hbm>>) dst(%arg11 : memref<128xi32, #tpu.memory_space<vmem>>)
    %dma_start3A_148 = arith.constant 0 : i32
    %dma_start3A_149 = arith.constant 0 : i32
    %dma_start3A_150 = tpu.memref_slice %arg2[%dma_start3A_148, %dma_start3A_149] : memref<10240x128xf32, #tpu.memory_space<hbm>> -> memref<10240x128xf32, #tpu.memory_space<hbm>>
    tpu.enqueue_indirect_dma source(%dma_start3A_150 : memref<10240x128xf32, #tpu.memory_space<hbm>>) target(%arg13 : memref<128x128xf32, #tpu.memory_space<vmem>>) offsets(%arg11 : memref<128xi32, #tpu.memory_space<vmem>>) semaphore(%arg16 : memref<!tpu.dma_semaphore, #tpu.memory_space<semaphore_mem>>)
    %dma_wait3A_151 = arith.constant 0 : i32
    %dma_wait3A_152 = arith.constant 0 : i32
    %dma_wait3A_153 = tpu.memref_slice %arg2[%dma_wait3A_151, %dma_wait3A_152] : memref<10240x128xf32, #tpu.memory_space<hbm>> -> memref<128x128xf32, #tpu.memory_space<hbm>>
    %dma_wait3A_154 = arith.constant 0 : i32
    %dma_wait3A_155 = arith.constant 0 : i32
    %dma_wait3A_156 = tpu.memref_slice %arg2[%dma_wait3A_154, %dma_wait3A_155] : memref<10240x128xf32, #tpu.memory_space<hbm>> -> memref<128x128xf32, #tpu.memory_space<hbm>>
    tpu.wait_dma2 semaphore(%arg15 : memref<!tpu.dma_semaphore, #tpu.memory_space<semaphore_mem>>) src(%dma_wait3A_156 : memref<128x128xf32, #tpu.memory_space<hbm>>) dst(%arg12 : memref<128x128xf32, #tpu.memory_space<vmem>>)
    %run_scoped3A_157 = arith.constant 78 : i32
    "tpu.region"() ({
      %run_scoped3A_166 = tpu.sem_alloc : memref<!tpu.dma_semaphore, #tpu.memory_space<semaphore_mem>>
      %dma_start3A_167 = arith.constant 0 : i32
      %dma_start3A_168 = tpu.memref_slice %arg7[%run_scoped3A_157, %dma_start3A_167] : memref<80x128xi32, #tpu.memory_space<vmem>> -> memref<1x128xi32, #tpu.memory_space<vmem>>
      %dma_start3A_169 = tpu.memref_squeeze %dma_start3A_168 : memref<1x128xi32, #tpu.memory_space<vmem>> -> memref<128xi32, #tpu.memory_space<vmem>>
      %dma_start3A_170 = arith.constant 0 : i32
      %dma_start3A_171 = arith.constant 0 : i32
      %dma_start3A_172 = tpu.memref_slice %arg14[%dma_start3A_170, %dma_start3A_171] : memref<10240x128xf32, #tpu.memory_space<vmem_shared>> -> memref<10240x128xf32, #tpu.memory_space<vmem_shared>>
      tpu.enqueue_indirect_dma source(%arg12 : memref<128x128xf32, #tpu.memory_space<vmem>>) target(%dma_start3A_172 : memref<10240x128xf32, #tpu.memory_space<vmem_shared>>) offsets(%dma_start3A_169 : memref<128xi32, #tpu.memory_space<vmem>>) semaphore(%run_scoped3A_166 : memref<!tpu.dma_semaphore, #tpu.memory_space<semaphore_mem>>) {add = true}
      %dma_wait3A_173 = arith.constant 0 : i32
      %dma_wait3A_174 = tpu.memref_slice %arg7[%run_scoped3A_157, %dma_wait3A_173] : memref<80x128xi32, #tpu.memory_space<vmem>> -> memref<1x128xi32, #tpu.memory_space<vmem>>
      %dma_wait3A_175 = tpu.memref_squeeze %dma_wait3A_174 : memref<1x128xi32, #tpu.memory_space<vmem>> -> memref<128xi32, #tpu.memory_space<vmem>>
      %dma_wait3A_176 = arith.constant 0 : i32
      %dma_wait3A_177 = arith.constant 0 : i32
      %dma_wait3A_178 = tpu.memref_slice %arg14[%dma_wait3A_176, %dma_wait3A_177] : memref<10240x128xf32, #tpu.memory_space<vmem_shared>> -> memref<10240x128xf32, #tpu.memory_space<vmem_shared>>
      tpu.wait_indirect_dma semaphore(%run_scoped3A_166 : memref<!tpu.dma_semaphore, #tpu.memory_space<semaphore_mem>>) src(%arg12 : memref<128x128xf32, #tpu.memory_space<vmem>>) dst(%dma_wait3A_178 : memref<10240x128xf32, #tpu.memory_space<vmem_shared>>)
      tpu.yield
    }) : () -> ()
    %dma_wait3A_158 = arith.constant 0 : i32
    %dma_wait3A_159 = arith.constant 0 : i32
    %dma_wait3A_160 = tpu.memref_slice %arg2[%dma_wait3A_158, %dma_wait3A_159] : memref<10240x128xf32, #tpu.memory_space<hbm>> -> memref<128x128xf32, #tpu.memory_space<hbm>>
    %dma_wait3A_161 = arith.constant 0 : i32
    %dma_wait3A_162 = arith.constant 0 : i32
    %dma_wait3A_163 = tpu.memref_slice %arg2[%dma_wait3A_161, %dma_wait3A_162] : memref<10240x128xf32, #tpu.memory_space<hbm>> -> memref<128x128xf32, #tpu.memory_space<hbm>>
    tpu.wait_dma2 semaphore(%arg16 : memref<!tpu.dma_semaphore, #tpu.memory_space<semaphore_mem>>) src(%dma_wait3A_163 : memref<128x128xf32, #tpu.memory_space<hbm>>) dst(%arg13 : memref<128x128xf32, #tpu.memory_space<vmem>>)
    %run_scoped3A_164 = arith.constant 79 : i32
    "tpu.region"() ({
      %run_scoped3A_166 = tpu.sem_alloc : memref<!tpu.dma_semaphore, #tpu.memory_space<semaphore_mem>>
      %dma_start3A_167 = arith.constant 0 : i32
      %dma_start3A_168 = tpu.memref_slice %arg7[%run_scoped3A_164, %dma_start3A_167] : memref<80x128xi32, #tpu.memory_space<vmem>> -> memref<1x128xi32, #tpu.memory_space<vmem>>
      %dma_start3A_169 = tpu.memref_squeeze %dma_start3A_168 : memref<1x128xi32, #tpu.memory_space<vmem>> -> memref<128xi32, #tpu.memory_space<vmem>>
      %dma_start3A_170 = arith.constant 0 : i32
      %dma_start3A_171 = arith.constant 0 : i32
      %dma_start3A_172 = tpu.memref_slice %arg14[%dma_start3A_170, %dma_start3A_171] : memref<10240x128xf32, #tpu.memory_space<vmem_shared>> -> memref<10240x128xf32, #tpu.memory_space<vmem_shared>>
      tpu.enqueue_indirect_dma source(%arg13 : memref<128x128xf32, #tpu.memory_space<vmem>>) target(%dma_start3A_172 : memref<10240x128xf32, #tpu.memory_space<vmem_shared>>) offsets(%dma_start3A_169 : memref<128xi32, #tpu.memory_space<vmem>>) semaphore(%run_scoped3A_166 : memref<!tpu.dma_semaphore, #tpu.memory_space<semaphore_mem>>) {add = true}
      %dma_wait3A_173 = arith.constant 0 : i32
      %dma_wait3A_174 = tpu.memref_slice %arg7[%run_scoped3A_164, %dma_wait3A_173] : memref<80x128xi32, #tpu.memory_space<vmem>> -> memref<1x128xi32, #tpu.memory_space<vmem>>
      %dma_wait3A_175 = tpu.memref_squeeze %dma_wait3A_174 : memref<1x128xi32, #tpu.memory_space<vmem>> -> memref<128xi32, #tpu.memory_space<vmem>>
      %dma_wait3A_176 = arith.constant 0 : i32
      %dma_wait3A_177 = arith.constant 0 : i32
      %dma_wait3A_178 = tpu.memref_slice %arg14[%dma_wait3A_176, %dma_wait3A_177] : memref<10240x128xf32, #tpu.memory_space<vmem_shared>> -> memref<10240x128xf32, #tpu.memory_space<vmem_shared>>
      tpu.wait_indirect_dma semaphore(%run_scoped3A_166 : memref<!tpu.dma_semaphore, #tpu.memory_space<semaphore_mem>>) src(%arg13 : memref<128x128xf32, #tpu.memory_space<vmem>>) dst(%dma_wait3A_178 : memref<10240x128xf32, #tpu.memory_space<vmem_shared>>)
      tpu.yield
    }) : () -> ()
    %barrier3A_165 = arith.constant 0 : index
    tpu.barrier barrier_id(%barrier3A_165)
    "tpu.region"() ({
      %run_scoped3A_166 = tpu.sem_alloc : memref<!tpu.dma_semaphore, #tpu.memory_space<semaphore_mem>>
      %dma_start3A_167 = arith.constant 0 : i32
      %dma_start3A_168 = arith.constant 0 : i32
      %dma_start3A_169 = tpu.memref_slice %arg6[%arg0, %dma_start3A_167, %dma_start3A_168] : memref<2x10240x128xf32, #tpu.memory_space<hbm>> -> memref<1x10240x128xf32, #tpu.memory_space<hbm>>
      %dma_start3A_170 = tpu.memref_squeeze %dma_start3A_169 : memref<1x10240x128xf32, #tpu.memory_space<hbm>> -> memref<10240x128xf32, #tpu.memory_space<hbm>>
      %dma_start3A_171 = arith.constant 0 : i32
      %dma_start3A_172 = tpu.memref_slice %dma_start3A_170[%mul3A_2, %dma_start3A_171] : memref<10240x128xf32, #tpu.memory_space<hbm>> -> memref<640x128xf32, #tpu.memory_space<hbm>>
      %dma_start3A_173 = arith.constant 0 : i32
      %dma_start3A_174 = tpu.memref_slice %arg14[%mul3A_2, %dma_start3A_173] : memref<10240x128xf32, #tpu.memory_space<vmem_shared>> -> memref<640x128xf32, #tpu.memory_space<vmem_shared>>
      tpu.enqueue_dma source(%dma_start3A_174 : memref<640x128xf32, #tpu.memory_space<vmem_shared>>) target(%dma_start3A_172 : memref<640x128xf32, #tpu.memory_space<hbm>>) target_semaphore(%run_scoped3A_166 : memref<!tpu.dma_semaphore, #tpu.memory_space<semaphore_mem>>)
      %dma_wait3A_175 = arith.constant 0 : i32
      %dma_wait3A_176 = arith.constant 0 : i32
      %dma_wait3A_177 = tpu.memref_slice %arg6[%arg0, %dma_wait3A_175, %dma_wait3A_176] : memref<2x10240x128xf32, #tpu.memory_space<hbm>> -> memref<1x10240x128xf32, #tpu.memory_space<hbm>>
      %dma_wait3A_178 = tpu.memref_squeeze %dma_wait3A_177 : memref<1x10240x128xf32, #tpu.memory_space<hbm>> -> memref<10240x128xf32, #tpu.memory_space<hbm>>
      %dma_wait3A_179 = arith.constant 0 : i32
      %dma_wait3A_180 = tpu.memref_slice %dma_wait3A_178[%mul3A_2, %dma_wait3A_179] : memref<10240x128xf32, #tpu.memory_space<hbm>> -> memref<640x128xf32, #tpu.memory_space<hbm>>
      %dma_wait3A_181 = arith.constant 0 : i32
      %dma_wait3A_182 = tpu.memref_slice %arg14[%mul3A_2, %dma_wait3A_181] : memref<10240x128xf32, #tpu.memory_space<vmem_shared>> -> memref<640x128xf32, #tpu.memory_space<vmem_shared>>
      tpu.wait_dma2 semaphore(%run_scoped3A_166 : memref<!tpu.dma_semaphore, #tpu.memory_space<semaphore_mem>>) src(%dma_wait3A_182 : memref<640x128xf32, #tpu.memory_space<vmem_shared>>) dst(%dma_wait3A_180 : memref<640x128xf32, #tpu.memory_space<hbm>>)
      tpu.yield
    }) : () -> ()
    return
  }
}

module attributes {stable_mosaic.version = 14 : i64} {
  func.func @f(%arg0: i32, %arg1: memref<2048x128xf32, #tpu.memory_space<vmem>>, %arg2: memref<128x128xf32, #tpu.memory_space<vmem>>, %arg3: memref<2x2048x128xf32, #tpu.memory_space<vmem>>, %arg4: memref<2048x128xf32, #tpu.memory_space<vmem>>, %arg5: memref<2048x1xf32, #tpu.memory_space<vmem>>) attributes {dimension_semantics = [#tpu.dimension_semantics<arbitrary>], iteration_bounds = array<i64: 5>, scalar_prefetch = 0 : i64, scratch_operands = 0 : i64, tpu.core_type = #tpu.core_type<tc>, window_params = [{transform_indices = @transform_0, window_bounds = array<i64: 2048, 128>}, {pipeline_mode = #tpu.pipeline_mode<synchronous>, transform_indices = @transform_1, window_bounds = array<i64: 128, 128>}, {transform_indices = @transform_2, window_bounds = array<i64: 2, 2048, 128>}, {transform_indices = @transform_3, window_bounds = array<i64: 2048, 128>}, {transform_indices = @transform_4, window_bounds = array<i64: 2048, 1>}]} {
    %get3A = arith.constant 0 : index
    %get3A_0 = arith.constant 0 : index
    %get3A_1 = vector.load %arg1[%get3A, %get3A_0] : memref<2048x128xf32, #tpu.memory_space<vmem>>, vector<2048x128xf32>
    %get3A_2 = arith.constant 0 : index
    %get3A_3 = arith.constant 0 : index
    %get3A_4 = vector.load %arg2[%get3A_2, %get3A_3] : memref<128x128xf32, #tpu.memory_space<vmem>>, vector<128x128xf32>
    %dot_general3A = arith.constant dense<0.000000e+00> : vector<2048x128xf32>
    %dot_general3A_5 = tpu.matmul %get3A_1, %get3A_4, %dot_general3A {dimension_numbers = #tpu.dot_dimension_numbers<[1], [0], [0], [1], [0, 0, 1, 1], [], []>, transpose_lhs_hint = false} : vector<2048x128xf32>, vector<128x128xf32>, vector<2048x128xf32> -> vector<2048x128xf32>
    %get3A_6 = arith.constant 0 : index
    %get3A_7 = arith.constant 0 : index
    %get3A_8 = arith.constant 0 : index
    %get3A_9 = vector.load %arg3[%get3A_6, %get3A_7, %get3A_8] : memref<2x2048x128xf32, #tpu.memory_space<vmem>>, vector<1x2048x1xf32>
    %get3A_10 = vector.shape_cast %get3A_9 : vector<1x2048x1xf32> to vector<2048x1xf32>
    %add3A = arith.constant 1.000000e+00 : f32
    %add3A_11 = vector.broadcast %add3A : f32 to vector<2048x1xf32>
    %add3A_12 = arith.addf %add3A_11, %get3A_10 : vector<2048x1xf32>
    %get3A_13 = arith.constant 1 : index
    %get3A_14 = arith.constant 0 : index
    %get3A_15 = arith.constant 0 : index
    %get3A_16 = vector.load %arg3[%get3A_13, %get3A_14, %get3A_15] : memref<2x2048x128xf32, #tpu.memory_space<vmem>>, vector<1x2048x1xf32>
    %get3A_17 = vector.shape_cast %get3A_16 : vector<1x2048x1xf32> to vector<2048x1xf32>
    %add3A_18 = arith.addf %add3A_12, %get3A_17 : vector<2048x1xf32>
    %rsqrt3A = math.rsqrt %add3A_18 : vector<2048x1xf32>
    %swap3A = arith.constant 0 : index
    %swap3A_19 = arith.constant 0 : index
    %swap3A_20 = vector.load %arg5[%swap3A, %swap3A_19] : memref<2048x1xf32, #tpu.memory_space<vmem>>, vector<2048x1xf32>
    tpu.vector_store %arg5[%swap3A, %swap3A_19], %rsqrt3A {strides = array<i32>} : memref<2048x1xf32, #tpu.memory_space<vmem>>, vector<2048x1xf32>,
    %mul3A = vector.broadcast %rsqrt3A : vector<2048x1xf32> to vector<2048x128xf32>
    %mul3A_21 = arith.mulf %dot_general3A_5, %mul3A : vector<2048x128xf32>
    %swap3A_22 = arith.constant 0 : index
    %swap3A_23 = arith.constant 0 : index
    %swap3A_24 = vector.load %arg4[%swap3A_22, %swap3A_23] : memref<2048x128xf32, #tpu.memory_space<vmem>>, vector<2048x128xf32>
    tpu.vector_store %arg4[%swap3A_22, %swap3A_23], %mul3A_21 {strides = array<i32>} : memref<2048x128xf32, #tpu.memory_space<vmem>>, vector<2048x128xf32>,
    return
  }
  func.func @transform_0(%arg0: i32) -> (i32, i32) {
    %c0_i32 = arith.constant 0 : i32
    %c0_i32_0 = arith.constant 0 : i32
    return %arg0, %c0_i32 : i32, i32
  }
  func.func @transform_1(%arg0: i32) -> (i32, i32) {
    %c0_i32 = arith.constant 0 : i32
    %c0_i32_0 = arith.constant 0 : i32
    %c0_i32_1 = arith.constant 0 : i32
    return %c0_i32, %c0_i32_0 : i32, i32
  }
  func.func @transform_2(%arg0: i32) -> (i32, i32, i32) {
    %c0_i32 = arith.constant 0 : i32
    %c0_i32_0 = arith.constant 0 : i32
    %c0_i32_1 = arith.constant 0 : i32
    return %c0_i32, %arg0, %c0_i32_0 : i32, i32, i32
  }
  func.func @transform_3(%arg0: i32) -> (i32, i32) {
    %c0_i32 = arith.constant 0 : i32
    %c0_i32_0 = arith.constant 0 : i32
    return %arg0, %c0_i32 : i32, i32
  }
  func.func @transform_4(%arg0: i32) -> (i32, i32) {
    %c0_i32 = arith.constant 0 : i32
    %c0_i32_0 = arith.constant 0 : i32
    return %arg0, %c0_i32 : i32, i32
  }
}

module attributes {stable_mosaic.version = 14 : i64} {
  func.func @f(%arg0: i32, %arg1: memref<2048x1xf32, #tpu.memory_space<vmem>>, %arg2: memref<2x2048x128xf32, #tpu.memory_space<vmem>>, %arg3: memref<2048x128xf32, #tpu.memory_space<vmem>>, %arg4: memref<1x128xf32, #tpu.memory_space<vmem>>, %arg5: memref<128x128xf32, #tpu.memory_space<vmem>>, %arg6: memref<2048x128xf32, #tpu.memory_space<vmem>>) attributes {dimension_semantics = [#tpu.dimension_semantics<arbitrary>], iteration_bounds = array<i64: 5>, scalar_prefetch = 0 : i64, scratch_operands = 0 : i64, tpu.core_type = #tpu.core_type<tc>, window_params = [{transform_indices = @transform_0, window_bounds = array<i64: 2048, 1>}, {transform_indices = @transform_1, window_bounds = array<i64: 2, 2048, 128>}, {transform_indices = @transform_2, window_bounds = array<i64: 2048, 128>}, {pipeline_mode = #tpu.pipeline_mode<synchronous>, transform_indices = @transform_3, window_bounds = array<i64: 1, 128>}, {pipeline_mode = #tpu.pipeline_mode<synchronous>, transform_indices = @transform_4, window_bounds = array<i64: 128, 128>}, {transform_indices = @transform_5, window_bounds = array<i64: 2048, 128>}]} {
    %get3A = arith.constant 0 : index
    %get3A_0 = arith.constant 0 : index
    %get3A_1 = vector.load %arg1[%get3A, %get3A_0] : memref<2048x1xf32, #tpu.memory_space<vmem>>, vector<2048x1xf32>
    %get3A_2 = arith.constant 0 : index
    %get3A_3 = arith.constant 0 : index
    %get3A_4 = arith.constant 0 : index
    %get3A_5 = vector.load %arg2[%get3A_2, %get3A_3, %get3A_4] : memref<2x2048x128xf32, #tpu.memory_space<vmem>>, vector<1x2048x128xf32>
    %get3A_6 = vector.shape_cast %get3A_5 : vector<1x2048x128xf32> to vector<2048x128xf32>
    %get3A_7 = arith.constant 1 : index
    %get3A_8 = arith.constant 0 : index
    %get3A_9 = arith.constant 0 : index
    %get3A_10 = vector.load %arg2[%get3A_7, %get3A_8, %get3A_9] : memref<2x2048x128xf32, #tpu.memory_space<vmem>>, vector<1x2048x128xf32>
    %get3A_11 = vector.shape_cast %get3A_10 : vector<1x2048x128xf32> to vector<2048x128xf32>
    %add3A = arith.addf %get3A_6, %get3A_11 : vector<2048x128xf32>
    %get3A_12 = arith.constant 0 : index
    %get3A_13 = arith.constant 0 : index
    %get3A_14 = vector.load %arg3[%get3A_12, %get3A_13] : memref<2048x128xf32, #tpu.memory_space<vmem>>, vector<2048x128xf32>
    %add3A_15 = arith.addf %add3A, %get3A_14 : vector<2048x128xf32>
    %mul3A = vector.broadcast %get3A_1 : vector<2048x1xf32> to vector<2048x128xf32>
    %mul3A_16 = arith.mulf %mul3A, %add3A_15 : vector<2048x128xf32>
    %get3A_17 = arith.constant 0 : index
    %get3A_18 = arith.constant 0 : index
    %get3A_19 = vector.load %arg4[%get3A_17, %get3A_18] : memref<1x128xf32, #tpu.memory_space<vmem>>, vector<1x128xf32>
    %add3A_20 = vector.broadcast %get3A_19 : vector<1x128xf32> to vector<2048x128xf32>
    %add3A_21 = arith.addf %mul3A_16, %add3A_20 : vector<2048x128xf32>
    %max3A = arith.constant 0.000000e+00 : f32
    %max3A_22 = vector.broadcast %max3A : f32 to vector<2048x128xf32>
    %max3A_23 = arith.maximumf %add3A_21, %max3A_22 : vector<2048x128xf32>
    %get3A_24 = arith.constant 0 : index
    %get3A_25 = arith.constant 0 : index
    %get3A_26 = vector.load %arg5[%get3A_24, %get3A_25] : memref<128x128xf32, #tpu.memory_space<vmem>>, vector<128x128xf32>
    %dot_general3A = arith.constant dense<0.000000e+00> : vector<2048x128xf32>
    %dot_general3A_27 = tpu.matmul %max3A_23, %get3A_26, %dot_general3A {dimension_numbers = #tpu.dot_dimension_numbers<[1], [0], [0], [1], [0, 0, 1, 1], [], []>, transpose_lhs_hint = false} : vector<2048x128xf32>, vector<128x128xf32>, vector<2048x128xf32> -> vector<2048x128xf32>
    %mul3A_28 = vector.broadcast %get3A_1 : vector<2048x1xf32> to vector<2048x128xf32>
    %mul3A_29 = arith.mulf %mul3A_28, %dot_general3A_27 : vector<2048x128xf32>
    %swap3A = arith.constant 0 : index
    %swap3A_30 = arith.constant 0 : index
    %swap3A_31 = vector.load %arg6[%swap3A, %swap3A_30] : memref<2048x128xf32, #tpu.memory_space<vmem>>, vector<2048x128xf32>
    tpu.vector_store %arg6[%swap3A, %swap3A_30], %mul3A_29 {strides = array<i32>} : memref<2048x128xf32, #tpu.memory_space<vmem>>, vector<2048x128xf32>,
    return
  }
  func.func @transform_0(%arg0: i32) -> (i32, i32) {
    %c0_i32 = arith.constant 0 : i32
    %c0_i32_0 = arith.constant 0 : i32
    return %arg0, %c0_i32 : i32, i32
  }
  func.func @transform_1(%arg0: i32) -> (i32, i32, i32) {
    %c0_i32 = arith.constant 0 : i32
    %c0_i32_0 = arith.constant 0 : i32
    %c0_i32_1 = arith.constant 0 : i32
    return %c0_i32, %arg0, %c0_i32_0 : i32, i32, i32
  }
  func.func @transform_2(%arg0: i32) -> (i32, i32) {
    %c0_i32 = arith.constant 0 : i32
    %c0_i32_0 = arith.constant 0 : i32
    return %arg0, %c0_i32 : i32, i32
  }
  func.func @transform_3(%arg0: i32) -> (i32, i32) {
    %c0_i32 = arith.constant 0 : i32
    %c0_i32_0 = arith.constant 0 : i32
    %c0_i32_1 = arith.constant 0 : i32
    return %c0_i32, %c0_i32_0 : i32, i32
  }
  func.func @transform_4(%arg0: i32) -> (i32, i32) {
    %c0_i32 = arith.constant 0 : i32
    %c0_i32_0 = arith.constant 0 : i32
    %c0_i32_1 = arith.constant 0 : i32
    return %c0_i32, %c0_i32_0 : i32, i32
  }
  func.func @transform_5(%arg0: i32) -> (i32, i32) {
    %c0_i32 = arith.constant 0 : i32
    %c0_i32_0 = arith.constant 0 : i32
    return %arg0, %c0_i32 : i32, i32
  }
}

module attributes {stable_mosaic.version = 14 : i64} {
  func.func @f(%arg0: i32, %arg1: memref<2000x1xf32, #tpu.memory_space<vmem>>, %arg2: memref<2x2000x128xf32, #tpu.memory_space<vmem>>, %arg3: memref<2000x128xf32, #tpu.memory_space<vmem>>, %arg4: memref<1x128xf32, #tpu.memory_space<vmem>>, %arg5: memref<2000x128xf32, #tpu.memory_space<vmem>>) attributes {dimension_semantics = [#tpu.dimension_semantics<arbitrary>], iteration_bounds = array<i64: 5>, scalar_prefetch = 0 : i64, scratch_operands = 0 : i64, tpu.core_type = #tpu.core_type<tc>, window_params = [{transform_indices = @transform_0, window_bounds = array<i64: 2000, 1>}, {transform_indices = @transform_1, window_bounds = array<i64: 2, 2000, 128>}, {transform_indices = @transform_2, window_bounds = array<i64: 2000, 128>}, {pipeline_mode = #tpu.pipeline_mode<synchronous>, transform_indices = @transform_3, window_bounds = array<i64: 1, 128>}, {transform_indices = @transform_4, window_bounds = array<i64: 2000, 128>}]} {
    %get3A = arith.constant 0 : index
    %get3A_0 = arith.constant 0 : index
    %get3A_1 = vector.load %arg1[%get3A, %get3A_0] : memref<2000x1xf32, #tpu.memory_space<vmem>>, vector<2000x1xf32>
    %get3A_2 = arith.constant 0 : index
    %get3A_3 = arith.constant 0 : index
    %get3A_4 = arith.constant 0 : index
    %get3A_5 = vector.load %arg2[%get3A_2, %get3A_3, %get3A_4] : memref<2x2000x128xf32, #tpu.memory_space<vmem>>, vector<1x2000x128xf32>
    %get3A_6 = vector.shape_cast %get3A_5 : vector<1x2000x128xf32> to vector<2000x128xf32>
    %get3A_7 = arith.constant 1 : index
    %get3A_8 = arith.constant 0 : index
    %get3A_9 = arith.constant 0 : index
    %get3A_10 = vector.load %arg2[%get3A_7, %get3A_8, %get3A_9] : memref<2x2000x128xf32, #tpu.memory_space<vmem>>, vector<1x2000x128xf32>
    %get3A_11 = vector.shape_cast %get3A_10 : vector<1x2000x128xf32> to vector<2000x128xf32>
    %add3A = arith.addf %get3A_6, %get3A_11 : vector<2000x128xf32>
    %get3A_12 = arith.constant 0 : index
    %get3A_13 = arith.constant 0 : index
    %get3A_14 = vector.load %arg3[%get3A_12, %get3A_13] : memref<2000x128xf32, #tpu.memory_space<vmem>>, vector<2000x128xf32>
    %add3A_15 = arith.addf %add3A, %get3A_14 : vector<2000x128xf32>
    %mul3A = vector.broadcast %get3A_1 : vector<2000x1xf32> to vector<2000x128xf32>
    %mul3A_16 = arith.mulf %mul3A, %add3A_15 : vector<2000x128xf32>
    %get3A_17 = arith.constant 0 : index
    %get3A_18 = arith.constant 0 : index
    %get3A_19 = vector.load %arg4[%get3A_17, %get3A_18] : memref<1x128xf32, #tpu.memory_space<vmem>>, vector<1x128xf32>
    %add3A_20 = vector.broadcast %get3A_19 : vector<1x128xf32> to vector<2000x128xf32>
    %add3A_21 = arith.addf %mul3A_16, %add3A_20 : vector<2000x128xf32>
    %swap3A = arith.constant 0 : index
    %swap3A_22 = arith.constant 0 : index
    %swap3A_23 = vector.load %arg5[%swap3A, %swap3A_22] : memref<2000x128xf32, #tpu.memory_space<vmem>>, vector<2000x128xf32>
    tpu.vector_store %arg5[%swap3A, %swap3A_22], %add3A_21 {strides = array<i32>} : memref<2000x128xf32, #tpu.memory_space<vmem>>, vector<2000x128xf32>,
    return
  }
  func.func @transform_0(%arg0: i32) -> (i32, i32) {
    %c0_i32 = arith.constant 0 : i32
    %c0_i32_0 = arith.constant 0 : i32
    return %arg0, %c0_i32 : i32, i32
  }
  func.func @transform_1(%arg0: i32) -> (i32, i32, i32) {
    %c0_i32 = arith.constant 0 : i32
    %c0_i32_0 = arith.constant 0 : i32
    %c0_i32_1 = arith.constant 0 : i32
    return %c0_i32, %arg0, %c0_i32_0 : i32, i32, i32
  }
  func.func @transform_2(%arg0: i32) -> (i32, i32) {
    %c0_i32 = arith.constant 0 : i32
    %c0_i32_0 = arith.constant 0 : i32
    return %arg0, %c0_i32 : i32, i32
  }
  func.func @transform_3(%arg0: i32) -> (i32, i32) {
    %c0_i32 = arith.constant 0 : i32
    %c0_i32_0 = arith.constant 0 : i32
    %c0_i32_1 = arith.constant 0 : i32
    return %c0_i32, %c0_i32_0 : i32, i32
  }
  func.func @transform_4(%arg0: i32) -> (i32, i32) {
    %c0_i32 = arith.constant 0 : i32
    %c0_i32_0 = arith.constant 0 : i32
    return %arg0, %c0_i32 : i32, i32
  }
}

</mosaic_0001>

<sc_bundles>
// kernel: kernel.11.cloned.1.call-start
scs
__scs_entry_jumppad:
0x0: {  	(pc) =	sbr.rel $0x88, $3  }
0x1: {  	(tag) =	ssettag $0x0;
	lr =	simm.s32 $0x1  }
0x2: {  	[smem:$0x3F9B] =	sst lr;
	_ =	strace $0xD0000000  }
0x3: {  	_ = 	snop  }
0x4: {  	_ = 	snop  }
0x5: {  	_ = 	snop  }
0x6: {  	_ = 	snop  }
0x7: {  	_ = 	snop  }
__scs_overlays_trampoline_lowered:
0x8: {  	[smem:$0x3FAA] =	sst s0  }
0x9: {  	[smem:$0x3FAB] =	sst s1  }
0xa: {  	[smem:$0x3FAC] =	sst s2  }
0xb: {  	[smem:$0x3FAD] =	sst s3  }
0xc: {  	[smem:$0x3FAE] =	sst s4  }
0xd: {  	[smem:$0x3FAF] =	sst s5  }
0xe: {  	[smem:$0x3FB0] =	sst s6  }
0xf: {  	[smem:$0x3FB1] =	sst s7  }
0x10: {  	[smem:$0x3FB2] =	sst s8  }
0x11: {  	[smem:$0x3FB3] =	sst s9;
	s0 =	simm.s32 @!p0 $0x0  }
0x12: {  	s1 =	sld [smem:$0x3F99];
	s0 =	simm.s32 @p0 $0x1  }
0x13: {  	[smem:$0x3FB4] =	sst s0;
	s0 =	simm.s32 @!p1 $0x0  }
0x14: {  	s2 =	sld [smem:$0x3F98];
	s0 =	simm.s32 @p1 $0x1  }
0x15: {  	[smem:$0x3FB5] =	sst s0;
	s0 =	simm.s32 @!p2 $0x0  }
0x16: {  	s3 =	sld [smem:$0x3FDB];
	s0 =	simm.s32 @p2 $0x1  }
0x17: {  	s4 =	simm.s32 $0x1BF5;
	[smem:$0x3FB7] =	sst s0  }
0x18: {  	s0 =	sld [smem:$0x3F9A];
	_ =	swait.ge [sflag:s4], $0x0  }
0x19: {  	s7 =	sld [smem:$0x3F9B]  }
0x1a: {  	s8 =	sadd.s32 $0xFFFFE003, lr  }
0x1b: {  	s9 =	sadd.s32 $0xFFFFFEF7, lr;
	s5 =	simm.s32 $0xFFFFFFFF;
	p2 =	slt.u32 s8, $0xFFFFF086  }
0x1c: {  	p1 =	slt.u32 s9, $0xF7A;
	s5 =	simm.s32 @!p2 $0x0  }
0x1d: {  	s5 =	simm.s32 @p1 $0x1;
	p0 =	seq.s32 s7, s2  }
0x1e: {  	s7 =	smul.u32 @!p0 $0xF7A, s2;
	p2 =	seq.s32 @!p0 s5, $0x0  }
0x1f: {  	s9 =	smul.u32 $0xF7A, s1;
	s8 =	simm.s32 @!p0 $0x1BF5;
	p2 =	por !p2, p0  }
0x20: {  	[sflag:s8] =	ssyncset.s32 @!p0 $0xFFFFF086;
	s6 =	sadd.s32 @!p0 s3, s7;
	s7 =	simm.s32 @!p0 $0x108  }
0x21: {  	s3 =	sadd.s32 s3, s9;
	s6 =	sadd.s32 @!p0 $0x88, s6;
	s7 =	simm.s32 @p2 $0x1082  }
0x22: {  	[simem:s7], [sflag:s8] =	dma.local @!p0 [hbm:s6], $0xF7A  }
0x23: {  	s9 =	sor.u32 $0xD0000000, s2;
	s6 =	simm.s32 $0x108;
	_ =	swait.ge @!p0 [sflag:s8], $0x0  }
0x24: {  	s3 =	sadd.s32 $0x88, s3;
	s6 =	simm.s32 @!p1 $0x1082;
	[sflag:s4] =	ssyncset.s32 $0xFFFFF086  }
0x25: {  	[simem:s6], [sflag:s4] =	dma.local [hbm:s3], $0xF7A  }
0x26: {  	[smem:$0x3F9B] =	sst s1;
	(tag) =	ssettag s2;
	_ =	strace s9  }
0x27: {  	s1 =	sld [smem:$0x3FAB]  }
0x28: {  	s2 =	sld [smem:$0x3FAC]  }
0x29: {  	s4 =	sld [smem:$0x3FAE]  }
0x2a: {  	p0 =	seq.s32 s5, $0x0;
	s5 =	sld [smem:$0x3FAF]  }
0x2b: {  	s6 =	sld [smem:$0x3FB0]  }
0x2c: {  	s7 =	sld [smem:$0x3FB1]  }
0x2d: {  	s3 =	simm.s32 $0x108;
	s8 =	sld [smem:$0x3FB2]  }
0x2e: {  	s3 =	simm.s32 @!p0 $0x1082;
	s9 =	sld [smem:$0x3FB3]  }
0x2f: {  	lr =	sadd.s32 s0, s3;
	s0 =	sld [smem:$0x3FAA]  }
0x30: {  	s3 =	sld [smem:$0x3FAD]  }
0x31: {  	[smem:$0x3FB6] =	sst s10  }
0x32: {  	s10 =	sld [smem:$0x3FB4];
	_ =	sdelay $0x3  }
0x33: {  	p0 =	seq.s32 s10, $0x1;
	s10 =	sld [smem:$0x3FB6];
	_ =	sdelay $0x3  }
0x34: {  	[smem:$0x3FB6] =	sst s10  }
0x35: {  	s10 =	sld [smem:$0x3FB5];
	_ =	sdelay $0x3  }
0x36: {  	p1 =	seq.s32 s10, $0x1;
	s10 =	sld [smem:$0x3FB6];
	_ =	sdelay $0x3  }
0x37: {  	[smem:$0x3FB6] =	sst s10  }
0x38: {  	s10 =	sld [smem:$0x3FB7]  }
0x39: {  	_ = 	snop;
	(pc) =	sbr.ind lr, $3  }
0x3a: {  	_ = 	snop  }
0x3b: {  	_ = 	snop  }
0x3c: {  	p2 =	seq.s32 s10, $0x1;
	s10 =	sld [smem:$0x3FB6]  }
0x3d: {  	_ =	shalt  }
0x3e: {  	_ =	shalt  }
0x3f: {  	_ =	shalt  }
0x40: {  	_ =	shalt  }
0x41: {  	_ =	shalt  }
0x42: {  	_ =	shalt  }
0x43: {  	_ =	shalt  }
0x44: {  	_ =	shalt  }
0x45: {  	_ =	shalt  }
0x46: {  	_ =	shalt  }
0x47: {  	_ =	shalt  }
0x48: {  	_ =	shalt  }
0x49: {  	_ =	shalt  }
0x4a: {  	_ =	shalt  }
0x4b: {  	_ =	shalt  }
0x4c: {  	_ =	shalt  }
0x4d: {  	_ =	shalt  }
0x4e: {  	_ =	shalt  }
0x4f: {  	_ =	shalt  }
0x50: {  	_ =	shalt  }
0x51: {  	_ =	shalt  }
0x52: {  	_ =	shalt  }
0x53: {  	_ =	shalt  }
0x54: {  	_ =	shalt  }
0x55: {  	_ =	shalt  }
0x56: {  	_ =	shalt  }
0x57: {  	_ =	shalt  }
0x58: {  	_ =	shalt  }
0x59: {  	_ =	shalt  }
0x5a: {  	_ =	shalt  }
0x5b: {  	_ =	shalt  }
0x5c: {  	_ =	shalt  }
0x5d: {  	_ =	shalt  }
0x5e: {  	_ =	shalt  }
0x5f: {  	_ =	shalt  }
0x60: {  	_ =	shalt  }
0x61: {  	_ =	shalt  }
0x62: {  	_ =	shalt  }
0x63: {  	_ =	shalt  }
0x64: {  	_ =	shalt  }
0x65: {  	_ =	shalt  }
0x66: {  	_ =	shalt  }
0x67: {  	_ =	shalt  }
0x68: {  	_ =	shalt  }
0x69: {  	_ =	shalt  }
0x6a: {  	_ =	shalt  }
0x6b: {  	_ =	shalt  }
0x6c: {  	_ =	shalt  }
0x6d: {  	_ =	shalt  }
0x6e: {  	_ =	shalt  }
0x6f: {  	_ =	shalt  }
0x70: {  	_ =	shalt  }
0x71: {  	_ =	shalt  }
0x72: {  	_ =	shalt  }
0x73: {  	_ =	shalt  }
0x74: {  	_ =	shalt  }
0x75: {  	_ =	shalt  }
0x76: {  	_ =	shalt  }
0x77: {  	_ =	shalt  }
0x78: {  	_ =	shalt  }
0x79: {  	_ =	shalt  }
0x7a: {  	_ =	shalt  }
0x7b: {  	_ =	shalt  }
0x7c: {  	_ =	shalt  }
0x7d: {  	_ =	shalt  }
0x7e: {  	_ =	shalt  }
0x7f: {  	_ =	shalt  }
0x80: {  	_ =	shalt  }
0x81: {  	_ =	shalt  }
0x82: {  	_ =	shalt  }
0x83: {  	_ =	shalt  }
0x84: {  	_ =	shalt  }
0x85: {  	_ =	shalt  }
0x86: {  	_ =	shalt  }
0x87: {  	_ =	shalt  }
.Lfunc_end0:
.L_simem_size_0:
called_computation.1_lowered:
.L_overlay_start_0:
0x88: {  	s2 =	sld [smem:$0x3FD9]  }
0x89: {  	s3 =	sld [smem:$0x3FFE];
	_ =	sdelay $0x1  }
0x8a: {  	s1 =	srdreg.scid  }
0x8b: {  	s0 =	sand.u32 $0x1, s1  }
0x8c: {  	s17 =	sshll.u32 s0, $0xA;
	s2 =	sadd.s32 s3, s2  }
0x8d: {  	s2 =	sadd.s32 s2, s17  }
0x8e: {  	[smem:$0x3FC2] =	sst s2  }
0x8f: {  	_ = 	snop  }
0x90: {  	s2 =	sld [smem:$0x3FD0];
	(tm) =	ssettm $0x1  }
0x91: {  	s18 =	sld [smem:$0x3FFB];
	_ =	sdelay $0x3  }
0x92: {  	_ =	strace s18  }
0x93: {  	s3 =	sld [smem:$0x3FFC];
	_ =	sdelay $0x3  }
0x94: {  	_ =	strace s3  }
0x95: {  	s3 =	sld [smem:$0x3FFD];
	_ =	sdelay $0x3  }
0x96: {  	_ =	strace s3  }
0x97: {  	_ =	strace $0x8FFFFFFF  }
0x98: {  	s19 =	sld [smem:$0x3FDB];
	_ =	sdelay $0x1  }
0x99: {  	s4 =	simm.s32 $_scs_section_size  }
0x9a: {  	s5 =	simm.s32 $_size__tile_overlayer_lowered;
	s6 =	simm.s32 $_tile_overlayer_lowered  }
0x9b: {  	s22 =	simm.s32 $0x1BFF;
	s21 =	sshll.u32 s6, $0x1;
	s3 =	sadd.s32 s4, s19  }
0x9c: {  	s7 =	simm.s32 $0x0;
	s20 =	sshll.u32 s5, $0x1;
	s5 =	sadd.s32 s21, s3  }
0x9d: {  	[timem:s7], [sflag:s22] =	dma.local [hbm:s5], s20  }
0x9e: {  	_ =	swait.ge [sflag:s22], s20  }
0x9f: {  	s4 =	ssub.s32 $0x0, s20;
	[sflag:s22] =	ssyncset.done $0x0  }
0xa0: {  	[sflag:s22] =	ssyncadd.s32 s4;
	_ =	sdelay $0x1  }
0xa1: {  	s23 =	simm.s32 $0x1B8B  }
0xa2: {  	_ =	swait.ge [sflag:s23], $0x1  }
0xa3: {  	[sflag:s23] =	ssyncset.done $0x0  }
0xa4: {  	s25 =	simm.s32 $0x1B8E;
	s24 =	sld [smem:$0x3FFE];
	[sflag:s23] =	ssyncadd.s32 $0xFFFFFFFF  }
0xa5: {  	s26 =	simm.s32 $execute0_lowered;
	[smem:$0x3FD2] =	sst s25  }
0xa6: {  	s5 =	sshll.u32 s26, $0x1;
	_ =	strace $0x80000049;
	[dreg:$0x1] =	wrdreg $0xFFFFFFFF  }
0xa7: {  	s28 =	simm.s32 $_size_execute0_lowered;
	s3 =	sadd.s32 s3, s5;
	[dreg:$0x0] =	wrdreg $0x0  }
0xa8: {  	s5 =	sshll.u32 s28, $0x1;
	[dreg:$0x2] =	wrdreg s3  }
0xa9: {  	[dreg:$0x3] =	wrdreg s5  }
0xaa: {  	[dreg:$0x4] =	wrdreg $0xC0  }
0xab: {  	_ =	task [dreg:s7], $0x5FFFF  }
0xac: {  	[dreg:$0x1] =	wrdreg $0xFFFFFFFF  }
0xad: {  	[dreg:$0x0] =	wrdreg $0x60  }
0xae: {  	[dreg:$0x2] =	wrdreg s24  }
0xaf: {  	[dreg:$0x3] =	wrdreg s2  }
0xb0: {  	[dreg:$0x4] =	wrdreg $0xAA000  }
0xb1: {  	[dreg:$0x5] =	wrdreg $0x9  }
0xb2: {  	_ =	task.clear_ibuf [dreg:s7], $0x6FFFF;
	_ =	strace $0x90000049  }
0xb3: {  	s29 =	simm.s32 $0x9;
	_ =	strace $0x8000004B  }
0xb4: {  	_ =	swait.ge [sflag:s29], $0x1  }
0xb5: {  	[sflag:s29] =	ssyncadd.s32 $0xFFFFFFFF  }
0xb6: {  	_ =	strace $0x9000004B  }
0xb7: {  	_ =	sfence  }
0xb8: {  	s30 =	sld [smem:$0x0];
	_ =	sdelay $0x2  }
0xb9: {  	s31 =	sshll.u32 s1, $0xD;
	s1 =	sshrl.u32 s1, $0x2  }
0xba: {  	s3 =	sand.u32 $0x4000, s31;
	s1 =	sadd.s32 s1, s30  }
0xbb: {  	s0 =	sor.u32 s3, s0;
	s1 =	sshll.u32 s1, $0x11  }
0xbc: {  	s0 =	sor.u32 s1, s0  }
0xbd: {  	s0 =	sadd.s32 $0x8F2B, s0  }
0xbe: {  	[sflag:s0] =	ssyncadd.remote.s32 $0x1  }
0xbf: {  	_ =	sfence.sel $0xFFFF  }
0xc0: {  	[dreg:$0x0] =	wrdreg $0xFFFFFFFF;
	(pc) =	sbr.abs _section_cstart, $3  }
0xc1: {  	[dreg:$0x1] =	wrdreg $0xFFFFFFFF  }
0xc2: {  	_ =	task.clear_ibuf [dreg:s7], $0x2FFFF;
	_ =	strace $0x9FFFFFFF  }
0xc3: {  	(tm) =	ssettm $0x7FFFFFFF  }
tec
execute0_lowered:
.L_overlay_start_1:
0x0: {  	(tag) =	ssettag $0x1  }
0x1: {  	s0 =	rddreg [dreg:$0x0]  }
0x2: {  	s1 =	srdreg.scid;
	s7 =	rddreg [dreg:$0x1]  }
0x3: {  	s5 =	stileid.u32;
	s2 =	rddreg [dreg:$0x2];
	s12 =	simm.s32 $0x2800  }
0x4: {  	s14 =	simm.s32 $0x2880;
	s16 =	simm.s32 $0x2900;
	s18 =	simm.s32 $0x2980  }
0x5: {  	s19 =	simm.s32 $0x3;
	s20 =	simm.s32 $0x80;
	s21 =	simm.s32 $0x2A00  }
0x6: {  	s22 =	simm.s32 $0x4;
	s23 =	simm.s32 $0x6A00;
	s28 =	simm.s32 $0x2  }
0x7: {  	s29 =	simm.s32 $0x6;
	s30 =	simm.s32 $0x0;
	s1 =	sand.u32 $0x1, s1  }
0x8: {  	s3 =	sshll.u32 s5, $0x1;
	s9 =	smul.u32 $0x50000, s5;
	s11 =	sadd.s32 $0xD000, s0  }
0x9: {  	s24 =	smul.u32 $0x2800, s5;
	s31 =	sshll.u32 s5, $0x6;
	s4 =	sor.u32 s1, s3  }
0xa: {  	s3 =	simm.s32 $0x0;
	s6 =	smul.u32 $0x28000, s1;
	s1 =	ssub.s32 $0x2, s1  }
0xb: {  	s8 =	smul.u32 $0x500, s4;
	[smem:$0x7FF] =	sst s3;
	s4 =	sadd.s32 $0xF800, s0  }
0xc: {  	s25 =	sshrl.u32 s1, $0x1;
	s9 =	sshrl.u32 s9, $0x2;
	_ =	strace $0x8000004A  }
0xd: {  	[dreg:$0x4] =	wrdreg s11;
	s1 =	ssub.s32 s1, s25;
	s26 =	sadd.s32 s9, s2  }
0xe: {  	s9 =	simm.s32 $0x7;
	s25 =	simm.s32 $0x1;
	s10 =	sadd.s32 s8, s0  }
0xf: {  	s0 =	sadd.s32 s6, s0;
	s7 =	sadd.s32 s7, s8;
	s8 =	smax.u32 s1, $0x1  }
0x10: {  	s11 =	sshrl.u32 s26, $0x3;
	s26 =	simm.s32 $0x5;
	s6 =	sadd.s32 $0x2800, s10  }
0x11: {  	s0 =	sadd.s32 $0x37800, s0;
	s10 =	sor.u32 $0x1C07, s31;
	s13 =	sadd.s32 $0x10, s7  }
0x12: {  	s15 =	sadd.s32 $0x20, s7;
	s17 =	sadd.s32 $0x30, s7;
	s24 =	sadd.s32 s24, s0  }
.LBB2_1:
0x13: {  	[tilespmem:s3], [sflag:$0x7] =	stream.linear.gather [hbm4b:s6+s3], $0x2800, $0x38;
	[tilespmem:$0x1EA00] =	vst v63  }
0x14: {  	_ =	swait.ge [sflag:s9], $0x2800  }
0x15: {  	[sflag:s9] =	ssyncset.done $0x0  }
0x16: {  	s0 =	rddreg [dreg:$0x4];
	[sflag:s9] =	ssyncadd.s32 $0xFFFFD800  }
0x17: {  	[spmem:s11], [sflag:s10] =	dma.local [hbm:s0], $0x2800  }
0x18: {  	_ =	swait.ge [sflag:s9], $0x2800  }
0x19: {  	[sflag:s9] =	ssyncset.done $0x0  }
0x1a: {  	[sflag:s9] =	ssyncadd.s32 $0xFFFFD800  }
0x1b: {  	[bflag:$0x0] =	sbarrier.arrive $0xFFFF  }
0x1c: {  	[tilespmem:s12], [sflag:$0x3] =	stream.linear.gather [hbm4b:s7+s3], $0x80, $0x38;
	[tilespmem:$0x1EA00] =	vst v63  }
0x1d: {  	_ = 	snop  }
0x1e: {  	[tilespmem:s14], [sflag:$0x4] =	stream.linear.gather [hbm4b:s13+s3], $0x80, $0x38;
	[tilespmem:$0x1EA00] =	vst v63  }
0x1f: {  	_ = 	snop  }
0x20: {  	[tilespmem:s16], [sflag:$0x5] =	stream.linear.gather [hbm4b:s15+s3], $0x80, $0x38;
	[tilespmem:$0x1EA00] =	vst v63  }
0x21: {  	_ = 	snop  }
0x22: {  	[tilespmem:s18], [sflag:$0x6] =	stream.linear.gather [hbm4b:s17+s3], $0x80, $0x38;
	[tilespmem:$0x1EA00] =	vst v63  }
0x23: {  	_ =	swait.ge [sflag:s19], $0x80  }
0x24: {  	[sflag:s19] =	ssyncset.done $0x0  }
0x25: {  	[sflag:s19] =	ssyncadd.s32 $0xFFFFFF80  }
0x26: {  	[tilespmem:s21], [sflag:$0x1] =	stream.indirect.gather [hbm4b:s4+s20], $0x80, s12, s20, $0xb8;
	[tilespmem:$0x1EA00] =	vst v63  }
0x27: {  	_ =	swait.ge [sflag:s22], $0x80  }
0x28: {  	[sflag:s22] =	ssyncset.done $0x0  }
0x29: {  	[sflag:s22] =	ssyncadd.s32 $0xFFFFFF80  }
0x2a: {  	[tilespmem:s23], [sflag:$0x2] =	stream.indirect.gather [hbm4b:s4+s20], $0x80, s14, s20, $0xb8;
	[tilespmem:$0x1EA00] =	vst v63  }
0x2b: {  	_ =	swait.ge [sflag:s25], $0x4000  }
0x2c: {  	[sflag:s25] =	ssyncset.done $0x0  }
0x2d: {  	s1 =	simm.s32 $0x0;
	[sflag:s25] =	ssyncadd.s32 $0xFFFFC000  }
0x2e: {  	[spmem:s2] =	stream.indirect.scatter.add.f32 [tilespmem:s21], [sflag:$0x7], $0x80, s1, s20, $0xb8;
	[tilespmem:$0x1EA00] =	vst v63  }
0x2f: {  	_ =	swait.ge [sflag:s9], $0x4000  }
0x30: {  	s0 =	sadd.s32 $0x0, s7;
	[sflag:s9] =	ssyncset.done $0x0  }
0x31: {  	s1 =	sadd.s32 $0x40, s0;
	[sflag:s9] =	ssyncadd.s32 $0xFFFFC000  }
0x32: {  	[tilespmem:s12], [sflag:$0x3] =	stream.linear.gather [hbm4b:s1+s3], $0x80, $0x38;
	[tilespmem:$0x1EA00] =	vst v63  }
0x33: {  	_ =	swait.ge [sflag:s26], $0x80  }
0x34: {  	[sflag:s26] =	ssyncset.done $0x0  }
0x35: {  	[sflag:s26] =	ssyncadd.s32 $0xFFFFFF80  }
0x36: {  	[tilespmem:s21], [sflag:$0x1] =	stream.indirect.gather [hbm4b:s4+s20], $0x80, s16, s20, $0xb8;
	[tilespmem:$0x1EA00] =	vst v63  }
0x37: {  	_ =	swait.ge [sflag:s28], $0x4000  }
0x38: {  	[sflag:s28] =	ssyncset.done $0x0  }
0x39: {  	s5 =	simm.s32 $0x80;
	[sflag:s28] =	ssyncadd.s32 $0xFFFFC000  }
0x3a: {  	[spmem:s2] =	stream.indirect.scatter.add.f32 [tilespmem:s23], [sflag:$0x7], $0x80, s5, s20, $0xb8;
	[tilespmem:$0x1EA00] =	vst v63  }
0x3b: {  	_ =	swait.ge [sflag:s9], $0x4000  }
0x3c: {  	[sflag:s9] =	ssyncset.done $0x0  }
0x3d: {  	s5 =	sadd.s32 $0x50, s0;
	[sflag:s9] =	ssyncadd.s32 $0xFFFFC000  }
0x3e: {  	[tilespmem:s14], [sflag:$0x4] =	stream.linear.gather [hbm4b:s5+s3], $0x80, $0x38;
	[tilespmem:$0x1EA00] =	vst v63  }
0x3f: {  	_ =	swait.ge [sflag:s29], $0x80  }
0x40: {  	[sflag:s29] =	ssyncset.done $0x0  }
0x41: {  	[sflag:s29] =	ssyncadd.s32 $0xFFFFFF80  }
0x42: {  	[tilespmem:s23], [sflag:$0x2] =	stream.indirect.gather [hbm4b:s4+s20], $0x80, s18, s20, $0xb8;
	[tilespmem:$0x1EA00] =	vst v63  }
0x43: {  	_ =	swait.ge [sflag:s25], $0x4000  }
0x44: {  	[sflag:s25] =	ssyncset.done $0x0  }
0x45: {  	s5 =	simm.s32 $0x100;
	[sflag:s25] =	ssyncadd.s32 $0xFFFFC000  }
0x46: {  	[spmem:s2] =	stream.indirect.scatter.add.f32 [tilespmem:s21], [sflag:$0x7], $0x80, s5, s20, $0xb8;
	[tilespmem:$0x1EA00] =	vst v63  }
0x47: {  	_ =	swait.ge [sflag:s9], $0x4000  }
0x48: {  	[sflag:s9] =	ssyncset.done $0x0  }
0x49: {  	s5 =	sadd.s32 $0x60, s0;
	[sflag:s9] =	ssyncadd.s32 $0xFFFFC000  }
0x4a: {  	[tilespmem:s16], [sflag:$0x5] =	stream.linear.gather [hbm4b:s5+s3], $0x80, $0x38;
	[tilespmem:$0x1EA00] =	vst v63  }
0x4b: {  	_ =	swait.ge [sflag:s19], $0x80  }
0x4c: {  	[sflag:s19] =	ssyncset.done $0x0  }
0x4d: {  	[sflag:s19] =	ssyncadd.s32 $0xFFFFFF80  }
0x4e: {  	[tilespmem:s21], [sflag:$0x1] =	stream.indirect.gather [hbm4b:s4+s20], $0x80, s12, s20, $0xb8;
	[tilespmem:$0x1EA00] =	vst v63  }
0x4f: {  	_ =	swait.ge [sflag:s28], $0x4000  }
0x50: {  	[sflag:s28] =	ssyncset.done $0x0  }
0x51: {  	s5 =	simm.s32 $0x180;
	[sflag:s28] =	ssyncadd.s32 $0xFFFFC000  }
0x52: {  	[spmem:s2] =	stream.indirect.scatter.add.f32 [tilespmem:s23], [sflag:$0x7], $0x80, s5, s20, $0xb8;
	[tilespmem:$0x1EA00] =	vst v63  }
0x53: {  	_ =	swait.ge [sflag:s9], $0x4000  }
0x54: {  	[sflag:s9] =	ssyncset.done $0x0  }
0x55: {  	s0 =	sadd.s32 $0x70, s0;
	[sflag:s9] =	ssyncadd.s32 $0xFFFFC000  }
0x56: {  	[tilespmem:s18], [sflag:$0x6] =	stream.linear.gather [hbm4b:s0+s3], $0x80, $0x38;
	[tilespmem:$0x1EA00] =	vst v63  }
0x57: {  	_ =	swait.ge [sflag:s22], $0x80  }
0x58: {  	[sflag:s22] =	ssyncset.done $0x0  }
0x59: {  	s31 =	simm.s32 $0x40;
	s1 =	simm.s32 $0x380;
	[sflag:s22] =	ssyncadd.s32 $0xFFFFFF80  }
.LBB2_2:
0x5a: {  	[tilespmem:s23], [sflag:$0x2] =	stream.indirect.gather [hbm4b:s4+s20], $0x80, s14, s20, $0xb8;
	[tilespmem:$0x1EA00] =	vst v63  }
0x5b: {  	s0 =	smov.u32 s31  }
0x5c: {  	p0 =	sne.s32 s31, $0x480;
	s31 =	sadd.s32 $0x40, s31;
	_ =	swait.ge [sflag:s25], $0x4000  }
0x5d: {  	[sflag:s25] =	ssyncset.done $0x0  }
0x5e: {  	s5 =	sadd.s32 $0xFFFFFE80, s1;
	[sflag:s25] =	ssyncadd.s32 $0xFFFFC000  }
0x5f: {  	[spmem:s2] =	stream.indirect.scatter.add.f32 [tilespmem:s21], [sflag:$0x7], $0x80, s5, s20, $0xb8;
	[tilespmem:$0x1EA00] =	vst v63  }
0x60: {  	_ =	swait.ge [sflag:s9], $0x4000  }
0x61: {  	s0 =	sadd.s32 s0, s7;
	[sflag:s9] =	ssyncset.done $0x0  }
0x62: {  	s5 =	sadd.s32 $0x40, s0;
	[sflag:s9] =	ssyncadd.s32 $0xFFFFC000  }
0x63: {  	[tilespmem:s12], [sflag:$0x3] =	stream.linear.gather [hbm4b:s5+s3], $0x80, $0x38;
	[tilespmem:$0x1EA00] =	vst v63  }
0x64: {  	_ =	swait.ge [sflag:s26], $0x80  }
0x65: {  	[sflag:s26] =	ssyncset.done $0x0  }
0x66: {  	[sflag:s26] =	ssyncadd.s32 $0xFFFFFF80  }
0x67: {  	[tilespmem:s21], [sflag:$0x1] =	stream.indirect.gather [hbm4b:s4+s20], $0x80, s16, s20, $0xb8;
	[tilespmem:$0x1EA00] =	vst v63  }
0x68: {  	_ =	swait.ge [sflag:s28], $0x4000  }
0x69: {  	[sflag:s28] =	ssyncset.done $0x0  }
0x6a: {  	s5 =	sadd.s32 $0xFFFFFF00, s1;
	[sflag:s28] =	ssyncadd.s32 $0xFFFFC000  }
0x6b: {  	[spmem:s2] =	stream.indirect.scatter.add.f32 [tilespmem:s23], [sflag:$0x7], $0x80, s5, s20, $0xb8;
	[tilespmem:$0x1EA00] =	vst v63  }
0x6c: {  	_ =	swait.ge [sflag:s9], $0x4000  }
0x6d: {  	[sflag:s9] =	ssyncset.done $0x0  }
0x6e: {  	s5 =	sadd.s32 $0x50, s0;
	[sflag:s9] =	ssyncadd.s32 $0xFFFFC000  }
0x6f: {  	[tilespmem:s14], [sflag:$0x4] =	stream.linear.gather [hbm4b:s5+s3], $0x80, $0x38;
	[tilespmem:$0x1EA00] =	vst v63  }
0x70: {  	_ =	swait.ge [sflag:s29], $0x80  }
0x71: {  	[sflag:s29] =	ssyncset.done $0x0  }
0x72: {  	[sflag:s29] =	ssyncadd.s32 $0xFFFFFF80  }
0x73: {  	[tilespmem:s23], [sflag:$0x2] =	stream.indirect.gather [hbm4b:s4+s20], $0x80, s18, s20, $0xb8;
	[tilespmem:$0x1EA00] =	vst v63  }
0x74: {  	_ =	swait.ge [sflag:s25], $0x4000  }
0x75: {  	[sflag:s25] =	ssyncset.done $0x0  }
0x76: {  	s5 =	sadd.s32 $0xFFFFFF80, s1;
	[sflag:s25] =	ssyncadd.s32 $0xFFFFC000  }
0x77: {  	[spmem:s2] =	stream.indirect.scatter.add.f32 [tilespmem:s21], [sflag:$0x7], $0x80, s5, s20, $0xb8;
	[tilespmem:$0x1EA00] =	vst v63  }
0x78: {  	_ =	swait.ge [sflag:s9], $0x4000  }
0x79: {  	[sflag:s9] =	ssyncset.done $0x0  }
0x7a: {  	s5 =	sadd.s32 $0x60, s0;
	[sflag:s9] =	ssyncadd.s32 $0xFFFFC000  }
0x7b: {  	[tilespmem:s16], [sflag:$0x5] =	stream.linear.gather [hbm4b:s5+s3], $0x80, $0x38;
	[tilespmem:$0x1EA00] =	vst v63  }
0x7c: {  	_ =	swait.ge [sflag:s19], $0x80  }
0x7d: {  	[sflag:s19] =	ssyncset.done $0x0  }
0x7e: {  	[sflag:s19] =	ssyncadd.s32 $0xFFFFFF80  }
0x7f: {  	[tilespmem:s21], [sflag:$0x1] =	stream.indirect.gather [hbm4b:s4+s20], $0x80, s12, s20, $0xb8;
	[tilespmem:$0x1EA00] =	vst v63  }
0x80: {  	_ =	swait.ge [sflag:s28], $0x4000  }
0x81: {  	[sflag:s28] =	ssyncset.done $0x0  }
0x82: {  	[sflag:s28] =	ssyncadd.s32 $0xFFFFC000  }
0x83: {  	[spmem:s2] =	stream.indirect.scatter.add.f32 [tilespmem:s23], [sflag:$0x7], $0x80, s1, s20, $0xb8;
	[tilespmem:$0x1EA00] =	vst v63  }
0x84: {  	_ =	swait.ge [sflag:s9], $0x4000  }
0x85: {  	[sflag:s9] =	ssyncset.done $0x0  }
.Ltmp0:
0x86: {  	s0 =	sadd.s32 $0x70, s0;
	[sflag:s9] =	ssyncadd.s32 $0xFFFFC000;
	(pc) =	sbr.rel @p0 .LBB2_2-.Ltmp0, $4  }
0x87: {  	[tilespmem:s18], [sflag:$0x6] =	stream.linear.gather [hbm4b:s0+s3], $0x80, $0x38;
	[tilespmem:$0x1EA00] =	vst v63  }
0x88: {  	_ =	swait.ge [sflag:s22], $0x80  }
0x89: {  	[sflag:s22] =	ssyncset.done $0x0  }
0x8a: {  	s1 =	sadd.s32 $0x200, s1;
	[sflag:s22] =	ssyncadd.s32 $0xFFFFFF80  }
0x8b: {  	[tilespmem:s23], [sflag:$0x2] =	stream.indirect.gather [hbm4b:s4+s20], $0x80, s14, s20, $0xb8;
	[tilespmem:$0x1EA00] =	vst v63  }
0x8c: {  	_ =	swait.ge [sflag:s25], $0x4000  }
0x8d: {  	[sflag:s25] =	ssyncset.done $0x0  }
0x8e: {  	s0 =	simm.s32 $0x2600;
	[sflag:s25] =	ssyncadd.s32 $0xFFFFC000  }
0x8f: {  	[spmem:s2] =	stream.indirect.scatter.add.f32 [tilespmem:s21], [sflag:$0x7], $0x80, s0, s20, $0xb8;
	[tilespmem:$0x1EA00] =	vst v63  }
0x90: {  	_ =	swait.ge [sflag:s9], $0x4000  }
0x91: {  	[sflag:s9] =	ssyncset.done $0x0  }
0x92: {  	[sflag:s9] =	ssyncadd.s32 $0xFFFFC000  }
0x93: {  	_ =	swait.ge [sflag:s26], $0x80  }
0x94: {  	[sflag:s26] =	ssyncset.done $0x0  }
0x95: {  	[sflag:s26] =	ssyncadd.s32 $0xFFFFFF80  }
0x96: {  	[tilespmem:s21], [sflag:$0x1] =	stream.indirect.gather [hbm4b:s4+s20], $0x80, s16, s20, $0xb8;
	[tilespmem:$0x1EA00] =	vst v63  }
0x97: {  	_ =	swait.ge [sflag:s28], $0x4000  }
0x98: {  	[sflag:s28] =	ssyncset.done $0x0  }
0x99: {  	s1 =	simm.s32 $0x2680;
	[sflag:s28] =	ssyncadd.s32 $0xFFFFC000  }
0x9a: {  	[spmem:s2] =	stream.indirect.scatter.add.f32 [tilespmem:s23], [sflag:$0x7], $0x80, s1, s20, $0xb8;
	[tilespmem:$0x1EA00] =	vst v63  }
0x9b: {  	_ =	swait.ge [sflag:s9], $0x4000  }
0x9c: {  	[sflag:s9] =	ssyncset.done $0x0  }
0x9d: {  	[sflag:s9] =	ssyncadd.s32 $0xFFFFC000  }
0x9e: {  	_ =	swait.ge [sflag:s29], $0x80  }
0x9f: {  	[sflag:s29] =	ssyncset.done $0x0  }
0xa0: {  	[sflag:s29] =	ssyncadd.s32 $0xFFFFFF80  }
0xa1: {  	[tilespmem:s23], [sflag:$0x2] =	stream.indirect.gather [hbm4b:s4+s20], $0x80, s18, s20, $0xb8;
	[tilespmem:$0x1EA00] =	vst v63  }
0xa2: {  	_ =	swait.ge [sflag:s25], $0x4000  }
0xa3: {  	[sflag:s25] =	ssyncset.done $0x0  }
0xa4: {  	s5 =	simm.s32 $0x2700;
	[sflag:s25] =	ssyncadd.s32 $0xFFFFC000  }
0xa5: {  	[spmem:s2] =	stream.indirect.scatter.add.f32 [tilespmem:s21], [sflag:$0x7], $0x80, s5, s20, $0xb8;
	[tilespmem:$0x1EA00] =	vst v63  }
0xa6: {  	_ =	swait.ge [sflag:s9], $0x4000  }
0xa7: {  	[sflag:s9] =	ssyncset.done $0x0  }
0xa8: {  	[sflag:s9] =	ssyncadd.s32 $0xFFFFC000  }
0xa9: {  	_ =	swait.ge [sflag:s28], $0x4000  }
0xaa: {  	[sflag:s28] =	ssyncset.done $0x0  }
0xab: {  	s31 =	simm.s32 $0x2780;
	[sflag:s28] =	ssyncadd.s32 $0xFFFFC000  }
0xac: {  	[spmem:s2] =	stream.indirect.scatter.add.f32 [tilespmem:s23], [sflag:$0x7], $0x80, s31, s20, $0xb8;
	[tilespmem:$0x1EA00] =	vst v63  }
0xad: {  	_ =	swait.ge [sflag:s9], $0x4000  }
0xae: {  	s30 =	sadd.s32 $0x1, s30;
	[sflag:s9] =	ssyncset.done $0x0  }
0xaf: {  	p0 =	sne.s32 s30, s8;
	[sflag:s9] =	ssyncadd.s32 $0xFFFFC000  }
.Ltmp1:
0xb0: {  	[bflag:$0x0] =	sbarrier.arrive $0xFFFF;
	(pc) =	sbr.rel @p0 .LBB2_1-.Ltmp1, $4  }
0xb1: {  	[hbm:s24], [sflag:s10] =	dma.local [spmem:s11], $0x2800  }
0xb2: {  	_ =	swait.ge [sflag:s9], $0x2800  }
0xb3: {  	[sflag:s9] =	ssyncset.done $0x0  }
0xb4: {  	[sflag:s9] =	ssyncadd.s32 $0xFFFFD800  }
0xb5: {  	_ =	sfence.sel $0x180000  }
0xb6: {  	[bflag:$0x0] =	sbarrier.arrive $0xFFFF  }
0xb7: {  	_ =	strace $0x9000004A  }
0xb8: {  	s0 =	stileid.u32;
	[bflag:$0x2] =	sbarrier.arrive $0xFFFF  }
0xb9: {  	p0 =	sne.s32 s0, $0x0;
	s0 =	rddreg [dreg:$0x3]  }
0xba: {  	s0 =	sadd.s32 @!p0 $0x100000, s0  }
0xbb: {  	[sflag:s0] =	ssyncadd.tile.s32 @!p0 $0x1;
	_ =	shalt  }
.Lfunc_end2:
_tile_overlayer_lowered:
.L_overlay_start_2:
0xbc: {  	(tag) =	ssettag $0x2  }
0xbd: {  	s0 =	rddreg [dreg:$0x0];
	s2 =	stileid.u32  }
0xbe: {  	s1 =	rddreg [dreg:$0x1];
	p0 =	sne.s32 s2, $0x0  }
0xbf: {  	s3 =	rddreg [dreg:$0x2];
	[bflag:$0x3] =	sbarrier.arrive $0xFFFF;
	s2 =	simm.s32 @!p0 $0x1C07  }
0xc0: {  	[timem:s3], [sflag:s2] =	dma.local @!p0 [hbm:s0], s1  }
0xc1: {  	s0 =	simm.s32 @!p0 $0x7  }
0xc2: {  	_ =	swait.ge @!p0 [sflag:s0], s1  }
0xc3: {  	s1 =	ssub.s32 @!p0 $0x0, s1;
	[sflag:s0] =	ssyncset.done @!p0 $0x0  }
0xc4: {  	[sflag:s0] =	ssyncadd.s32 @!p0 s1  }
0xc5: {  	[bflag:$0x3] =	sbarrier.arrive $0xFFFF  }
0xc6: {  	_ =	shalt  }

// kernel: kernel.14.cloned.1.call-start
scs
__scs_entry_jumppad:
0x0: {  	(pc) =	sbr.rel $0x88, $3  }
0x1: {  	(tag) =	ssettag $0x0;
	lr =	simm.s32 $0x1  }
0x2: {  	[smem:$0x3F9B] =	sst lr;
	_ =	strace $0xD0000000  }
0x3: {  	_ = 	snop  }
0x4: {  	_ = 	snop  }
0x5: {  	_ = 	snop  }
0x6: {  	_ = 	snop  }
0x7: {  	_ = 	snop  }
__scs_overlays_trampoline_lowered:
0x8: {  	[smem:$0x3FAA] =	sst s0  }
0x9: {  	[smem:$0x3FAB] =	sst s1  }
0xa: {  	[smem:$0x3FAC] =	sst s2  }
0xb: {  	[smem:$0x3FAD] =	sst s3  }
0xc: {  	[smem:$0x3FAE] =	sst s4  }
0xd: {  	[smem:$0x3FAF] =	sst s5  }
0xe: {  	[smem:$0x3FB0] =	sst s6  }
0xf: {  	[smem:$0x3FB1] =	sst s7  }
0x10: {  	[smem:$0x3FB2] =	sst s8  }
0x11: {  	[smem:$0x3FB3] =	sst s9;
	s0 =	simm.s32 @!p0 $0x0  }
0x12: {  	s1 =	sld [smem:$0x3F99];
	s0 =	simm.s32 @p0 $0x1  }
0x13: {  	[smem:$0x3FB4] =	sst s0;
	s0 =	simm.s32 @!p1 $0x0  }
0x14: {  	s2 =	sld [smem:$0x3F98];
	s0 =	simm.s32 @p1 $0x1  }
0x15: {  	[smem:$0x3FB5] =	sst s0;
	s0 =	simm.s32 @!p2 $0x0  }
0x16: {  	s3 =	sld [smem:$0x3FDB];
	s0 =	simm.s32 @p2 $0x1  }
0x17: {  	s4 =	simm.s32 $0x1BF5;
	[smem:$0x3FB7] =	sst s0  }
0x18: {  	s0 =	sld [smem:$0x3F9A];
	_ =	swait.ge [sflag:s4], $0x0  }
0x19: {  	s7 =	sld [smem:$0x3F9B]  }
0x1a: {  	s8 =	sadd.s32 $0xFFFFE003, lr  }
0x1b: {  	s9 =	sadd.s32 $0xFFFFFEF7, lr;
	s5 =	simm.s32 $0xFFFFFFFF;
	p2 =	slt.u32 s8, $0xFFFFF086  }
0x1c: {  	p1 =	slt.u32 s9, $0xF7A;
	s5 =	simm.s32 @!p2 $0x0  }
0x1d: {  	s5 =	simm.s32 @p1 $0x1;
	p0 =	seq.s32 s7, s2  }
0x1e: {  	s7 =	smul.u32 @!p0 $0xF7A, s2;
	p2 =	seq.s32 @!p0 s5, $0x0  }
0x1f: {  	s9 =	smul.u32 $0xF7A, s1;
	s8 =	simm.s32 @!p0 $0x1BF5;
	p2 =	por !p2, p0  }
0x20: {  	[sflag:s8] =	ssyncset.s32 @!p0 $0xFFFFF086;
	s6 =	sadd.s32 @!p0 s3, s7;
	s7 =	simm.s32 @!p0 $0x108  }
0x21: {  	s3 =	sadd.s32 s3, s9;
	s6 =	sadd.s32 @!p0 $0x88, s6;
	s7 =	simm.s32 @p2 $0x1082  }
0x22: {  	[simem:s7], [sflag:s8] =	dma.local @!p0 [hbm:s6], $0xF7A  }
0x23: {  	s9 =	sor.u32 $0xD0000000, s2;
	s6 =	simm.s32 $0x108;
	_ =	swait.ge @!p0 [sflag:s8], $0x0  }
0x24: {  	s3 =	sadd.s32 $0x88, s3;
	s6 =	simm.s32 @!p1 $0x1082;
	[sflag:s4] =	ssyncset.s32 $0xFFFFF086  }
0x25: {  	[simem:s6], [sflag:s4] =	dma.local [hbm:s3], $0xF7A  }
0x26: {  	[smem:$0x3F9B] =	sst s1;
	(tag) =	ssettag s2;
	_ =	strace s9  }
0x27: {  	s1 =	sld [smem:$0x3FAB]  }
0x28: {  	s2 =	sld [smem:$0x3FAC]  }
0x29: {  	s4 =	sld [smem:$0x3FAE]  }
0x2a: {  	p0 =	seq.s32 s5, $0x0;
	s5 =	sld [smem:$0x3FAF]  }
0x2b: {  	s6 =	sld [smem:$0x3FB0]  }
0x2c: {  	s7 =	sld [smem:$0x3FB1]  }
0x2d: {  	s3 =	simm.s32 $0x108;
	s8 =	sld [smem:$0x3FB2]  }
0x2e: {  	s3 =	simm.s32 @!p0 $0x1082;
	s9 =	sld [smem:$0x3FB3]  }
0x2f: {  	lr =	sadd.s32 s0, s3;
	s0 =	sld [smem:$0x3FAA]  }
0x30: {  	s3 =	sld [smem:$0x3FAD]  }
0x31: {  	[smem:$0x3FB6] =	sst s10  }
0x32: {  	s10 =	sld [smem:$0x3FB4];
	_ =	sdelay $0x3  }
0x33: {  	p0 =	seq.s32 s10, $0x1;
	s10 =	sld [smem:$0x3FB6];
	_ =	sdelay $0x3  }
0x34: {  	[smem:$0x3FB6] =	sst s10  }
0x35: {  	s10 =	sld [smem:$0x3FB5];
	_ =	sdelay $0x3  }
0x36: {  	p1 =	seq.s32 s10, $0x1;
	s10 =	sld [smem:$0x3FB6];
	_ =	sdelay $0x3  }
0x37: {  	[smem:$0x3FB6] =	sst s10  }
0x38: {  	s10 =	sld [smem:$0x3FB7]  }
0x39: {  	_ = 	snop;
	(pc) =	sbr.ind lr, $3  }
0x3a: {  	_ = 	snop  }
0x3b: {  	_ = 	snop  }
0x3c: {  	p2 =	seq.s32 s10, $0x1;
	s10 =	sld [smem:$0x3FB6]  }
0x3d: {  	_ =	shalt  }
0x3e: {  	_ =	shalt  }
0x3f: {  	_ =	shalt  }
0x40: {  	_ =	shalt  }
0x41: {  	_ =	shalt  }
0x42: {  	_ =	shalt  }
0x43: {  	_ =	shalt  }
0x44: {  	_ =	shalt  }
0x45: {  	_ =	shalt  }
0x46: {  	_ =	shalt  }
0x47: {  	_ =	shalt  }
0x48: {  	_ =	shalt  }
0x49: {  	_ =	shalt  }
0x4a: {  	_ =	shalt  }
0x4b: {  	_ =	shalt  }
0x4c: {  	_ =	shalt  }
0x4d: {  	_ =	shalt  }
0x4e: {  	_ =	shalt  }
0x4f: {  	_ =	shalt  }
0x50: {  	_ =	shalt  }
0x51: {  	_ =	shalt  }
0x52: {  	_ =	shalt  }
0x53: {  	_ =	shalt  }
0x54: {  	_ =	shalt  }
0x55: {  	_ =	shalt  }
0x56: {  	_ =	shalt  }
0x57: {  	_ =	shalt  }
0x58: {  	_ =	shalt  }
0x59: {  	_ =	shalt  }
0x5a: {  	_ =	shalt  }
0x5b: {  	_ =	shalt  }
0x5c: {  	_ =	shalt  }
0x5d: {  	_ =	shalt  }
0x5e: {  	_ =	shalt  }
0x5f: {  	_ =	shalt  }
0x60: {  	_ =	shalt  }
0x61: {  	_ =	shalt  }
0x62: {  	_ =	shalt  }
0x63: {  	_ =	shalt  }
0x64: {  	_ =	shalt  }
0x65: {  	_ =	shalt  }
0x66: {  	_ =	shalt  }
0x67: {  	_ =	shalt  }
0x68: {  	_ =	shalt  }
0x69: {  	_ =	shalt  }
0x6a: {  	_ =	shalt  }
0x6b: {  	_ =	shalt  }
0x6c: {  	_ =	shalt  }
0x6d: {  	_ =	shalt  }
0x6e: {  	_ =	shalt  }
0x6f: {  	_ =	shalt  }
0x70: {  	_ =	shalt  }
0x71: {  	_ =	shalt  }
0x72: {  	_ =	shalt  }
0x73: {  	_ =	shalt  }
0x74: {  	_ =	shalt  }
0x75: {  	_ =	shalt  }
0x76: {  	_ =	shalt  }
0x77: {  	_ =	shalt  }
0x78: {  	_ =	shalt  }
0x79: {  	_ =	shalt  }
0x7a: {  	_ =	shalt  }
0x7b: {  	_ =	shalt  }
0x7c: {  	_ =	shalt  }
0x7d: {  	_ =	shalt  }
0x7e: {  	_ =	shalt  }
0x7f: {  	_ =	shalt  }
0x80: {  	_ =	shalt  }
0x81: {  	_ =	shalt  }
0x82: {  	_ =	shalt  }
0x83: {  	_ =	shalt  }
0x84: {  	_ =	shalt  }
0x85: {  	_ =	shalt  }
0x86: {  	_ =	shalt  }
0x87: {  	_ =	shalt  }
.Lfunc_end0:
.L_simem_size_0:
called_computation.2_lowered:
.L_overlay_start_0:
0x88: {  	s2 =	sld [smem:$0x3FD9]  }
0x89: {  	s3 =	sld [smem:$0x3FFE];
	_ =	sdelay $0x1  }
0x8a: {  	s1 =	srdreg.scid  }
0x8b: {  	s0 =	sand.u32 $0x1, s1  }
0x8c: {  	s17 =	sshll.u32 s0, $0xA;
	s2 =	sadd.s32 s3, s2  }
0x8d: {  	s2 =	sadd.s32 s2, s17  }
0x8e: {  	[smem:$0x3FC2] =	sst s2  }
0x8f: {  	_ = 	snop  }
0x90: {  	s2 =	sld [smem:$0x3FD0];
	(tm) =	ssettm $0x1  }
0x91: {  	s18 =	sld [smem:$0x3FFB];
	_ =	sdelay $0x3  }
0x92: {  	_ =	strace s18  }
0x93: {  	s3 =	sld [smem:$0x3FFC];
	_ =	sdelay $0x3  }
0x94: {  	_ =	strace s3  }
0x95: {  	s3 =	sld [smem:$0x3FFD];
	_ =	sdelay $0x3  }
0x96: {  	_ =	strace s3  }
0x97: {  	_ =	strace $0x8FFFFFFF  }
0x98: {  	s19 =	sld [smem:$0x3FDB];
	_ =	sdelay $0x1  }
0x99: {  	s4 =	simm.s32 $_scs_section_size  }
0x9a: {  	s5 =	simm.s32 $_size__tile_overlayer_lowered;
	s6 =	simm.s32 $_tile_overlayer_lowered  }
0x9b: {  	s22 =	simm.s32 $0x1BFF;
	s21 =	sshll.u32 s6, $0x1;
	s3 =	sadd.s32 s4, s19  }
0x9c: {  	s7 =	simm.s32 $0x0;
	s20 =	sshll.u32 s5, $0x1;
	s5 =	sadd.s32 s21, s3  }
0x9d: {  	[timem:s7], [sflag:s22] =	dma.local [hbm:s5], s20  }
0x9e: {  	_ =	swait.ge [sflag:s22], s20  }
0x9f: {  	s4 =	ssub.s32 $0x0, s20;
	[sflag:s22] =	ssyncset.done $0x0  }
0xa0: {  	[sflag:s22] =	ssyncadd.s32 s4;
	_ =	sdelay $0x1  }
0xa1: {  	s23 =	simm.s32 $0x1B8B  }
0xa2: {  	_ =	swait.ge [sflag:s23], $0x1  }
0xa3: {  	[sflag:s23] =	ssyncset.done $0x0  }
0xa4: {  	s25 =	simm.s32 $0x1B8E;
	s24 =	sld [smem:$0x3FFE];
	[sflag:s23] =	ssyncadd.s32 $0xFFFFFFFF  }
0xa5: {  	s26 =	simm.s32 $execute0_lowered;
	[smem:$0x3FD2] =	sst s25  }
0xa6: {  	s5 =	sshll.u32 s26, $0x1;
	_ =	strace $0x8000004C;
	[dreg:$0x1] =	wrdreg $0xFFFFFFFF  }
0xa7: {  	s28 =	simm.s32 $_size_execute0_lowered;
	s3 =	sadd.s32 s3, s5;
	[dreg:$0x0] =	wrdreg $0x0  }
0xa8: {  	s5 =	sshll.u32 s28, $0x1;
	[dreg:$0x2] =	wrdreg s3  }
0xa9: {  	[dreg:$0x3] =	wrdreg s5  }
0xaa: {  	[dreg:$0x4] =	wrdreg $0xC0  }
0xab: {  	_ =	task [dreg:s7], $0x5FFFF  }
0xac: {  	[dreg:$0x1] =	wrdreg $0xFFFFFFFF  }
0xad: {  	[dreg:$0x0] =	wrdreg $0x60  }
0xae: {  	[dreg:$0x2] =	wrdreg s24  }
0xaf: {  	[dreg:$0x3] =	wrdreg s2  }
0xb0: {  	[dreg:$0x4] =	wrdreg $0xAA000  }
0xb1: {  	[dreg:$0x5] =	wrdreg $0x9  }
0xb2: {  	_ =	task.clear_ibuf [dreg:s7], $0x6FFFF;
	_ =	strace $0x9000004C  }
0xb3: {  	s29 =	simm.s32 $0x9;
	_ =	strace $0x8000004E  }
0xb4: {  	_ =	swait.ge [sflag:s29], $0x1  }
0xb5: {  	[sflag:s29] =	ssyncadd.s32 $0xFFFFFFFF  }
0xb6: {  	_ =	strace $0x9000004E  }
0xb7: {  	_ =	sfence  }
0xb8: {  	s30 =	sld [smem:$0x0];
	_ =	sdelay $0x2  }
0xb9: {  	s31 =	sshll.u32 s1, $0xD;
	s1 =	sshrl.u32 s1, $0x2  }
0xba: {  	s3 =	sand.u32 $0x4000, s31;
	s1 =	sadd.s32 s1, s30  }
0xbb: {  	s0 =	sor.u32 s3, s0;
	s1 =	sshll.u32 s1, $0x11  }
0xbc: {  	s0 =	sor.u32 s1, s0  }
0xbd: {  	s0 =	sadd.s32 $0x8F2B, s0  }
0xbe: {  	[sflag:s0] =	ssyncadd.remote.s32 $0x1  }
0xbf: {  	_ =	sfence.sel $0xFFFF  }
0xc0: {  	[dreg:$0x0] =	wrdreg $0xFFFFFFFF;
	(pc) =	sbr.abs _section_cstart, $3  }
0xc1: {  	[dreg:$0x1] =	wrdreg $0xFFFFFFFF  }
0xc2: {  	_ =	task.clear_ibuf [dreg:s7], $0x2FFFF;
	_ =	strace $0x9FFFFFFF  }
0xc3: {  	(tm) =	ssettm $0x7FFFFFFF  }
tec
execute0_lowered:
.L_overlay_start_1:
0x0: {  	(tag) =	ssettag $0x1  }
0x1: {  	s0 =	rddreg [dreg:$0x0]  }
0x2: {  	s1 =	srdreg.scid;
	s7 =	rddreg [dreg:$0x1]  }
0x3: {  	s5 =	stileid.u32;
	s2 =	rddreg [dreg:$0x2];
	s12 =	simm.s32 $0x2800  }
0x4: {  	s14 =	simm.s32 $0x2880;
	s16 =	simm.s32 $0x2900;
	s18 =	simm.s32 $0x2980  }
0x5: {  	s19 =	simm.s32 $0x3;
	s20 =	simm.s32 $0x80;
	s21 =	simm.s32 $0x2A00  }
0x6: {  	s22 =	simm.s32 $0x4;
	s23 =	simm.s32 $0x6A00;
	s28 =	simm.s32 $0x2  }
0x7: {  	s29 =	simm.s32 $0x6;
	s30 =	simm.s32 $0x0;
	s1 =	sand.u32 $0x1, s1  }
0x8: {  	s3 =	sshll.u32 s5, $0x1;
	s9 =	smul.u32 $0x50000, s5;
	s11 =	sadd.s32 $0xD000, s0  }
0x9: {  	s24 =	smul.u32 $0x2800, s5;
	s31 =	sshll.u32 s5, $0x6;
	s4 =	sor.u32 s1, s3  }
0xa: {  	s3 =	simm.s32 $0x0;
	s6 =	smul.u32 $0x28000, s1;
	s1 =	ssub.s32 $0x2, s1  }
0xb: {  	s8 =	smul.u32 $0x500, s4;
	[smem:$0x7FF] =	sst s3;
	s4 =	sadd.s32 $0xF800, s0  }
0xc: {  	s25 =	sshrl.u32 s1, $0x1;
	s9 =	sshrl.u32 s9, $0x2;
	_ =	strace $0x8000004D  }
0xd: {  	[dreg:$0x4] =	wrdreg s11;
	s1 =	ssub.s32 s1, s25;
	s26 =	sadd.s32 s9, s2  }
0xe: {  	s9 =	simm.s32 $0x7;
	s25 =	simm.s32 $0x1;
	s10 =	sadd.s32 s8, s0  }
0xf: {  	s0 =	sadd.s32 s6, s0;
	s7 =	sadd.s32 s7, s8;
	s8 =	smax.u32 s1, $0x1  }
0x10: {  	s11 =	sshrl.u32 s26, $0x3;
	s26 =	simm.s32 $0x5;
	s6 =	sadd.s32 $0x2800, s10  }
0x11: {  	s0 =	sadd.s32 $0x37800, s0;
	s10 =	sor.u32 $0x1C07, s31;
	s13 =	sadd.s32 $0x10, s7  }
0x12: {  	s15 =	sadd.s32 $0x20, s7;
	s17 =	sadd.s32 $0x30, s7;
	s24 =	sadd.s32 s24, s0  }
.LBB2_1:
0x13: {  	[tilespmem:s3], [sflag:$0x7] =	stream.linear.gather [hbm4b:s6+s3], $0x2800, $0x38;
	[tilespmem:$0x1EA00] =	vst v63  }
0x14: {  	_ =	swait.ge [sflag:s9], $0x2800  }
0x15: {  	[sflag:s9] =	ssyncset.done $0x0  }
0x16: {  	s0 =	rddreg [dreg:$0x4];
	[sflag:s9] =	ssyncadd.s32 $0xFFFFD800  }
0x17: {  	[spmem:s11], [sflag:s10] =	dma.local [hbm:s0], $0x2800  }
0x18: {  	_ =	swait.ge [sflag:s9], $0x2800  }
0x19: {  	[sflag:s9] =	ssyncset.done $0x0  }
0x1a: {  	[sflag:s9] =	ssyncadd.s32 $0xFFFFD800  }
0x1b: {  	[bflag:$0x0] =	sbarrier.arrive $0xFFFF  }
0x1c: {  	[tilespmem:s12], [sflag:$0x3] =	stream.linear.gather [hbm4b:s7+s3], $0x80, $0x38;
	[tilespmem:$0x1EA00] =	vst v63  }
0x1d: {  	_ = 	snop  }
0x1e: {  	[tilespmem:s14], [sflag:$0x4] =	stream.linear.gather [hbm4b:s13+s3], $0x80, $0x38;
	[tilespmem:$0x1EA00] =	vst v63  }
0x1f: {  	_ = 	snop  }
0x20: {  	[tilespmem:s16], [sflag:$0x5] =	stream.linear.gather [hbm4b:s15+s3], $0x80, $0x38;
	[tilespmem:$0x1EA00] =	vst v63  }
0x21: {  	_ = 	snop  }
0x22: {  	[tilespmem:s18], [sflag:$0x6] =	stream.linear.gather [hbm4b:s17+s3], $0x80, $0x38;
	[tilespmem:$0x1EA00] =	vst v63  }
0x23: {  	_ =	swait.ge [sflag:s19], $0x80  }
0x24: {  	[sflag:s19] =	ssyncset.done $0x0  }
0x25: {  	[sflag:s19] =	ssyncadd.s32 $0xFFFFFF80  }
0x26: {  	[tilespmem:s21], [sflag:$0x1] =	stream.indirect.gather [hbm4b:s4+s20], $0x80, s12, s20, $0xb8;
	[tilespmem:$0x1EA00] =	vst v63  }
0x27: {  	_ =	swait.ge [sflag:s22], $0x80  }
0x28: {  	[sflag:s22] =	ssyncset.done $0x0  }
0x29: {  	[sflag:s22] =	ssyncadd.s32 $0xFFFFFF80  }
0x2a: {  	[tilespmem:s23], [sflag:$0x2] =	stream.indirect.gather [hbm4b:s4+s20], $0x80, s14, s20, $0xb8;
	[tilespmem:$0x1EA00] =	vst v63  }
0x2b: {  	_ =	swait.ge [sflag:s25], $0x4000  }
0x2c: {  	[sflag:s25] =	ssyncset.done $0x0  }
0x2d: {  	s1 =	simm.s32 $0x0;
	[sflag:s25] =	ssyncadd.s32 $0xFFFFC000  }
0x2e: {  	[spmem:s2] =	stream.indirect.scatter.add.f32 [tilespmem:s21], [sflag:$0x7], $0x80, s1, s20, $0xb8;
	[tilespmem:$0x1EA00] =	vst v63  }
0x2f: {  	_ =	swait.ge [sflag:s9], $0x4000  }
0x30: {  	s0 =	sadd.s32 $0x0, s7;
	[sflag:s9] =	ssyncset.done $0x0  }
0x31: {  	s1 =	sadd.s32 $0x40, s0;
	[sflag:s9] =	ssyncadd.s32 $0xFFFFC000  }
0x32: {  	[tilespmem:s12], [sflag:$0x3] =	stream.linear.gather [hbm4b:s1+s3], $0x80, $0x38;
	[tilespmem:$0x1EA00] =	vst v63  }
0x33: {  	_ =	swait.ge [sflag:s26], $0x80  }
0x34: {  	[sflag:s26] =	ssyncset.done $0x0  }
0x35: {  	[sflag:s26] =	ssyncadd.s32 $0xFFFFFF80  }
0x36: {  	[tilespmem:s21], [sflag:$0x1] =	stream.indirect.gather [hbm4b:s4+s20], $0x80, s16, s20, $0xb8;
	[tilespmem:$0x1EA00] =	vst v63  }
0x37: {  	_ =	swait.ge [sflag:s28], $0x4000  }
0x38: {  	[sflag:s28] =	ssyncset.done $0x0  }
0x39: {  	s5 =	simm.s32 $0x80;
	[sflag:s28] =	ssyncadd.s32 $0xFFFFC000  }
0x3a: {  	[spmem:s2] =	stream.indirect.scatter.add.f32 [tilespmem:s23], [sflag:$0x7], $0x80, s5, s20, $0xb8;
	[tilespmem:$0x1EA00] =	vst v63  }
0x3b: {  	_ =	swait.ge [sflag:s9], $0x4000  }
0x3c: {  	[sflag:s9] =	ssyncset.done $0x0  }
0x3d: {  	s5 =	sadd.s32 $0x50, s0;
	[sflag:s9] =	ssyncadd.s32 $0xFFFFC000  }
0x3e: {  	[tilespmem:s14], [sflag:$0x4] =	stream.linear.gather [hbm4b:s5+s3], $0x80, $0x38;
	[tilespmem:$0x1EA00] =	vst v63  }
0x3f: {  	_ =	swait.ge [sflag:s29], $0x80  }
0x40: {  	[sflag:s29] =	ssyncset.done $0x0  }
0x41: {  	[sflag:s29] =	ssyncadd.s32 $0xFFFFFF80  }
0x42: {  	[tilespmem:s23], [sflag:$0x2] =	stream.indirect.gather [hbm4b:s4+s20], $0x80, s18, s20, $0xb8;
	[tilespmem:$0x1EA00] =	vst v63  }
0x43: {  	_ =	swait.ge [sflag:s25], $0x4000  }
0x44: {  	[sflag:s25] =	ssyncset.done $0x0  }
0x45: {  	s5 =	simm.s32 $0x100;
	[sflag:s25] =	ssyncadd.s32 $0xFFFFC000  }
0x46: {  	[spmem:s2] =	stream.indirect.scatter.add.f32 [tilespmem:s21], [sflag:$0x7], $0x80, s5, s20, $0xb8;
	[tilespmem:$0x1EA00] =	vst v63  }
0x47: {  	_ =	swait.ge [sflag:s9], $0x4000  }
0x48: {  	[sflag:s9] =	ssyncset.done $0x0  }
0x49: {  	s5 =	sadd.s32 $0x60, s0;
	[sflag:s9] =	ssyncadd.s32 $0xFFFFC000  }
0x4a: {  	[tilespmem:s16], [sflag:$0x5] =	stream.linear.gather [hbm4b:s5+s3], $0x80, $0x38;
	[tilespmem:$0x1EA00] =	vst v63  }
0x4b: {  	_ =	swait.ge [sflag:s19], $0x80  }
0x4c: {  	[sflag:s19] =	ssyncset.done $0x0  }
0x4d: {  	[sflag:s19] =	ssyncadd.s32 $0xFFFFFF80  }
0x4e: {  	[tilespmem:s21], [sflag:$0x1] =	stream.indirect.gather [hbm4b:s4+s20], $0x80, s12, s20, $0xb8;
	[tilespmem:$0x1EA00] =	vst v63  }
0x4f: {  	_ =	swait.ge [sflag:s28], $0x4000  }
0x50: {  	[sflag:s28] =	ssyncset.done $0x0  }
0x51: {  	s5 =	simm.s32 $0x180;
	[sflag:s28] =	ssyncadd.s32 $0xFFFFC000  }
0x52: {  	[spmem:s2] =	stream.indirect.scatter.add.f32 [tilespmem:s23], [sflag:$0x7], $0x80, s5, s20, $0xb8;
	[tilespmem:$0x1EA00] =	vst v63  }
0x53: {  	_ =	swait.ge [sflag:s9], $0x4000  }
0x54: {  	[sflag:s9] =	ssyncset.done $0x0  }
0x55: {  	s0 =	sadd.s32 $0x70, s0;
	[sflag:s9] =	ssyncadd.s32 $0xFFFFC000  }
0x56: {  	[tilespmem:s18], [sflag:$0x6] =	stream.linear.gather [hbm4b:s0+s3], $0x80, $0x38;
	[tilespmem:$0x1EA00] =	vst v63  }
0x57: {  	_ =	swait.ge [sflag:s22], $0x80  }
0x58: {  	[sflag:s22] =	ssyncset.done $0x0  }
0x59: {  	s31 =	simm.s32 $0x40;
	s1 =	simm.s32 $0x380;
	[sflag:s22] =	ssyncadd.s32 $0xFFFFFF80  }
.LBB2_2:
0x5a: {  	[tilespmem:s23], [sflag:$0x2] =	stream.indirect.gather [hbm4b:s4+s20], $0x80, s14, s20, $0xb8;
	[tilespmem:$0x1EA00] =	vst v63  }
0x5b: {  	s0 =	smov.u32 s31  }
0x5c: {  	p0 =	sne.s32 s31, $0x480;
	s31 =	sadd.s32 $0x40, s31;
	_ =	swait.ge [sflag:s25], $0x4000  }
0x5d: {  	[sflag:s25] =	ssyncset.done $0x0  }
0x5e: {  	s5 =	sadd.s32 $0xFFFFFE80, s1;
	[sflag:s25] =	ssyncadd.s32 $0xFFFFC000  }
0x5f: {  	[spmem:s2] =	stream.indirect.scatter.add.f32 [tilespmem:s21], [sflag:$0x7], $0x80, s5, s20, $0xb8;
	[tilespmem:$0x1EA00] =	vst v63  }
0x60: {  	_ =	swait.ge [sflag:s9], $0x4000  }
0x61: {  	s0 =	sadd.s32 s0, s7;
	[sflag:s9] =	ssyncset.done $0x0  }
0x62: {  	s5 =	sadd.s32 $0x40, s0;
	[sflag:s9] =	ssyncadd.s32 $0xFFFFC000  }
0x63: {  	[tilespmem:s12], [sflag:$0x3] =	stream.linear.gather [hbm4b:s5+s3], $0x80, $0x38;
	[tilespmem:$0x1EA00] =	vst v63  }
0x64: {  	_ =	swait.ge [sflag:s26], $0x80  }
0x65: {  	[sflag:s26] =	ssyncset.done $0x0  }
0x66: {  	[sflag:s26] =	ssyncadd.s32 $0xFFFFFF80  }
0x67: {  	[tilespmem:s21], [sflag:$0x1] =	stream.indirect.gather [hbm4b:s4+s20], $0x80, s16, s20, $0xb8;
	[tilespmem:$0x1EA00] =	vst v63  }
0x68: {  	_ =	swait.ge [sflag:s28], $0x4000  }
0x69: {  	[sflag:s28] =	ssyncset.done $0x0  }
0x6a: {  	s5 =	sadd.s32 $0xFFFFFF00, s1;
	[sflag:s28] =	ssyncadd.s32 $0xFFFFC000  }
0x6b: {  	[spmem:s2] =	stream.indirect.scatter.add.f32 [tilespmem:s23], [sflag:$0x7], $0x80, s5, s20, $0xb8;
	[tilespmem:$0x1EA00] =	vst v63  }
0x6c: {  	_ =	swait.ge [sflag:s9], $0x4000  }
0x6d: {  	[sflag:s9] =	ssyncset.done $0x0  }
0x6e: {  	s5 =	sadd.s32 $0x50, s0;
	[sflag:s9] =	ssyncadd.s32 $0xFFFFC000  }
0x6f: {  	[tilespmem:s14], [sflag:$0x4] =	stream.linear.gather [hbm4b:s5+s3], $0x80, $0x38;
	[tilespmem:$0x1EA00] =	vst v63  }
0x70: {  	_ =	swait.ge [sflag:s29], $0x80  }
0x71: {  	[sflag:s29] =	ssyncset.done $0x0  }
0x72: {  	[sflag:s29] =	ssyncadd.s32 $0xFFFFFF80  }
0x73: {  	[tilespmem:s23], [sflag:$0x2] =	stream.indirect.gather [hbm4b:s4+s20], $0x80, s18, s20, $0xb8;
	[tilespmem:$0x1EA00] =	vst v63  }
0x74: {  	_ =	swait.ge [sflag:s25], $0x4000  }
0x75: {  	[sflag:s25] =	ssyncset.done $0x0  }
0x76: {  	s5 =	sadd.s32 $0xFFFFFF80, s1;
	[sflag:s25] =	ssyncadd.s32 $0xFFFFC000  }
0x77: {  	[spmem:s2] =	stream.indirect.scatter.add.f32 [tilespmem:s21], [sflag:$0x7], $0x80, s5, s20, $0xb8;
	[tilespmem:$0x1EA00] =	vst v63  }
0x78: {  	_ =	swait.ge [sflag:s9], $0x4000  }
0x79: {  	[sflag:s9] =	ssyncset.done $0x0  }
0x7a: {  	s5 =	sadd.s32 $0x60, s0;
	[sflag:s9] =	ssyncadd.s32 $0xFFFFC000  }
0x7b: {  	[tilespmem:s16], [sflag:$0x5] =	stream.linear.gather [hbm4b:s5+s3], $0x80, $0x38;
	[tilespmem:$0x1EA00] =	vst v63  }
0x7c: {  	_ =	swait.ge [sflag:s19], $0x80  }
0x7d: {  	[sflag:s19] =	ssyncset.done $0x0  }
0x7e: {  	[sflag:s19] =	ssyncadd.s32 $0xFFFFFF80  }
0x7f: {  	[tilespmem:s21], [sflag:$0x1] =	stream.indirect.gather [hbm4b:s4+s20], $0x80, s12, s20, $0xb8;
	[tilespmem:$0x1EA00] =	vst v63  }
0x80: {  	_ =	swait.ge [sflag:s28], $0x4000  }
0x81: {  	[sflag:s28] =	ssyncset.done $0x0  }
0x82: {  	[sflag:s28] =	ssyncadd.s32 $0xFFFFC000  }
0x83: {  	[spmem:s2] =	stream.indirect.scatter.add.f32 [tilespmem:s23], [sflag:$0x7], $0x80, s1, s20, $0xb8;
	[tilespmem:$0x1EA00] =	vst v63  }
0x84: {  	_ =	swait.ge [sflag:s9], $0x4000  }
0x85: {  	[sflag:s9] =	ssyncset.done $0x0  }
.Ltmp0:
0x86: {  	s0 =	sadd.s32 $0x70, s0;
	[sflag:s9] =	ssyncadd.s32 $0xFFFFC000;
	(pc) =	sbr.rel @p0 .LBB2_2-.Ltmp0, $4  }
0x87: {  	[tilespmem:s18], [sflag:$0x6] =	stream.linear.gather [hbm4b:s0+s3], $0x80, $0x38;
	[tilespmem:$0x1EA00] =	vst v63  }
0x88: {  	_ =	swait.ge [sflag:s22], $0x80  }
0x89: {  	[sflag:s22] =	ssyncset.done $0x0  }
0x8a: {  	s1 =	sadd.s32 $0x200, s1;
	[sflag:s22] =	ssyncadd.s32 $0xFFFFFF80  }
0x8b: {  	[tilespmem:s23], [sflag:$0x2] =	stream.indirect.gather [hbm4b:s4+s20], $0x80, s14, s20, $0xb8;
	[tilespmem:$0x1EA00] =	vst v63  }
0x8c: {  	_ =	swait.ge [sflag:s25], $0x4000  }
0x8d: {  	[sflag:s25] =	ssyncset.done $0x0  }
0x8e: {  	s0 =	simm.s32 $0x2600;
	[sflag:s25] =	ssyncadd.s32 $0xFFFFC000  }
0x8f: {  	[spmem:s2] =	stream.indirect.scatter.add.f32 [tilespmem:s21], [sflag:$0x7], $0x80, s0, s20, $0xb8;
	[tilespmem:$0x1EA00] =	vst v63  }
0x90: {  	_ =	swait.ge [sflag:s9], $0x4000  }
0x91: {  	[sflag:s9] =	ssyncset.done $0x0  }
0x92: {  	[sflag:s9] =	ssyncadd.s32 $0xFFFFC000  }
0x93: {  	_ =	swait.ge [sflag:s26], $0x80  }
0x94: {  	[sflag:s26] =	ssyncset.done $0x0  }
0x95: {  	[sflag:s26] =	ssyncadd.s32 $0xFFFFFF80  }
0x96: {  	[tilespmem:s21], [sflag:$0x1] =	stream.indirect.gather [hbm4b:s4+s20], $0x80, s16, s20, $0xb8;
	[tilespmem:$0x1EA00] =	vst v63  }
0x97: {  	_ =	swait.ge [sflag:s28], $0x4000  }
0x98: {  	[sflag:s28] =	ssyncset.done $0x0  }
0x99: {  	s1 =	simm.s32 $0x2680;
	[sflag:s28] =	ssyncadd.s32 $0xFFFFC000  }
0x9a: {  	[spmem:s2] =	stream.indirect.scatter.add.f32 [tilespmem:s23], [sflag:$0x7], $0x80, s1, s20, $0xb8;
	[tilespmem:$0x1EA00] =	vst v63  }
0x9b: {  	_ =	swait.ge [sflag:s9], $0x4000  }
0x9c: {  	[sflag:s9] =	ssyncset.done $0x0  }
0x9d: {  	[sflag:s9] =	ssyncadd.s32 $0xFFFFC000  }
0x9e: {  	_ =	swait.ge [sflag:s29], $0x80  }
0x9f: {  	[sflag:s29] =	ssyncset.done $0x0  }
0xa0: {  	[sflag:s29] =	ssyncadd.s32 $0xFFFFFF80  }
0xa1: {  	[tilespmem:s23], [sflag:$0x2] =	stream.indirect.gather [hbm4b:s4+s20], $0x80, s18, s20, $0xb8;
	[tilespmem:$0x1EA00] =	vst v63  }
0xa2: {  	_ =	swait.ge [sflag:s25], $0x4000  }
0xa3: {  	[sflag:s25] =	ssyncset.done $0x0  }
0xa4: {  	s5 =	simm.s32 $0x2700;
	[sflag:s25] =	ssyncadd.s32 $0xFFFFC000  }
0xa5: {  	[spmem:s2] =	stream.indirect.scatter.add.f32 [tilespmem:s21], [sflag:$0x7], $0x80, s5, s20, $0xb8;
	[tilespmem:$0x1EA00] =	vst v63  }
0xa6: {  	_ =	swait.ge [sflag:s9], $0x4000  }
0xa7: {  	[sflag:s9] =	ssyncset.done $0x0  }
0xa8: {  	[sflag:s9] =	ssyncadd.s32 $0xFFFFC000  }
0xa9: {  	_ =	swait.ge [sflag:s28], $0x4000  }
0xaa: {  	[sflag:s28] =	ssyncset.done $0x0  }
0xab: {  	s31 =	simm.s32 $0x2780;
	[sflag:s28] =	ssyncadd.s32 $0xFFFFC000  }
0xac: {  	[spmem:s2] =	stream.indirect.scatter.add.f32 [tilespmem:s23], [sflag:$0x7], $0x80, s31, s20, $0xb8;
	[tilespmem:$0x1EA00] =	vst v63  }
0xad: {  	_ =	swait.ge [sflag:s9], $0x4000  }
0xae: {  	s30 =	sadd.s32 $0x1, s30;
	[sflag:s9] =	ssyncset.done $0x0  }
0xaf: {  	p0 =	sne.s32 s30, s8;
	[sflag:s9] =	ssyncadd.s32 $0xFFFFC000  }
.Ltmp1:
0xb0: {  	[bflag:$0x0] =	sbarrier.arrive $0xFFFF;
	(pc) =	sbr.rel @p0 .LBB2_1-.Ltmp1, $4  }
0xb1: {  	[hbm:s24], [sflag:s10] =	dma.local [spmem:s11], $0x2800  }
0xb2: {  	_ =	swait.ge [sflag:s9], $0x2800  }
0xb3: {  	[sflag:s9] =	ssyncset.done $0x0  }
0xb4: {  	[sflag:s9] =	ssyncadd.s32 $0xFFFFD800  }
0xb5: {  	_ =	sfence.sel $0x180000  }
0xb6: {  	[bflag:$0x0] =	sbarrier.arrive $0xFFFF  }
0xb7: {  	_ =	strace $0x9000004D  }
0xb8: {  	s0 =	stileid.u32;
	[bflag:$0x2] =	sbarrier.arrive $0xFFFF  }
0xb9: {  	p0 =	sne.s32 s0, $0x0;
	s0 =	rddreg [dreg:$0x3]  }
0xba: {  	s0 =	sadd.s32 @!p0 $0x100000, s0  }
0xbb: {  	[sflag:s0] =	ssyncadd.tile.s32 @!p0 $0x1;
	_ =	shalt  }
.Lfunc_end2:
_tile_overlayer_lowered:
.L_overlay_start_2:
0xbc: {  	(tag) =	ssettag $0x2  }
0xbd: {  	s0 =	rddreg [dreg:$0x0];
	s2 =	stileid.u32  }
0xbe: {  	s1 =	rddreg [dreg:$0x1];
	p0 =	sne.s32 s2, $0x0  }
0xbf: {  	s3 =	rddreg [dreg:$0x2];
	[bflag:$0x3] =	sbarrier.arrive $0xFFFF;
	s2 =	simm.s32 @!p0 $0x1C07  }
0xc0: {  	[timem:s3], [sflag:s2] =	dma.local @!p0 [hbm:s0], s1  }
0xc1: {  	s0 =	simm.s32 @!p0 $0x7  }
0xc2: {  	_ =	swait.ge @!p0 [sflag:s0], s1  }
0xc3: {  	s1 =	ssub.s32 @!p0 $0x0, s1;
	[sflag:s0] =	ssyncset.done @!p0 $0x0  }
0xc4: {  	[sflag:s0] =	ssyncadd.s32 @!p0 s1  }
0xc5: {  	[bflag:$0x3] =	sbarrier.arrive $0xFFFF  }
0xc6: {  	_ =	shalt  }

// kernel: kernel.8.cloned.1.call-start
scs
__scs_entry_jumppad:
0x0: {  	(pc) =	sbr.rel $0x88, $3  }
0x1: {  	(tag) =	ssettag $0x0;
	lr =	simm.s32 $0x1  }
0x2: {  	[smem:$0x3F9B] =	sst lr;
	_ =	strace $0xD0000000  }
0x3: {  	_ = 	snop  }
0x4: {  	_ = 	snop  }
0x5: {  	_ = 	snop  }
0x6: {  	_ = 	snop  }
0x7: {  	_ = 	snop  }
__scs_overlays_trampoline_lowered:
0x8: {  	[smem:$0x3FAA] =	sst s0  }
0x9: {  	[smem:$0x3FAB] =	sst s1  }
0xa: {  	[smem:$0x3FAC] =	sst s2  }
0xb: {  	[smem:$0x3FAD] =	sst s3  }
0xc: {  	[smem:$0x3FAE] =	sst s4  }
0xd: {  	[smem:$0x3FAF] =	sst s5  }
0xe: {  	[smem:$0x3FB0] =	sst s6  }
0xf: {  	[smem:$0x3FB1] =	sst s7  }
0x10: {  	[smem:$0x3FB2] =	sst s8  }
0x11: {  	[smem:$0x3FB3] =	sst s9;
	s0 =	simm.s32 @!p0 $0x0  }
0x12: {  	s1 =	sld [smem:$0x3F99];
	s0 =	simm.s32 @p0 $0x1  }
0x13: {  	[smem:$0x3FB4] =	sst s0;
	s0 =	simm.s32 @!p1 $0x0  }
0x14: {  	s2 =	sld [smem:$0x3F98];
	s0 =	simm.s32 @p1 $0x1  }
0x15: {  	[smem:$0x3FB5] =	sst s0;
	s0 =	simm.s32 @!p2 $0x0  }
0x16: {  	s3 =	sld [smem:$0x3FDB];
	s0 =	simm.s32 @p2 $0x1  }
0x17: {  	s4 =	simm.s32 $0x1BF5;
	[smem:$0x3FB7] =	sst s0  }
0x18: {  	s0 =	sld [smem:$0x3F9A];
	_ =	swait.ge [sflag:s4], $0x0  }
0x19: {  	s7 =	sld [smem:$0x3F9B]  }
0x1a: {  	s8 =	sadd.s32 $0xFFFFE003, lr  }
0x1b: {  	s9 =	sadd.s32 $0xFFFFFEF7, lr;
	s5 =	simm.s32 $0xFFFFFFFF;
	p2 =	slt.u32 s8, $0xFFFFF086  }
0x1c: {  	p1 =	slt.u32 s9, $0xF7A;
	s5 =	simm.s32 @!p2 $0x0  }
0x1d: {  	s5 =	simm.s32 @p1 $0x1;
	p0 =	seq.s32 s7, s2  }
0x1e: {  	s7 =	smul.u32 @!p0 $0xF7A, s2;
	p2 =	seq.s32 @!p0 s5, $0x0  }
0x1f: {  	s9 =	smul.u32 $0xF7A, s1;
	s8 =	simm.s32 @!p0 $0x1BF5;
	p2 =	por !p2, p0  }
0x20: {  	[sflag:s8] =	ssyncset.s32 @!p0 $0xFFFFF086;
	s6 =	sadd.s32 @!p0 s3, s7;
	s7 =	simm.s32 @!p0 $0x108  }
0x21: {  	s3 =	sadd.s32 s3, s9;
	s6 =	sadd.s32 @!p0 $0x88, s6;
	s7 =	simm.s32 @p2 $0x1082  }
0x22: {  	[simem:s7], [sflag:s8] =	dma.local @!p0 [hbm:s6], $0xF7A  }
0x23: {  	s9 =	sor.u32 $0xD0000000, s2;
	s6 =	simm.s32 $0x108;
	_ =	swait.ge @!p0 [sflag:s8], $0x0  }
0x24: {  	s3 =	sadd.s32 $0x88, s3;
	s6 =	simm.s32 @!p1 $0x1082;
	[sflag:s4] =	ssyncset.s32 $0xFFFFF086  }
0x25: {  	[simem:s6], [sflag:s4] =	dma.local [hbm:s3], $0xF7A  }
0x26: {  	[smem:$0x3F9B] =	sst s1;
	(tag) =	ssettag s2;
	_ =	strace s9  }
0x27: {  	s1 =	sld [smem:$0x3FAB]  }
0x28: {  	s2 =	sld [smem:$0x3FAC]  }
0x29: {  	s4 =	sld [smem:$0x3FAE]  }
0x2a: {  	p0 =	seq.s32 s5, $0x0;
	s5 =	sld [smem:$0x3FAF]  }
0x2b: {  	s6 =	sld [smem:$0x3FB0]  }
0x2c: {  	s7 =	sld [smem:$0x3FB1]  }
0x2d: {  	s3 =	simm.s32 $0x108;
	s8 =	sld [smem:$0x3FB2]  }
0x2e: {  	s3 =	simm.s32 @!p0 $0x1082;
	s9 =	sld [smem:$0x3FB3]  }
0x2f: {  	lr =	sadd.s32 s0, s3;
	s0 =	sld [smem:$0x3FAA]  }
0x30: {  	s3 =	sld [smem:$0x3FAD]  }
0x31: {  	[smem:$0x3FB6] =	sst s10  }
0x32: {  	s10 =	sld [smem:$0x3FB4];
	_ =	sdelay $0x3  }
0x33: {  	p0 =	seq.s32 s10, $0x1;
	s10 =	sld [smem:$0x3FB6];
	_ =	sdelay $0x3  }
0x34: {  	[smem:$0x3FB6] =	sst s10  }
0x35: {  	s10 =	sld [smem:$0x3FB5];
	_ =	sdelay $0x3  }
0x36: {  	p1 =	seq.s32 s10, $0x1;
	s10 =	sld [smem:$0x3FB6];
	_ =	sdelay $0x3  }
0x37: {  	[smem:$0x3FB6] =	sst s10  }
0x38: {  	s10 =	sld [smem:$0x3FB7]  }
0x39: {  	_ = 	snop;
	(pc) =	sbr.ind lr, $3  }
0x3a: {  	_ = 	snop  }
0x3b: {  	_ = 	snop  }
0x3c: {  	p2 =	seq.s32 s10, $0x1;
	s10 =	sld [smem:$0x3FB6]  }
0x3d: {  	_ =	shalt  }
0x3e: {  	_ =	shalt  }
0x3f: {  	_ =	shalt  }
0x40: {  	_ =	shalt  }
0x41: {  	_ =	shalt  }
0x42: {  	_ =	shalt  }
0x43: {  	_ =	shalt  }
0x44: {  	_ =	shalt  }
0x45: {  	_ =	shalt  }
0x46: {  	_ =	shalt  }
0x47: {  	_ =	shalt  }
0x48: {  	_ =	shalt  }
0x49: {  	_ =	shalt  }
0x4a: {  	_ =	shalt  }
0x4b: {  	_ =	shalt  }
0x4c: {  	_ =	shalt  }
0x4d: {  	_ =	shalt  }
0x4e: {  	_ =	shalt  }
0x4f: {  	_ =	shalt  }
0x50: {  	_ =	shalt  }
0x51: {  	_ =	shalt  }
0x52: {  	_ =	shalt  }
0x53: {  	_ =	shalt  }
0x54: {  	_ =	shalt  }
0x55: {  	_ =	shalt  }
0x56: {  	_ =	shalt  }
0x57: {  	_ =	shalt  }
0x58: {  	_ =	shalt  }
0x59: {  	_ =	shalt  }
0x5a: {  	_ =	shalt  }
0x5b: {  	_ =	shalt  }
0x5c: {  	_ =	shalt  }
0x5d: {  	_ =	shalt  }
0x5e: {  	_ =	shalt  }
0x5f: {  	_ =	shalt  }
0x60: {  	_ =	shalt  }
0x61: {  	_ =	shalt  }
0x62: {  	_ =	shalt  }
0x63: {  	_ =	shalt  }
0x64: {  	_ =	shalt  }
0x65: {  	_ =	shalt  }
0x66: {  	_ =	shalt  }
0x67: {  	_ =	shalt  }
0x68: {  	_ =	shalt  }
0x69: {  	_ =	shalt  }
0x6a: {  	_ =	shalt  }
0x6b: {  	_ =	shalt  }
0x6c: {  	_ =	shalt  }
0x6d: {  	_ =	shalt  }
0x6e: {  	_ =	shalt  }
0x6f: {  	_ =	shalt  }
0x70: {  	_ =	shalt  }
0x71: {  	_ =	shalt  }
0x72: {  	_ =	shalt  }
0x73: {  	_ =	shalt  }
0x74: {  	_ =	shalt  }
0x75: {  	_ =	shalt  }
0x76: {  	_ =	shalt  }
0x77: {  	_ =	shalt  }
0x78: {  	_ =	shalt  }
0x79: {  	_ =	shalt  }
0x7a: {  	_ =	shalt  }
0x7b: {  	_ =	shalt  }
0x7c: {  	_ =	shalt  }
0x7d: {  	_ =	shalt  }
0x7e: {  	_ =	shalt  }
0x7f: {  	_ =	shalt  }
0x80: {  	_ =	shalt  }
0x81: {  	_ =	shalt  }
0x82: {  	_ =	shalt  }
0x83: {  	_ =	shalt  }
0x84: {  	_ =	shalt  }
0x85: {  	_ =	shalt  }
0x86: {  	_ =	shalt  }
0x87: {  	_ =	shalt  }
.Lfunc_end0:
.L_simem_size_0:
called_computation_lowered:
.L_overlay_start_0:
0x88: {  	s2 =	sld [smem:$0x3FD9]  }
0x89: {  	s3 =	sld [smem:$0x3FFE];
	_ =	sdelay $0x1  }
0x8a: {  	s1 =	srdreg.scid  }
0x8b: {  	s0 =	sand.u32 $0x1, s1  }
0x8c: {  	s16 =	sshll.u32 s0, $0xA;
	s2 =	sadd.s32 s3, s2  }
0x8d: {  	s2 =	sadd.s32 s2, s16  }
0x8e: {  	[smem:$0x3FC2] =	sst s2  }
0x8f: {  	_ = 	snop  }
0x90: {  	(tm) =	ssettm $0x1  }
0x91: {  	s17 =	sld [smem:$0x3FFB];
	_ =	sdelay $0x3  }
0x92: {  	_ =	strace s17  }
0x93: {  	s2 =	sld [smem:$0x3FFC];
	_ =	sdelay $0x3  }
0x94: {  	_ =	strace s2  }
0x95: {  	s2 =	sld [smem:$0x3FFD];
	_ =	sdelay $0x3  }
0x96: {  	_ =	strace s2  }
0x97: {  	_ =	strace $0x8FFFFFFF  }
0x98: {  	s18 =	sld [smem:$0x3FDB];
	_ =	sdelay $0x1  }
0x99: {  	s19 =	simm.s32 $_scs_section_size  }
0x9a: {  	s4 =	simm.s32 $_size__tile_overlayer_lowered;
	s5 =	simm.s32 $_tile_overlayer_lowered  }
0x9b: {  	s22 =	simm.s32 $0x1BFF;
	s21 =	sshll.u32 s5, $0x1;
	s2 =	sadd.s32 s19, s18  }
0x9c: {  	s6 =	simm.s32 $0x0;
	s20 =	sshll.u32 s4, $0x1;
	s4 =	sadd.s32 s21, s2  }
0x9d: {  	[timem:s6], [sflag:s22] =	dma.local [hbm:s4], s20  }
0x9e: {  	_ =	swait.ge [sflag:s22], s20  }
0x9f: {  	s3 =	ssub.s32 $0x0, s20;
	[sflag:s22] =	ssyncset.done $0x0  }
0xa0: {  	[sflag:s22] =	ssyncadd.s32 s3;
	_ =	sdelay $0x1  }
0xa1: {  	s23 =	simm.s32 $0x1B8B  }
0xa2: {  	_ =	swait.ge [sflag:s23], $0x1  }
0xa3: {  	[sflag:s23] =	ssyncset.done $0x0  }
0xa4: {  	s25 =	simm.s32 $0x1B8E;
	s24 =	sld [smem:$0x3FFE];
	[sflag:s23] =	ssyncadd.s32 $0xFFFFFFFF  }
0xa5: {  	s26 =	simm.s32 $execute0_lowered;
	[smem:$0x3FD2] =	sst s25  }
0xa6: {  	s4 =	sshll.u32 s26, $0x1;
	_ =	strace $0x80000046;
	[dreg:$0x1] =	wrdreg $0xFFFFFFFF  }
0xa7: {  	s28 =	simm.s32 $_size_execute0_lowered;
	s2 =	sadd.s32 s2, s4;
	[dreg:$0x0] =	wrdreg $0x0  }
0xa8: {  	s4 =	sshll.u32 s28, $0x1;
	[dreg:$0x2] =	wrdreg s2  }
0xa9: {  	[dreg:$0x3] =	wrdreg s4  }
0xaa: {  	[dreg:$0x4] =	wrdreg $0xC0  }
0xab: {  	_ =	task [dreg:s6], $0x5FFFF  }
0xac: {  	[dreg:$0x1] =	wrdreg $0xFFFFFFFF  }
0xad: {  	[dreg:$0x0] =	wrdreg $0x60  }
0xae: {  	[dreg:$0x2] =	wrdreg s24  }
0xaf: {  	[dreg:$0x3] =	wrdreg $0x68000  }
0xb0: {  	[dreg:$0x4] =	wrdreg $0x9  }
0xb1: {  	_ =	task.clear_ibuf [dreg:s6], $0x5FFFF;
	_ =	strace $0x90000046  }
0xb2: {  	s29 =	simm.s32 $0x9;
	_ =	strace $0x80000048  }
0xb3: {  	_ =	swait.ge [sflag:s29], $0x1  }
0xb4: {  	[sflag:s29] =	ssyncadd.s32 $0xFFFFFFFF  }
0xb5: {  	_ =	strace $0x90000048  }
0xb6: {  	_ =	sfence  }
0xb7: {  	s30 =	sld [smem:$0x0];
	_ =	sdelay $0x2  }
0xb8: {  	s31 =	sshll.u32 s1, $0xD;
	s1 =	sshrl.u32 s1, $0x2  }
0xb9: {  	s3 =	sand.u32 $0x4000, s31;
	s1 =	sadd.s32 s1, s30  }
0xba: {  	s0 =	sor.u32 s3, s0;
	s1 =	sshll.u32 s1, $0x11  }
0xbb: {  	s0 =	sor.u32 s1, s0  }
0xbc: {  	s0 =	sadd.s32 $0x8F2B, s0  }
0xbd: {  	[sflag:s0] =	ssyncadd.remote.s32 $0x1  }
0xbe: {  	_ =	sfence.sel $0xFFFF  }
0xbf: {  	[dreg:$0x0] =	wrdreg $0xFFFFFFFF;
	(pc) =	sbr.abs _section_cstart, $3  }
0xc0: {  	[dreg:$0x1] =	wrdreg $0xFFFFFFFF  }
0xc1: {  	_ =	task.clear_ibuf [dreg:s6], $0x2FFFF;
	_ =	strace $0x9FFFFFFF  }
0xc2: {  	(tm) =	ssettm $0x7FFFFFFF  }
0xc3: {  	_ =	shalt  }
tec
execute0_lowered:
.L_overlay_start_1:
0x0: {  	(tag) =	ssettag $0x1  }
0x1: {  	s1 =	srdreg.scid  }
0x2: {  	s0 =	stileid.u32;
	s6 =	rddreg [dreg:$0x0]  }
0x3: {  	s2 =	rddreg [dreg:$0x1];
	s3 =	simm.s32 $0x0;
	s12 =	simm.s32 $0x80  }
0x4: {  	s13 =	simm.s32 $0x1;
	s7 =	sand.u32 $0x1, s1;
	s1 =	rddreg [dreg:$0x2]  }
0x5: {  	s29 =	sshll.u32 s0, $0x1;
	[smem:$0x7FF] =	sst s3;
	s10 =	smul.u32 $0x50000, s0  }
0x6: {  	s5 =	sadd.s32 $0xD000, s6;
	s15 =	smul.u32 $0x2800, s0;
	s31 =	sshll.u32 s0, $0x6  }
0x7: {  	s4 =	sor.u32 s7, s29;
	s8 =	smul.u32 $0x28000, s7;
	s7 =	ssub.s32 $0x2, s7  }
0x8: {  	_ =	strace $0x80000047;
	s4 =	smul.u32 $0x500, s4;
	s30 =	sshrl.u32 s7, $0x1  }
0x9: {  	s10 =	sshrl.u32 s10, $0x2;
	s8 =	sadd.s32 s8, s6;
	s7 =	ssub.s32 s7, s30  }
0xa: {  	s11 =	sadd.s32 s10, s2;
	s10 =	sor.u32 $0x1C02, s31;
	s9 =	sadd.s32 s4, s6  }
0xb: {  	s4 =	sadd.s32 $0xC800, s6;
	s14 =	sadd.s32 $0xF800, s8;
	s7 =	smax.u32 s7, $0x1  }
0xc: {  	s8 =	simm.s32 $0x2;
	s11 =	sshrl.u32 s11, $0x3;
	s6 =	sadd.s32 $0x2800, s9  }
0xd: {  	s9 =	simm.s32 $0x2800;
	s14 =	sadd.s32 s15, s14;
	s15 =	simm.s32 $0x0  }
.LBB2_1:
0xe: {  	[tilespmem:s3], [sflag:$0x2] =	stream.linear.gather [hbm4b:s6+s3], $0x2800, $0x38;
	[tilespmem:$0x1A800] =	vst v63  }
0xf: {  	_ =	swait.ge [sflag:s8], $0x2800  }
0x10: {  	[sflag:s8] =	ssyncset.done $0x0  }
0x11: {  	[sflag:s8] =	ssyncadd.s32 $0xFFFFD800  }
0x12: {  	[tilespmem:s9], [sflag:$0x2] =	stream.linear.gather [hbm4b:s4+s3], $0x4000, $0x38;
	[tilespmem:$0x1A800] =	vst v63  }
0x13: {  	_ =	swait.ge [sflag:s8], $0x4000  }
0x14: {  	[sflag:s8] =	ssyncset.done $0x0  }
0x15: {  	[sflag:s8] =	ssyncadd.s32 $0xFFFFC000  }
0x16: {  	[spmem:s11], [sflag:s10] =	dma.local [hbm:s5], $0x2800  }
0x17: {  	_ =	swait.ge [sflag:s8], $0x2800  }
0x18: {  	[sflag:s8] =	ssyncset.done $0x0  }
0x19: {  	[sflag:s8] =	ssyncadd.s32 $0xFFFFD800  }
0x1a: {  	s16 =	simm.s32 $0x0;
	[bflag:$0x0] =	sbarrier.arrive $0xFFFF  }
0x1b: {  	[spmem:s2] =	stream.indirect.scatter.add.f32 [tilespmem:s9], [sflag:$0x1], $0x80, s16, s12, $0xb8;
	[tilespmem:$0x1A800] =	vst v63  }
0x1c: {  	s31 =	simm.s32 $0x80  }
0x1d: {  	[spmem:s2] =	stream.indirect.scatter.add.f32 [tilespmem:s9], [sflag:$0x1], $0x80, s31, s12, $0xb8;
	[tilespmem:$0x1A800] =	vst v63  }
0x1e: {  	s17 =	simm.s32 $0x100  }
0x1f: {  	[spmem:s2] =	stream.indirect.scatter.add.f32 [tilespmem:s9], [sflag:$0x1], $0x80, s17, s12, $0xb8;
	[tilespmem:$0x1A800] =	vst v63  }
0x20: {  	s18 =	simm.s32 $0x180  }
0x21: {  	[spmem:s2] =	stream.indirect.scatter.add.f32 [tilespmem:s9], [sflag:$0x1], $0x80, s18, s12, $0xb8;
	[tilespmem:$0x1A800] =	vst v63  }
0x22: {  	s19 =	simm.s32 $0x200  }
0x23: {  	[spmem:s2] =	stream.indirect.scatter.add.f32 [tilespmem:s9], [sflag:$0x1], $0x80, s19, s12, $0xb8;
	[tilespmem:$0x1A800] =	vst v63  }
0x24: {  	s20 =	simm.s32 $0x280  }
0x25: {  	[spmem:s2] =	stream.indirect.scatter.add.f32 [tilespmem:s9], [sflag:$0x1], $0x80, s20, s12, $0xb8;
	[tilespmem:$0x1A800] =	vst v63  }
0x26: {  	s21 =	simm.s32 $0x300  }
0x27: {  	[spmem:s2] =	stream.indirect.scatter.add.f32 [tilespmem:s9], [sflag:$0x1], $0x80, s21, s12, $0xb8;
	[tilespmem:$0x1A800] =	vst v63  }
0x28: {  	s22 =	simm.s32 $0x380  }
0x29: {  	[spmem:s2] =	stream.indirect.scatter.add.f32 [tilespmem:s9], [sflag:$0x1], $0x80, s22, s12, $0xb8;
	[tilespmem:$0x1A800] =	vst v63  }
0x2a: {  	s23 =	simm.s32 $0x400  }
0x2b: {  	[spmem:s2] =	stream.indirect.scatter.add.f32 [tilespmem:s9], [sflag:$0x1], $0x80, s23, s12, $0xb8;
	[tilespmem:$0x1A800] =	vst v63  }
0x2c: {  	s24 =	simm.s32 $0x480  }
0x2d: {  	[spmem:s2] =	stream.indirect.scatter.add.f32 [tilespmem:s9], [sflag:$0x1], $0x80, s24, s12, $0xb8;
	[tilespmem:$0x1A800] =	vst v63  }
0x2e: {  	s25 =	simm.s32 $0x500  }
0x2f: {  	[spmem:s2] =	stream.indirect.scatter.add.f32 [tilespmem:s9], [sflag:$0x1], $0x80, s25, s12, $0xb8;
	[tilespmem:$0x1A800] =	vst v63  }
0x30: {  	s26 =	simm.s32 $0x580  }
0x31: {  	[spmem:s2] =	stream.indirect.scatter.add.f32 [tilespmem:s9], [sflag:$0x1], $0x80, s26, s12, $0xb8;
	[tilespmem:$0x1A800] =	vst v63  }
0x32: {  	s28 =	simm.s32 $0x600  }
0x33: {  	[spmem:s2] =	stream.indirect.scatter.add.f32 [tilespmem:s9], [sflag:$0x1], $0x80, s28, s12, $0xb8;
	[tilespmem:$0x1A800] =	vst v63  }
0x34: {  	s29 =	simm.s32 $0x680  }
0x35: {  	[spmem:s2] =	stream.indirect.scatter.add.f32 [tilespmem:s9], [sflag:$0x1], $0x80, s29, s12, $0xb8;
	[tilespmem:$0x1A800] =	vst v63  }
0x36: {  	s30 =	simm.s32 $0x700  }
0x37: {  	[spmem:s2] =	stream.indirect.scatter.add.f32 [tilespmem:s9], [sflag:$0x1], $0x80, s30, s12, $0xb8;
	[tilespmem:$0x1A800] =	vst v63  }
0x38: {  	s31 =	simm.s32 $0x780  }
0x39: {  	[spmem:s2] =	stream.indirect.scatter.add.f32 [tilespmem:s9], [sflag:$0x1], $0x80, s31, s12, $0xb8;
	[tilespmem:$0x1A800] =	vst v63  }
0x3a: {  	_ =	swait.ge [sflag:s13], $0x4000  }
0x3b: {  	[sflag:s13] =	ssyncset.done $0x0  }
0x3c: {  	[sflag:s13] =	ssyncadd.s32 $0xFFFFC000  }
0x3d: {  	_ =	swait.ge [sflag:s13], $0x4000  }
0x3e: {  	[sflag:s13] =	ssyncset.done $0x0  }
0x3f: {  	[sflag:s13] =	ssyncadd.s32 $0xFFFFC000  }
0x40: {  	_ =	swait.ge [sflag:s13], $0x4000  }
0x41: {  	[sflag:s13] =	ssyncset.done $0x0  }
0x42: {  	[sflag:s13] =	ssyncadd.s32 $0xFFFFC000  }
0x43: {  	_ =	swait.ge [sflag:s13], $0x4000  }
0x44: {  	[sflag:s13] =	ssyncset.done $0x0  }
0x45: {  	[sflag:s13] =	ssyncadd.s32 $0xFFFFC000  }
0x46: {  	_ =	swait.ge [sflag:s13], $0x4000  }
0x47: {  	[sflag:s13] =	ssyncset.done $0x0  }
0x48: {  	[sflag:s13] =	ssyncadd.s32 $0xFFFFC000  }
0x49: {  	_ =	swait.ge [sflag:s13], $0x4000  }
0x4a: {  	[sflag:s13] =	ssyncset.done $0x0  }
0x4b: {  	[sflag:s13] =	ssyncadd.s32 $0xFFFFC000  }
0x4c: {  	_ =	swait.ge [sflag:s13], $0x4000  }
0x4d: {  	[sflag:s13] =	ssyncset.done $0x0  }
0x4e: {  	[sflag:s13] =	ssyncadd.s32 $0xFFFFC000  }
0x4f: {  	_ =	swait.ge [sflag:s13], $0x4000  }
0x50: {  	[sflag:s13] =	ssyncset.done $0x0  }
0x51: {  	[sflag:s13] =	ssyncadd.s32 $0xFFFFC000  }
0x52: {  	_ =	swait.ge [sflag:s13], $0x4000  }
0x53: {  	[sflag:s13] =	ssyncset.done $0x0  }
0x54: {  	[sflag:s13] =	ssyncadd.s32 $0xFFFFC000  }
0x55: {  	_ =	swait.ge [sflag:s13], $0x4000  }
0x56: {  	[sflag:s13] =	ssyncset.done $0x0  }
0x57: {  	[sflag:s13] =	ssyncadd.s32 $0xFFFFC000  }
0x58: {  	_ =	swait.ge [sflag:s13], $0x4000  }
0x59: {  	[sflag:s13] =	ssyncset.done $0x0  }
0x5a: {  	[sflag:s13] =	ssyncadd.s32 $0xFFFFC000  }
0x5b: {  	_ =	swait.ge [sflag:s13], $0x4000  }
0x5c: {  	[sflag:s13] =	ssyncset.done $0x0  }
0x5d: {  	[sflag:s13] =	ssyncadd.s32 $0xFFFFC000  }
0x5e: {  	_ =	swait.ge [sflag:s13], $0x4000  }
0x5f: {  	[sflag:s13] =	ssyncset.done $0x0  }
0x60: {  	[sflag:s13] =	ssyncadd.s32 $0xFFFFC000  }
0x61: {  	_ =	swait.ge [sflag:s13], $0x4000  }
0x62: {  	[sflag:s13] =	ssyncset.done $0x0  }
0x63: {  	[sflag:s13] =	ssyncadd.s32 $0xFFFFC000  }
0x64: {  	_ =	swait.ge [sflag:s13], $0x4000  }
0x65: {  	[sflag:s13] =	ssyncset.done $0x0  }
0x66: {  	[sflag:s13] =	ssyncadd.s32 $0xFFFFC000  }
0x67: {  	_ =	swait.ge [sflag:s13], $0x4000  }
0x68: {  	s16 =	simm.s32 $0x2000;
	s19 =	simm.s32 $0x4000;
	[sflag:s13] =	ssyncset.done $0x0  }
.LBB2_2:
0x69: {  	s18 =	sshra.s32 s16, $0x2  }
0x6a: {  	[sflag:s13] =	ssyncadd.s32 $0xFFFFC000;
	s16 =	smov.u32 s19;
	s17 =	sadd.s32 $0x2000, s19  }
0x6b: {  	[spmem:s2] =	stream.indirect.scatter.add.f32 [tilespmem:s9], [sflag:$0x1], $0x80, s18, s12, $0xb8;
	[tilespmem:$0x1A800] =	vst v63  }
0x6c: {  	p0 =	sne.s32 s19, $0x8000;
	s19 =	sadd.s32 $0x80, s18  }
0x6d: {  	[spmem:s2] =	stream.indirect.scatter.add.f32 [tilespmem:s9], [sflag:$0x1], $0x80, s19, s12, $0xb8;
	[tilespmem:$0x1A800] =	vst v63  }
0x6e: {  	s19 =	sadd.s32 $0x100, s18  }
0x6f: {  	[spmem:s2] =	stream.indirect.scatter.add.f32 [tilespmem:s9], [sflag:$0x1], $0x80, s19, s12, $0xb8;
	[tilespmem:$0x1A800] =	vst v63  }
0x70: {  	s19 =	sadd.s32 $0x180, s18  }
0x71: {  	[spmem:s2] =	stream.indirect.scatter.add.f32 [tilespmem:s9], [sflag:$0x1], $0x80, s19, s12, $0xb8;
	[tilespmem:$0x1A800] =	vst v63  }
0x72: {  	s19 =	sadd.s32 $0x200, s18  }
0x73: {  	[spmem:s2] =	stream.indirect.scatter.add.f32 [tilespmem:s9], [sflag:$0x1], $0x80, s19, s12, $0xb8;
	[tilespmem:$0x1A800] =	vst v63  }
0x74: {  	s19 =	sadd.s32 $0x280, s18  }
0x75: {  	[spmem:s2] =	stream.indirect.scatter.add.f32 [tilespmem:s9], [sflag:$0x1], $0x80, s19, s12, $0xb8;
	[tilespmem:$0x1A800] =	vst v63  }
0x76: {  	s19 =	sadd.s32 $0x300, s18  }
0x77: {  	[spmem:s2] =	stream.indirect.scatter.add.f32 [tilespmem:s9], [sflag:$0x1], $0x80, s19, s12, $0xb8;
	[tilespmem:$0x1A800] =	vst v63  }
0x78: {  	s19 =	sadd.s32 $0x380, s18  }
0x79: {  	[spmem:s2] =	stream.indirect.scatter.add.f32 [tilespmem:s9], [sflag:$0x1], $0x80, s19, s12, $0xb8;
	[tilespmem:$0x1A800] =	vst v63  }
0x7a: {  	s19 =	sadd.s32 $0x400, s18  }
0x7b: {  	[spmem:s2] =	stream.indirect.scatter.add.f32 [tilespmem:s9], [sflag:$0x1], $0x80, s19, s12, $0xb8;
	[tilespmem:$0x1A800] =	vst v63  }
0x7c: {  	s19 =	sadd.s32 $0x480, s18  }
0x7d: {  	[spmem:s2] =	stream.indirect.scatter.add.f32 [tilespmem:s9], [sflag:$0x1], $0x80, s19, s12, $0xb8;
	[tilespmem:$0x1A800] =	vst v63  }
0x7e: {  	s19 =	sadd.s32 $0x500, s18  }
0x7f: {  	[spmem:s2] =	stream.indirect.scatter.add.f32 [tilespmem:s9], [sflag:$0x1], $0x80, s19, s12, $0xb8;
	[tilespmem:$0x1A800] =	vst v63  }
0x80: {  	s19 =	sadd.s32 $0x580, s18  }
0x81: {  	[spmem:s2] =	stream.indirect.scatter.add.f32 [tilespmem:s9], [sflag:$0x1], $0x80, s19, s12, $0xb8;
	[tilespmem:$0x1A800] =	vst v63  }
0x82: {  	s19 =	sadd.s32 $0x600, s18  }
0x83: {  	[spmem:s2] =	stream.indirect.scatter.add.f32 [tilespmem:s9], [sflag:$0x1], $0x80, s19, s12, $0xb8;
	[tilespmem:$0x1A800] =	vst v63  }
0x84: {  	s19 =	sadd.s32 $0x680, s18  }
0x85: {  	[spmem:s2] =	stream.indirect.scatter.add.f32 [tilespmem:s9], [sflag:$0x1], $0x80, s19, s12, $0xb8;
	[tilespmem:$0x1A800] =	vst v63  }
0x86: {  	s19 =	sadd.s32 $0x700, s18  }
0x87: {  	[spmem:s2] =	stream.indirect.scatter.add.f32 [tilespmem:s9], [sflag:$0x1], $0x80, s19, s12, $0xb8;
	[tilespmem:$0x1A800] =	vst v63  }
0x88: {  	s18 =	sadd.s32 $0x780, s18  }
0x89: {  	[spmem:s2] =	stream.indirect.scatter.add.f32 [tilespmem:s9], [sflag:$0x1], $0x80, s18, s12, $0xb8;
	[tilespmem:$0x1A800] =	vst v63  }
0x8a: {  	_ =	swait.ge [sflag:s13], $0x4000  }
0x8b: {  	[sflag:s13] =	ssyncset.done $0x0  }
0x8c: {  	[sflag:s13] =	ssyncadd.s32 $0xFFFFC000  }
0x8d: {  	_ =	swait.ge [sflag:s13], $0x4000  }
0x8e: {  	[sflag:s13] =	ssyncset.done $0x0  }
0x8f: {  	[sflag:s13] =	ssyncadd.s32 $0xFFFFC000  }
0x90: {  	_ =	swait.ge [sflag:s13], $0x4000  }
0x91: {  	[sflag:s13] =	ssyncset.done $0x0  }
0x92: {  	[sflag:s13] =	ssyncadd.s32 $0xFFFFC000  }
0x93: {  	_ =	swait.ge [sflag:s13], $0x4000  }
0x94: {  	[sflag:s13] =	ssyncset.done $0x0  }
0x95: {  	[sflag:s13] =	ssyncadd.s32 $0xFFFFC000  }
0x96: {  	_ =	swait.ge [sflag:s13], $0x4000  }
0x97: {  	[sflag:s13] =	ssyncset.done $0x0  }
0x98: {  	[sflag:s13] =	ssyncadd.s32 $0xFFFFC000  }
0x99: {  	_ =	swait.ge [sflag:s13], $0x4000  }
0x9a: {  	[sflag:s13] =	ssyncset.done $0x0  }
0x9b: {  	[sflag:s13] =	ssyncadd.s32 $0xFFFFC000  }
0x9c: {  	_ =	swait.ge [sflag:s13], $0x4000  }
0x9d: {  	[sflag:s13] =	ssyncset.done $0x0  }
0x9e: {  	[sflag:s13] =	ssyncadd.s32 $0xFFFFC000  }
0x9f: {  	_ =	swait.ge [sflag:s13], $0x4000  }
0xa0: {  	[sflag:s13] =	ssyncset.done $0x0  }
0xa1: {  	[sflag:s13] =	ssyncadd.s32 $0xFFFFC000  }
0xa2: {  	_ =	swait.ge [sflag:s13], $0x4000  }
0xa3: {  	[sflag:s13] =	ssyncset.done $0x0  }
0xa4: {  	[sflag:s13] =	ssyncadd.s32 $0xFFFFC000  }
0xa5: {  	_ =	swait.ge [sflag:s13], $0x4000  }
0xa6: {  	[sflag:s13] =	ssyncset.done $0x0  }
0xa7: {  	[sflag:s13] =	ssyncadd.s32 $0xFFFFC000  }
0xa8: {  	_ =	swait.ge [sflag:s13], $0x4000  }
0xa9: {  	[sflag:s13] =	ssyncset.done $0x0  }
0xaa: {  	[sflag:s13] =	ssyncadd.s32 $0xFFFFC000  }
0xab: {  	_ =	swait.ge [sflag:s13], $0x4000  }
0xac: {  	[sflag:s13] =	ssyncset.done $0x0  }
0xad: {  	[sflag:s13] =	ssyncadd.s32 $0xFFFFC000  }
0xae: {  	_ =	swait.ge [sflag:s13], $0x4000  }
0xaf: {  	[sflag:s13] =	ssyncset.done $0x0  }
0xb0: {  	[sflag:s13] =	ssyncadd.s32 $0xFFFFC000  }
0xb1: {  	_ =	swait.ge [sflag:s13], $0x4000  }
0xb2: {  	[sflag:s13] =	ssyncset.done $0x0  }
0xb3: {  	[sflag:s13] =	ssyncadd.s32 $0xFFFFC000  }
.Ltmp0:
0xb4: {  	_ =	swait.ge [sflag:s13], $0x4000;
	(pc) =	sbr.rel @p0 .LBB2_2-.Ltmp0, $4  }
0xb5: {  	[sflag:s13] =	ssyncset.done $0x0  }
0xb6: {  	[sflag:s13] =	ssyncadd.s32 $0xFFFFC000  }
0xb7: {  	_ =	swait.ge [sflag:s13], $0x4000  }
0xb8: {  	s19 =	smov.u32 s17;
	[sflag:s13] =	ssyncset.done $0x0  }
0xb9: {  	s16 =	sshra.s32 s16, $0x2;
	[sflag:s13] =	ssyncadd.s32 $0xFFFFC000  }
0xba: {  	[spmem:s2] =	stream.indirect.scatter.add.f32 [tilespmem:s9], [sflag:$0x1], $0x80, s16, s12, $0xb8;
	[tilespmem:$0x1A800] =	vst v63  }
0xbb: {  	s17 =	sadd.s32 $0x80, s16  }
0xbc: {  	[spmem:s2] =	stream.indirect.scatter.add.f32 [tilespmem:s9], [sflag:$0x1], $0x80, s17, s12, $0xb8;
	[tilespmem:$0x1A800] =	vst v63  }
0xbd: {  	s18 =	sadd.s32 $0x100, s16  }
0xbe: {  	[spmem:s2] =	stream.indirect.scatter.add.f32 [tilespmem:s9], [sflag:$0x1], $0x80, s18, s12, $0xb8;
	[tilespmem:$0x1A800] =	vst v63  }
0xbf: {  	s19 =	sadd.s32 $0x180, s16  }
0xc0: {  	[spmem:s2] =	stream.indirect.scatter.add.f32 [tilespmem:s9], [sflag:$0x1], $0x80, s19, s12, $0xb8;
	[tilespmem:$0x1A800] =	vst v63  }
0xc1: {  	s20 =	sadd.s32 $0x200, s16  }
0xc2: {  	[spmem:s2] =	stream.indirect.scatter.add.f32 [tilespmem:s9], [sflag:$0x1], $0x80, s20, s12, $0xb8;
	[tilespmem:$0x1A800] =	vst v63  }
0xc3: {  	s21 =	sadd.s32 $0x280, s16  }
0xc4: {  	[spmem:s2] =	stream.indirect.scatter.add.f32 [tilespmem:s9], [sflag:$0x1], $0x80, s21, s12, $0xb8;
	[tilespmem:$0x1A800] =	vst v63  }
0xc5: {  	s22 =	sadd.s32 $0x300, s16  }
0xc6: {  	[spmem:s2] =	stream.indirect.scatter.add.f32 [tilespmem:s9], [sflag:$0x1], $0x80, s22, s12, $0xb8;
	[tilespmem:$0x1A800] =	vst v63  }
0xc7: {  	s23 =	sadd.s32 $0x380, s16  }
0xc8: {  	[spmem:s2] =	stream.indirect.scatter.add.f32 [tilespmem:s9], [sflag:$0x1], $0x80, s23, s12, $0xb8;
	[tilespmem:$0x1A800] =	vst v63  }
0xc9: {  	s24 =	sadd.s32 $0x400, s16  }
0xca: {  	[spmem:s2] =	stream.indirect.scatter.add.f32 [tilespmem:s9], [sflag:$0x1], $0x80, s24, s12, $0xb8;
	[tilespmem:$0x1A800] =	vst v63  }
0xcb: {  	s25 =	sadd.s32 $0x480, s16  }
0xcc: {  	[spmem:s2] =	stream.indirect.scatter.add.f32 [tilespmem:s9], [sflag:$0x1], $0x80, s25, s12, $0xb8;
	[tilespmem:$0x1A800] =	vst v63  }
0xcd: {  	s26 =	sadd.s32 $0x500, s16  }
0xce: {  	[spmem:s2] =	stream.indirect.scatter.add.f32 [tilespmem:s9], [sflag:$0x1], $0x80, s26, s12, $0xb8;
	[tilespmem:$0x1A800] =	vst v63  }
0xcf: {  	s28 =	sadd.s32 $0x580, s16  }
0xd0: {  	[spmem:s2] =	stream.indirect.scatter.add.f32 [tilespmem:s9], [sflag:$0x1], $0x80, s28, s12, $0xb8;
	[tilespmem:$0x1A800] =	vst v63  }
0xd1: {  	s29 =	sadd.s32 $0x600, s16  }
0xd2: {  	[spmem:s2] =	stream.indirect.scatter.add.f32 [tilespmem:s9], [sflag:$0x1], $0x80, s29, s12, $0xb8;
	[tilespmem:$0x1A800] =	vst v63  }
0xd3: {  	s30 =	sadd.s32 $0x680, s16  }
0xd4: {  	[spmem:s2] =	stream.indirect.scatter.add.f32 [tilespmem:s9], [sflag:$0x1], $0x80, s30, s12, $0xb8;
	[tilespmem:$0x1A800] =	vst v63  }
0xd5: {  	s31 =	sadd.s32 $0x700, s16  }
0xd6: {  	[spmem:s2] =	stream.indirect.scatter.add.f32 [tilespmem:s9], [sflag:$0x1], $0x80, s31, s12, $0xb8;
	[tilespmem:$0x1A800] =	vst v63  }
0xd7: {  	s16 =	sadd.s32 $0x780, s16  }
0xd8: {  	[spmem:s2] =	stream.indirect.scatter.add.f32 [tilespmem:s9], [sflag:$0x1], $0x80, s16, s12, $0xb8;
	[tilespmem:$0x1A800] =	vst v63  }
0xd9: {  	_ =	swait.ge [sflag:s13], $0x4000  }
0xda: {  	[sflag:s13] =	ssyncset.done $0x0  }
0xdb: {  	[sflag:s13] =	ssyncadd.s32 $0xFFFFC000  }
0xdc: {  	_ =	swait.ge [sflag:s13], $0x4000  }
0xdd: {  	[sflag:s13] =	ssyncset.done $0x0  }
0xde: {  	[sflag:s13] =	ssyncadd.s32 $0xFFFFC000  }
0xdf: {  	_ =	swait.ge [sflag:s13], $0x4000  }
0xe0: {  	[sflag:s13] =	ssyncset.done $0x0  }
0xe1: {  	[sflag:s13] =	ssyncadd.s32 $0xFFFFC000  }
0xe2: {  	_ =	swait.ge [sflag:s13], $0x4000  }
0xe3: {  	[sflag:s13] =	ssyncset.done $0x0  }
0xe4: {  	[sflag:s13] =	ssyncadd.s32 $0xFFFFC000  }
0xe5: {  	_ =	swait.ge [sflag:s13], $0x4000  }
0xe6: {  	[sflag:s13] =	ssyncset.done $0x0  }
0xe7: {  	[sflag:s13] =	ssyncadd.s32 $0xFFFFC000  }
0xe8: {  	_ =	swait.ge [sflag:s13], $0x4000  }
0xe9: {  	[sflag:s13] =	ssyncset.done $0x0  }
0xea: {  	[sflag:s13] =	ssyncadd.s32 $0xFFFFC000  }
0xeb: {  	_ =	swait.ge [sflag:s13], $0x4000  }
0xec: {  	[sflag:s13] =	ssyncset.done $0x0  }
0xed: {  	[sflag:s13] =	ssyncadd.s32 $0xFFFFC000  }
0xee: {  	_ =	swait.ge [sflag:s13], $0x4000  }
0xef: {  	[sflag:s13] =	ssyncset.done $0x0  }
0xf0: {  	[sflag:s13] =	ssyncadd.s32 $0xFFFFC000  }
0xf1: {  	_ =	swait.ge [sflag:s13], $0x4000  }
0xf2: {  	[sflag:s13] =	ssyncset.done $0x0  }
0xf3: {  	[sflag:s13] =	ssyncadd.s32 $0xFFFFC000  }
0xf4: {  	_ =	swait.ge [sflag:s13], $0x4000  }
0xf5: {  	[sflag:s13] =	ssyncset.done $0x0  }
0xf6: {  	[sflag:s13] =	ssyncadd.s32 $0xFFFFC000  }
0xf7: {  	_ =	swait.ge [sflag:s13], $0x4000  }
0xf8: {  	[sflag:s13] =	ssyncset.done $0x0  }
0xf9: {  	[sflag:s13] =	ssyncadd.s32 $0xFFFFC000  }
0xfa: {  	_ =	swait.ge [sflag:s13], $0x4000  }
0xfb: {  	[sflag:s13] =	ssyncset.done $0x0  }
0xfc: {  	[sflag:s13] =	ssyncadd.s32 $0xFFFFC000  }
0xfd: {  	_ =	swait.ge [sflag:s13], $0x4000  }
0xfe: {  	[sflag:s13] =	ssyncset.done $0x0  }
0xff: {  	[sflag:s13] =	ssyncadd.s32 $0xFFFFC000  }
0x100: {  	_ =	swait.ge [sflag:s13], $0x4000  }
0x101: {  	[sflag:s13] =	ssyncset.done $0x0  }
0x102: {  	[sflag:s13] =	ssyncadd.s32 $0xFFFFC000  }
0x103: {  	_ =	swait.ge [sflag:s13], $0x4000  }
0x104: {  	[sflag:s13] =	ssyncset.done $0x0  }
0x105: {  	[sflag:s13] =	ssyncadd.s32 $0xFFFFC000  }
0x106: {  	_ =	swait.ge [sflag:s13], $0x4000  }
0x107: {  	s15 =	sadd.s32 $0x1, s15;
	[sflag:s13] =	ssyncset.done $0x0  }
0x108: {  	p0 =	sne.s32 s15, s7;
	[sflag:s13] =	ssyncadd.s32 $0xFFFFC000  }
.Ltmp1:
0x109: {  	[bflag:$0x0] =	sbarrier.arrive $0xFFFF;
	(pc) =	sbr.rel @p0 .LBB2_1-.Ltmp1, $4  }
0x10a: {  	[hbm:s14], [sflag:s10] =	dma.local [spmem:s11], $0x2800  }
0x10b: {  	_ =	swait.ge [sflag:s8], $0x2800  }
0x10c: {  	[sflag:s8] =	ssyncset.done $0x0  }
0x10d: {  	[sflag:s8] =	ssyncadd.s32 $0xFFFFD800  }
0x10e: {  	_ =	sfence.sel $0x180000  }
0x10f: {  	[bflag:$0x0] =	sbarrier.arrive $0xFFFF  }
0x110: {  	p0 =	sne.s32 s0, $0x0;
	_ =	strace $0x90000047  }
0x111: {  	s0 =	sadd.s32 @!p0 $0x100000, s1;
	[bflag:$0x2] =	sbarrier.arrive $0xFFFF  }
0x112: {  	[sflag:s0] =	ssyncadd.tile.s32 @!p0 $0x1;
	_ =	shalt  }
.Lfunc_end2:
_tile_overlayer_lowered:
.L_overlay_start_2:
0x113: {  	(tag) =	ssettag $0x2  }
0x114: {  	s0 =	rddreg [dreg:$0x0];
	s2 =	stileid.u32  }
0x115: {  	s1 =	rddreg [dreg:$0x1];
	p0 =	sne.s32 s2, $0x0  }
0x116: {  	s3 =	rddreg [dreg:$0x2];
	[bflag:$0x3] =	sbarrier.arrive $0xFFFF;
	s2 =	simm.s32 @!p0 $0x1C02  }
0x117: {  	[timem:s3], [sflag:s2] =	dma.local @!p0 [hbm:s0], s1  }
0x118: {  	s0 =	simm.s32 @!p0 $0x2  }
0x119: {  	_ =	swait.ge @!p0 [sflag:s0], s1  }
0x11a: {  	s1 =	ssub.s32 @!p0 $0x0, s1;
	[sflag:s0] =	ssyncset.done @!p0 $0x0  }
0x11b: {  	[sflag:s0] =	ssyncadd.s32 @!p0 s1  }
0x11c: {  	[bflag:$0x3] =	sbarrier.arrive $0xFFFF  }
0x11d: {  	_ =	shalt  }

</sc_bundles>
